<compile_context>
chip_gen: v7x
topology: tpu7x:2x2x1
jax: 0.10.2.dev20260603
libtpu: 0.0.44.dev20260713+nightly
codegen_flags: <defaults>
</compile_context>

<pallas_src>
import functools

import jax
import jax.numpy as jnp
from jax import lax
from jax.experimental import pallas as pl
from jax.experimental.pallas import tpu as pltpu
from jax.experimental.pallas import tpu_sc as plsc

NC = 2
NS = 16
LN = 16
K = 64
def _mm2_body(h_ref, w1_ref, w2_ref, o1_ref, o2_ref):
    x = h_ref[...]
    dn = (((1,), (1,)), ((), ()))
    o1_ref[...] = lax.dot_general(x, w1_ref[...], dn,
                                  preferred_element_type=jnp.float32)
    o2_ref[...] = lax.dot_general(x, w2_ref[...], dn,
                                  preferred_element_type=jnp.float32)


def _update_body(h_ref, hu_ref, agg_ref, wb_ref, b_ref, g_ref, be_ref, o_ref):
    dn = (((1,), (1,)), ((), ()))
    u = hu_ref[...] + lax.dot_general(agg_ref[...], wb_ref[...], dn,
                                      preferred_element_type=jnp.float32)
    u = jnp.maximum(u + b_ref[...], 0.0)
    x = h_ref[...] + u
    mu = jnp.mean(x, axis=-1, keepdims=True)
    var = jnp.mean(jnp.square(x - mu), axis=-1, keepdims=True)
    o_ref[...] = (x - mu) * lax.rsqrt(var + 1e-5) * g_ref[...] + be_ref[...]


NBUF = 3


def _make_sc_kernel(N, D, R, CH, ACC_ROWS):
    NSEG = D // LN
    STRIPE = ACC_ROWS // NS
    ZFULL, ZREM = STRIPE // K, STRIPE % K
    S_OUT = (N // (8 * NS)) * 8
    TAIL = N - NS * S_OUT
    mesh = plsc.VectorSubcoreMesh(core_axis_name="c", subcore_axis_name="s")

    @functools.partial(
        pl.kernel,
        out_type=jax.ShapeDtypeStruct((NC, N, D), jnp.float32),
        mesh=mesh,
        scratch_types=[
            pltpu.VMEM_SHARED((ACC_ROWS, D), jnp.float32),
            [pltpu.VMEM((3, K), jnp.int32) for _ in range(NBUF)],
            [pltpu.VMEM((K, D), jnp.float32) for _ in range(NBUF)],
            [pltpu.VMEM((K, D), jnp.float32) for _ in range(NBUF)],
            [pltpu.SemaphoreType.DMA for _ in range(NBUF)],
            [pltpu.SemaphoreType.DMA for _ in range(NBUF)],
            [pltpu.SemaphoreType.DMA for _ in range(NBUF)],
        ],
    )
    def sc_kernel(hw_hbm, idx_hbm, rexp_hbm, out_hbm,
                  acc, ibuf, rows, rrows, isem, gsem, ssem):
        c = lax.axis_index("c")
        s = lax.axis_index("s")

        @pl.loop(0, K)
        def _(e):
            for j in range(NSEG):
                rows[0][e, pl.ds(j * LN, LN)] = jnp.zeros((LN,), jnp.float32)
        for i in range(ZFULL):
            pltpu.sync_copy(rows[0], acc.at[pl.ds(s * STRIPE + i * K, K)])
        if ZREM:
            pltpu.sync_copy(rows[0].at[pl.ds(0, ZREM)],
                            acc.at[pl.ds(s * STRIPE + ZFULL * K, ZREM)])
        plsc.subcore_barrier()

        cbase = s * CH
        base_off = (c * N).astype(jnp.int32)
        rel_off = ((c * NS + s) * R).astype(jnp.int32)

        def issue_idx(ch, b):
            pltpu.async_copy(idx_hbm.at[cbase + ch], ibuf[b], isem[b])

        def prep_gather(ch, b):
            pltpu.make_async_copy(idx_hbm.at[cbase], ibuf[b], isem[b]).wait()
            for j in range(K // LN):
                ibuf[b][0, pl.ds(j * LN, LN)] = (
                    ibuf[b][0, pl.ds(j * LN, LN)] + base_off)
                ibuf[b][2, pl.ds(j * LN, LN)] = (
                    ibuf[b][2, pl.ds(j * LN, LN)] + rel_off)
            pltpu.async_copy(hw_hbm.at[ibuf[b].at[0]], rows[b], gsem[b])
            pltpu.async_copy(rexp_hbm.at[ibuf[b].at[2]], rrows[b], gsem[b])

        def wait_scatter(b):
            pltpu.make_async_copy(
                rows[b], acc.at[ibuf[b].at[1]], ssem[b]).wait()

        issue_idx(0, 0)
        issue_idx(1, 1)
        prep_gather(0, 0)

        @pl.loop(0, CH, step=NBUF)
        def _(ch0):
            for b in range(NBUF):
                ch = ch0 + b
                b2 = (b + 2) % NBUF

                @pl.when(ch + 2 < CH)
                def _():
                    @pl.when(ch >= 1)
                    def _():
                        wait_scatter(b2)
                    issue_idx(ch + 2, b2)

                @pl.when(ch + 1 < CH)
                def _():
                    prep_gather(ch + 1, (b + 1) % NBUF)

                pltpu.make_async_copy(
                    hw_hbm.at[ibuf[b].at[0]], rows[b], gsem[b]).wait()
                pltpu.make_async_copy(
                    hw_hbm.at[ibuf[b].at[0]], rrows[b], gsem[b]).wait()

                @pl.loop(0, K, unroll=2)
                def _(e):
                    for j in range(NSEG):
                        rows[b][e, pl.ds(j * LN, LN)] = (
                            rows[b][e, pl.ds(j * LN, LN)]
                            * rrows[b][e, pl.ds(j * LN, LN)])

                pltpu.async_copy(rows[b], acc.at[ibuf[b].at[1]], ssem[b],
                                 add=True)

        for b in range(NBUF):
            wait_scatter(b)
        plsc.subcore_barrier()
        pltpu.sync_copy(acc.at[pl.ds(s * S_OUT, S_OUT)],
                        out_hbm.at[c, pl.ds(s * S_OUT, S_OUT)])
        if TAIL:
            @pl.when(s == 0)
            def _():
                pltpu.sync_copy(acc.at[pl.ds(NS * S_OUT, TAIL)],
                                out_hbm.at[c, pl.ds(NS * S_OUT, TAIL)])

    return sc_kernel


def kernel(h, edge_src, edge_tgt, edge_rel, nE, msg_W, rel_emb, update_W,
           update_b, ln_gamma, ln_beta):
    B, N, D = h.shape
    E = edge_src.shape[0]
    BLK = 1000
    h2d = h.reshape(B * N, D)

    Wa = update_W[:, :D]
    Wb = update_W[:, D:]
    grid = (B * N // BLK,)
    hW, hU = pl.pallas_call(
        _mm2_body,
        grid=grid,
        in_specs=[
            pl.BlockSpec((BLK, D), lambda i: (i, 0)),
            pl.BlockSpec((D, D), lambda i: (0, 0)),
            pl.BlockSpec((D, D), lambda i: (0, 0)),
        ],
        out_specs=[
            pl.BlockSpec((BLK, D), lambda i: (i, 0)),
            pl.BlockSpec((BLK, D), lambda i: (i, 0)),
        ],
        out_shape=[
            jax.ShapeDtypeStruct((B * N, D), jnp.float32),
            jax.ShapeDtypeStruct((B * N, D), jnp.float32),
        ],
    )(h2d, msg_W, Wa)

    EPT_raw = E // NS
    CH = NBUF * (-(-(-(-EPT_raw // K)) // NBUF))
    EPT = CH * K
    pad = EPT - EPT_raw
    ACC_ROWS = -(-(N + 1) // NS) * NS

    def _pad_edges(x, fill):
        x = x.astype(jnp.int32).reshape(NS, EPT_raw)
        return jnp.pad(x, ((0, 0), (0, pad)), constant_values=fill)

    idxpack = jnp.stack(
        [_pad_edges(edge_src, 0),
         _pad_edges(edge_tgt, N),
         _pad_edges(edge_rel, 0)], axis=1,
    ).reshape(NS, 3, CH, K).transpose(0, 2, 1, 3).reshape(NS * CH, 3, K)

    R = rel_emb.shape[0]
    rel_rep = jnp.tile(rel_emb, (NC * NS, 1))
    sc = _make_sc_kernel(N, D, R, CH, ACC_ROWS)
    h_agg = sc(hW, idxpack, rel_rep)
    h_agg2d = h_agg.reshape(B * N, D)

    out = pl.pallas_call(
        _update_body,
        grid=grid,
        in_specs=[
            pl.BlockSpec((BLK, D), lambda i: (i, 0)),
            pl.BlockSpec((BLK, D), lambda i: (i, 0)),
            pl.BlockSpec((BLK, D), lambda i: (i, 0)),
            pl.BlockSpec((D, D), lambda i: (0, 0)),
            pl.BlockSpec((1, D), lambda i: (0, 0)),
            pl.BlockSpec((1, D), lambda i: (0, 0)),
            pl.BlockSpec((1, D), lambda i: (0, 0)),
        ],
        out_specs=pl.BlockSpec((BLK, D), lambda i: (i, 0)),
        out_shape=jax.ShapeDtypeStruct((B * N, D), jnp.float32),
    )(h2d, hU, h_agg2d, Wb, update_b.reshape(1, D), ln_gamma.reshape(1, D),
      ln_beta.reshape(1, D))
    return out.reshape(B, N, D)

# --- scband reference (transcript-rebuilt; emitter-appended) ---
"""Pipeline reference for scband-vanilla-bellman-ford-layer-3745211482942 (READ-ONLY COPY).

The authoritative reference and input builder live on the scoring server;
editing this copy changes nothing except your own understanding.
"""

import jax, jax.numpy as jnp
import numpy as np

HIDDEN_DIM = 128
NUM_RELATIONS = 64
B, N, E = 2, 10000, 320000

def setup_inputs(seed: int = 0) -> dict:
    key = jax.random.key(seed)
    ks = jax.random.split(key, 10)
    h = jax.random.normal(ks[0], (B, N, HIDDEN_DIM), dtype=jnp.float32)
    edge_src = jax.random.randint(ks[1], (E,), 0, N, dtype=jnp.int64 if jax.config.jax_enable_x64 else jnp.int32)
    edge_tgt = jax.random.randint(ks[2], (E,), 0, N, dtype=jnp.int64 if jax.config.jax_enable_x64 else jnp.int32)
    edge_rel = jax.random.randint(ks[3], (E,), 0, NUM_RELATIONS, dtype=jnp.int64 if jax.config.jax_enable_x64 else jnp.int32)
    # learned parameters (torch nn.Linear weight is [out, in]; kaiming-ish init)
    msg_W = jax.random.normal(ks[4], (HIDDEN_DIM, HIDDEN_DIM), dtype=jnp.float32) * (1.0 / np.sqrt(HIDDEN_DIM))
    rel_emb = jax.random.normal(ks[5], (NUM_RELATIONS, HIDDEN_DIM), dtype=jnp.float32)
    update_W = jax.random.normal(ks[6], (HIDDEN_DIM, 2 * HIDDEN_DIM), dtype=jnp.float32) * (1.0 / np.sqrt(2 * HIDDEN_DIM))
    update_b = jnp.zeros((HIDDEN_DIM,), dtype=jnp.float32)
    ln_gamma = jnp.ones((HIDDEN_DIM,), dtype=jnp.float32)
    ln_beta = jnp.zeros((HIDDEN_DIM,), dtype=jnp.float32)
    return {
        "h": h,
        "edge_src": edge_src,
        "edge_tgt": edge_tgt,
        "edge_rel": edge_rel,
        "nE": N,
        "msg_W": msg_W,
        "rel_emb": rel_emb,
        "update_W": update_W,
        "update_b": update_b,
        "ln_gamma": ln_gamma,
        "ln_beta": ln_beta,
    }

def _layer_norm(x, gamma, beta, eps=1e-5):
    mu = jnp.mean(x, axis=-1, keepdims=True)
    var = jnp.mean(jnp.square(x - mu), axis=-1, keepdims=True)
    return (x - mu) * jax.lax.rsqrt(var + eps) * gamma + beta

def reference(h, edge_src, edge_tgt, edge_rel, nE, msg_W, rel_emb, update_W, update_b, ln_gamma, ln_beta):
    batch_size, n_nodes, dim = h.shape
    # relation embedding lookup (gather)
    r = jnp.take(rel_emb, edge_rel, axis=0)              # [E, dim]
    # source-node gather
    h_src = h[:, edge_src]                               # [B, E, dim]
    # message: linear (no bias) * relation embedding
    msg = jnp.einsum('bed,od->beo', h_src, msg_W) * r[None]  # [B, E, dim]
    # scatter-add into destination nodes
    h_agg = jnp.zeros((batch_size, n_nodes, dim), dtype=h.dtype) * jnp.asarray(nE, dtype=h.dtype)
    h_agg = h_agg.at[:, edge_tgt, :].add(msg)            # [B, nE, dim]
    # update MLP + residual + layernorm
    cat = jnp.concatenate([h, h_agg], axis=-1)           # [B, N, 2*dim]
    upd = jax.nn.relu(jnp.einsum('bnd,od->bno', cat, update_W) + update_b)
    h_new = _layer_norm(h + upd, ln_gamma, ln_beta)
    return h_new

if __name__ == "__main__":
    import jax
    _d = setup_inputs()
    print(jax.jit(kernel)(*tuple(_d.values())))

</pallas_src>

<mosaic_0001>
#map = affine_map<(d0, d1) -> (0, 0)>
#map1 = affine_map<(d0, d1) -> (0, 0, 0)>
module attributes {stable_mosaic.version = 14 : i64} {
  func.func @sc_kernel(%arg0: i32, %arg1: i32, %arg2: memref<20000x128xf32, #tpu.memory_space<hbm>>, %arg3: memref<5040x3x64xi32, #tpu.memory_space<hbm>>, %arg4: memref<2048x128xf32, #tpu.memory_space<hbm>>, %arg5: memref<2x10000x128xf32, #tpu.memory_space<hbm>>, %arg6: memref<10016x128xf32, #tpu.memory_space<vmem_shared>>, %arg7: memref<3x64xi32, #tpu.memory_space<vmem>>, %arg8: memref<3x64xi32, #tpu.memory_space<vmem>>, %arg9: memref<3x64xi32, #tpu.memory_space<vmem>>, %arg10: memref<64x128xf32, #tpu.memory_space<vmem>>, %arg11: memref<64x128xf32, #tpu.memory_space<vmem>>, %arg12: memref<64x128xf32, #tpu.memory_space<vmem>>, %arg13: memref<64x128xf32, #tpu.memory_space<vmem>>, %arg14: memref<64x128xf32, #tpu.memory_space<vmem>>, %arg15: memref<64x128xf32, #tpu.memory_space<vmem>>, %arg16: memref<!tpu.dma_semaphore, #tpu.memory_space<semaphore_mem>>, %arg17: memref<!tpu.dma_semaphore, #tpu.memory_space<semaphore_mem>>, %arg18: memref<!tpu.dma_semaphore, #tpu.memory_space<semaphore_mem>>, %arg19: memref<!tpu.dma_semaphore, #tpu.memory_space<semaphore_mem>>, %arg20: memref<!tpu.dma_semaphore, #tpu.memory_space<semaphore_mem>>, %arg21: memref<!tpu.dma_semaphore, #tpu.memory_space<semaphore_mem>>, %arg22: memref<!tpu.dma_semaphore, #tpu.memory_space<semaphore_mem>>, %arg23: memref<!tpu.dma_semaphore, #tpu.memory_space<semaphore_mem>>, %arg24: memref<!tpu.dma_semaphore, #tpu.memory_space<semaphore_mem>>) attributes {dimension_semantics = [#tpu.dimension_semantics<core_parallel>, #tpu.dimension_semantics<subcore_parallel>], iteration_bounds = array<i64: 2, 16>, scalar_prefetch = 0 : i64, scratch_operands = 19 : i64, tpu.core_type = #tpu.core_type<sc_vector_subcore>, window_params = [{transform_indices = #map}, {transform_indices = #map1}, {transform_indices = #map}, {transform_indices = #map1}]} {
    %scan3A = arith.constant 0 : i32
    %scan3A_0 = arith.constant 64 : i32
    %scan3A_1 = arith.addi %scan3A, %scan3A_0 : i32
    %scan3A_2 = arith.constant 1 : i32
    scf.for %scan3A_226 = %scan3A to %scan3A_1 step %scan3A_2  : i32 {
      %mul3A_227 = arith.constant 1 : i32
      %mul3A_228 = arith.muli %scan3A_226, %mul3A_227 : i32
      %add3A_229 = arith.constant 0 : i32
      %add3A_230 = arith.addi %add3A_229, %mul3A_228 : i32
      %broadcast_in_dim3A = arith.constant 0.000000e+00 : f32
      %broadcast_in_dim3A_231 = vector.broadcast %broadcast_in_dim3A : f32 to vector<16xf32>
      %swap3A_232 = arith.index_cast %add3A_230 : i32 to index
      %swap3A_233 = arith.constant 0 : index
      %swap3A_234 = tpu.vector_load %arg10[%swap3A_232, %swap3A_233] {strides = array<i32>} : memref<64x128xf32, #tpu.memory_space<vmem>>, vector<1x16xf32>,
      %swap3A_235 = vector.shape_cast %swap3A_234 : vector<1x16xf32> to vector<16xf32>
      %swap3A_236 = vector.shape_cast %broadcast_in_dim3A_231 : vector<16xf32> to vector<1x16xf32>
      tpu.vector_store %arg10[%swap3A_232, %swap3A_233], %swap3A_236 {strides = array<i32>} : memref<64x128xf32, #tpu.memory_space<vmem>>, vector<1x16xf32>,
      %broadcast_in_dim3A_237 = arith.constant 0.000000e+00 : f32
      %broadcast_in_dim3A_238 = vector.broadcast %broadcast_in_dim3A_237 : f32 to vector<16xf32>
      %swap3A_239 = arith.index_cast %add3A_230 : i32 to index
      %swap3A_240 = arith.constant 16 : index
      %swap3A_241 = tpu.vector_load %arg10[%swap3A_239, %swap3A_240] {strides = array<i32>} : memref<64x128xf32, #tpu.memory_space<vmem>>, vector<1x16xf32>,
      %swap3A_242 = vector.shape_cast %swap3A_241 : vector<1x16xf32> to vector<16xf32>
      %swap3A_243 = vector.shape_cast %broadcast_in_dim3A_238 : vector<16xf32> to vector<1x16xf32>
      tpu.vector_store %arg10[%swap3A_239, %swap3A_240], %swap3A_243 {strides = array<i32>} : memref<64x128xf32, #tpu.memory_space<vmem>>, vector<1x16xf32>,
      %broadcast_in_dim3A_244 = arith.constant 0.000000e+00 : f32
      %broadcast_in_dim3A_245 = vector.broadcast %broadcast_in_dim3A_244 : f32 to vector<16xf32>
      %swap3A_246 = arith.index_cast %add3A_230 : i32 to index
      %swap3A_247 = arith.constant 32 : index
      %swap3A_248 = tpu.vector_load %arg10[%swap3A_246, %swap3A_247] {strides = array<i32>} : memref<64x128xf32, #tpu.memory_space<vmem>>, vector<1x16xf32>,
      %swap3A_249 = vector.shape_cast %swap3A_248 : vector<1x16xf32> to vector<16xf32>
      %swap3A_250 = vector.shape_cast %broadcast_in_dim3A_245 : vector<16xf32> to vector<1x16xf32>
      tpu.vector_store %arg10[%swap3A_246, %swap3A_247], %swap3A_250 {strides = array<i32>} : memref<64x128xf32, #tpu.memory_space<vmem>>, vector<1x16xf32>,
      %broadcast_in_dim3A_251 = arith.constant 0.000000e+00 : f32
      %broadcast_in_dim3A_252 = vector.broadcast %broadcast_in_dim3A_251 : f32 to vector<16xf32>
      %swap3A_253 = arith.index_cast %add3A_230 : i32 to index
      %swap3A_254 = arith.constant 48 : index
      %swap3A_255 = tpu.vector_load %arg10[%swap3A_253, %swap3A_254] {strides = array<i32>} : memref<64x128xf32, #tpu.memory_space<vmem>>, vector<1x16xf32>,
      %swap3A_256 = vector.shape_cast %swap3A_255 : vector<1x16xf32> to vector<16xf32>
      %swap3A_257 = vector.shape_cast %broadcast_in_dim3A_252 : vector<16xf32> to vector<1x16xf32>
      tpu.vector_store %arg10[%swap3A_253, %swap3A_254], %swap3A_257 {strides = array<i32>} : memref<64x128xf32, #tpu.memory_space<vmem>>, vector<1x16xf32>,
      %broadcast_in_dim3A_258 = arith.constant 0.000000e+00 : f32
      %broadcast_in_dim3A_259 = vector.broadcast %broadcast_in_dim3A_258 : f32 to vector<16xf32>
      %swap3A_260 = arith.index_cast %add3A_230 : i32 to index
      %swap3A_261 = arith.constant 64 : index
      %swap3A_262 = tpu.vector_load %arg10[%swap3A_260, %swap3A_261] {strides = array<i32>} : memref<64x128xf32, #tpu.memory_space<vmem>>, vector<1x16xf32>,
      %swap3A_263 = vector.shape_cast %swap3A_262 : vector<1x16xf32> to vector<16xf32>
      %swap3A_264 = vector.shape_cast %broadcast_in_dim3A_259 : vector<16xf32> to vector<1x16xf32>
      tpu.vector_store %arg10[%swap3A_260, %swap3A_261], %swap3A_264 {strides = array<i32>} : memref<64x128xf32, #tpu.memory_space<vmem>>, vector<1x16xf32>,
      %broadcast_in_dim3A_265 = arith.constant 0.000000e+00 : f32
      %broadcast_in_dim3A_266 = vector.broadcast %broadcast_in_dim3A_265 : f32 to vector<16xf32>
      %swap3A_267 = arith.index_cast %add3A_230 : i32 to index
      %swap3A_268 = arith.constant 80 : index
      %swap3A_269 = tpu.vector_load %arg10[%swap3A_267, %swap3A_268] {strides = array<i32>} : memref<64x128xf32, #tpu.memory_space<vmem>>, vector<1x16xf32>,
      %swap3A_270 = vector.shape_cast %swap3A_269 : vector<1x16xf32> to vector<16xf32>
      %swap3A_271 = vector.shape_cast %broadcast_in_dim3A_266 : vector<16xf32> to vector<1x16xf32>
      tpu.vector_store %arg10[%swap3A_267, %swap3A_268], %swap3A_271 {strides = array<i32>} : memref<64x128xf32, #tpu.memory_space<vmem>>, vector<1x16xf32>,
      %broadcast_in_dim3A_272 = arith.constant 0.000000e+00 : f32
      %broadcast_in_dim3A_273 = vector.broadcast %broadcast_in_dim3A_272 : f32 to vector<16xf32>
      %swap3A_274 = arith.index_cast %add3A_230 : i32 to index
      %swap3A_275 = arith.constant 96 : index
      %swap3A_276 = tpu.vector_load %arg10[%swap3A_274, %swap3A_275] {strides = array<i32>} : memref<64x128xf32, #tpu.memory_space<vmem>>, vector<1x16xf32>,
      %swap3A_277 = vector.shape_cast %swap3A_276 : vector<1x16xf32> to vector<16xf32>
      %swap3A_278 = vector.shape_cast %broadcast_in_dim3A_273 : vector<16xf32> to vector<1x16xf32>
      tpu.vector_store %arg10[%swap3A_274, %swap3A_275], %swap3A_278 {strides = array<i32>} : memref<64x128xf32, #tpu.memory_space<vmem>>, vector<1x16xf32>,
      %broadcast_in_dim3A_279 = arith.constant 0.000000e+00 : f32
      %broadcast_in_dim3A_280 = vector.broadcast %broadcast_in_dim3A_279 : f32 to vector<16xf32>
      %swap3A_281 = arith.index_cast %add3A_230 : i32 to index
      %swap3A_282 = arith.constant 112 : index
      %swap3A_283 = tpu.vector_load %arg10[%swap3A_281, %swap3A_282] {strides = array<i32>} : memref<64x128xf32, #tpu.memory_space<vmem>>, vector<1x16xf32>,
      %swap3A_284 = vector.shape_cast %swap3A_283 : vector<1x16xf32> to vector<16xf32>
      %swap3A_285 = vector.shape_cast %broadcast_in_dim3A_280 : vector<16xf32> to vector<1x16xf32>
      tpu.vector_store %arg10[%swap3A_281, %swap3A_282], %swap3A_285 {strides = array<i32>} : memref<64x128xf32, #tpu.memory_space<vmem>>, vector<1x16xf32>,
    }
    %scan3A_3 = arith.constant 64 : i32
    %mul3A = arith.constant 626 : i32
    %mul3A_4 = arith.muli %arg1, %mul3A : i32
    %add3A = arith.constant 0 : i32
    %add3A_5 = arith.addi %mul3A_4, %add3A : i32
    "tpu.region"() ({
      %run_scoped3A = tpu.sem_alloc : memref<!tpu.dma_semaphore, #tpu.memory_space<semaphore_mem>>
      %dma_start3A_226 = arith.constant 0 : i32
      %dma_start3A_227 = tpu.memref_slice %arg6[%add3A_5, %dma_start3A_226] : memref<10016x128xf32, #tpu.memory_space<vmem_shared>> -> memref<64x128xf32, #tpu.memory_space<vmem_shared>>
      %dma_start3A_228 = arith.constant 0 : i32
      %dma_start3A_229 = tpu.memref_slice %arg6[%add3A_5, %dma_start3A_228] : memref<10016x128xf32, #tpu.memory_space<vmem_shared>> -> memref<64x128xf32, #tpu.memory_space<vmem_shared>>
      tpu.enqueue_dma source(%arg10 : memref<64x128xf32, #tpu.memory_space<vmem>>) target(%dma_start3A_229 : memref<64x128xf32, #tpu.memory_space<vmem_shared>>) target_semaphore(%run_scoped3A : memref<!tpu.dma_semaphore, #tpu.memory_space<semaphore_mem>>)
      %dma_wait3A_230 = arith.constant 0 : i32
      %dma_wait3A_231 = tpu.memref_slice %arg6[%add3A_5, %dma_wait3A_230] : memref<10016x128xf32, #tpu.memory_space<vmem_shared>> -> memref<64x128xf32, #tpu.memory_space<vmem_shared>>
      %dma_wait3A_232 = arith.constant 0 : i32
      %dma_wait3A_233 = tpu.memref_slice %arg6[%add3A_5, %dma_wait3A_232] : memref<10016x128xf32, #tpu.memory_space<vmem_shared>> -> memref<64x128xf32, #tpu.memory_space<vmem_shared>>
      tpu.wait_dma2 semaphore(%run_scoped3A : memref<!tpu.dma_semaphore, #tpu.memory_space<semaphore_mem>>) src(%arg10 : memref<64x128xf32, #tpu.memory_space<vmem>>) dst(%dma_wait3A_233 : memref<64x128xf32, #tpu.memory_space<vmem_shared>>)
      tpu.yield
    }) : () -> ()
    %mul3A_6 = arith.constant 626 : i32
    %mul3A_7 = arith.muli %arg1, %mul3A_6 : i32
    %add3A_8 = arith.constant 64 : i32
    %add3A_9 = arith.addi %mul3A_7, %add3A_8 : i32
    "tpu.region"() ({
      %run_scoped3A = tpu.sem_alloc : memref<!tpu.dma_semaphore, #tpu.memory_space<semaphore_mem>>
      %dma_start3A_226 = arith.constant 0 : i32
      %dma_start3A_227 = tpu.memref_slice %arg6[%add3A_9, %dma_start3A_226] : memref<10016x128xf32, #tpu.memory_space<vmem_shared>> -> memref<64x128xf32, #tpu.memory_space<vmem_shared>>
      %dma_start3A_228 = arith.constant 0 : i32
      %dma_start3A_229 = tpu.memref_slice %arg6[%add3A_9, %dma_start3A_228] : memref<10016x128xf32, #tpu.memory_space<vmem_shared>> -> memref<64x128xf32, #tpu.memory_space<vmem_shared>>
      tpu.enqueue_dma source(%arg10 : memref<64x128xf32, #tpu.memory_space<vmem>>) target(%dma_start3A_229 : memref<64x128xf32, #tpu.memory_space<vmem_shared>>) target_semaphore(%run_scoped3A : memref<!tpu.dma_semaphore, #tpu.memory_space<semaphore_mem>>)
      %dma_wait3A_230 = arith.constant 0 : i32
      %dma_wait3A_231 = tpu.memref_slice %arg6[%add3A_9, %dma_wait3A_230] : memref<10016x128xf32, #tpu.memory_space<vmem_shared>> -> memref<64x128xf32, #tpu.memory_space<vmem_shared>>
      %dma_wait3A_232 = arith.constant 0 : i32
      %dma_wait3A_233 = tpu.memref_slice %arg6[%add3A_9, %dma_wait3A_232] : memref<10016x128xf32, #tpu.memory_space<vmem_shared>> -> memref<64x128xf32, #tpu.memory_space<vmem_shared>>
      tpu.wait_dma2 semaphore(%run_scoped3A : memref<!tpu.dma_semaphore, #tpu.memory_space<semaphore_mem>>) src(%arg10 : memref<64x128xf32, #tpu.memory_space<vmem>>) dst(%dma_wait3A_233 : memref<64x128xf32, #tpu.memory_space<vmem_shared>>)
      tpu.yield
    }) : () -> ()
    %mul3A_10 = arith.constant 626 : i32
    %mul3A_11 = arith.muli %arg1, %mul3A_10 : i32
    %add3A_12 = arith.constant 128 : i32
    %add3A_13 = arith.addi %mul3A_11, %add3A_12 : i32
    "tpu.region"() ({
      %run_scoped3A = tpu.sem_alloc : memref<!tpu.dma_semaphore, #tpu.memory_space<semaphore_mem>>
      %dma_start3A_226 = arith.constant 0 : i32
      %dma_start3A_227 = tpu.memref_slice %arg6[%add3A_13, %dma_start3A_226] : memref<10016x128xf32, #tpu.memory_space<vmem_shared>> -> memref<64x128xf32, #tpu.memory_space<vmem_shared>>
      %dma_start3A_228 = arith.constant 0 : i32
      %dma_start3A_229 = tpu.memref_slice %arg6[%add3A_13, %dma_start3A_228] : memref<10016x128xf32, #tpu.memory_space<vmem_shared>> -> memref<64x128xf32, #tpu.memory_space<vmem_shared>>
      tpu.enqueue_dma source(%arg10 : memref<64x128xf32, #tpu.memory_space<vmem>>) target(%dma_start3A_229 : memref<64x128xf32, #tpu.memory_space<vmem_shared>>) target_semaphore(%run_scoped3A : memref<!tpu.dma_semaphore, #tpu.memory_space<semaphore_mem>>)
      %dma_wait3A_230 = arith.constant 0 : i32
      %dma_wait3A_231 = tpu.memref_slice %arg6[%add3A_13, %dma_wait3A_230] : memref<10016x128xf32, #tpu.memory_space<vmem_shared>> -> memref<64x128xf32, #tpu.memory_space<vmem_shared>>
      %dma_wait3A_232 = arith.constant 0 : i32
      %dma_wait3A_233 = tpu.memref_slice %arg6[%add3A_13, %dma_wait3A_232] : memref<10016x128xf32, #tpu.memory_space<vmem_shared>> -> memref<64x128xf32, #tpu.memory_space<vmem_shared>>
      tpu.wait_dma2 semaphore(%run_scoped3A : memref<!tpu.dma_semaphore, #tpu.memory_space<semaphore_mem>>) src(%arg10 : memref<64x128xf32, #tpu.memory_space<vmem>>) dst(%dma_wait3A_233 : memref<64x128xf32, #tpu.memory_space<vmem_shared>>)
      tpu.yield
    }) : () -> ()
    %mul3A_14 = arith.constant 626 : i32
    %mul3A_15 = arith.muli %arg1, %mul3A_14 : i32
    %add3A_16 = arith.constant 192 : i32
    %add3A_17 = arith.addi %mul3A_15, %add3A_16 : i32
    "tpu.region"() ({
      %run_scoped3A = tpu.sem_alloc : memref<!tpu.dma_semaphore, #tpu.memory_space<semaphore_mem>>
      %dma_start3A_226 = arith.constant 0 : i32
      %dma_start3A_227 = tpu.memref_slice %arg6[%add3A_17, %dma_start3A_226] : memref<10016x128xf32, #tpu.memory_space<vmem_shared>> -> memref<64x128xf32, #tpu.memory_space<vmem_shared>>
      %dma_start3A_228 = arith.constant 0 : i32
      %dma_start3A_229 = tpu.memref_slice %arg6[%add3A_17, %dma_start3A_228] : memref<10016x128xf32, #tpu.memory_space<vmem_shared>> -> memref<64x128xf32, #tpu.memory_space<vmem_shared>>
      tpu.enqueue_dma source(%arg10 : memref<64x128xf32, #tpu.memory_space<vmem>>) target(%dma_start3A_229 : memref<64x128xf32, #tpu.memory_space<vmem_shared>>) target_semaphore(%run_scoped3A : memref<!tpu.dma_semaphore, #tpu.memory_space<semaphore_mem>>)
      %dma_wait3A_230 = arith.constant 0 : i32
      %dma_wait3A_231 = tpu.memref_slice %arg6[%add3A_17, %dma_wait3A_230] : memref<10016x128xf32, #tpu.memory_space<vmem_shared>> -> memref<64x128xf32, #tpu.memory_space<vmem_shared>>
      %dma_wait3A_232 = arith.constant 0 : i32
      %dma_wait3A_233 = tpu.memref_slice %arg6[%add3A_17, %dma_wait3A_232] : memref<10016x128xf32, #tpu.memory_space<vmem_shared>> -> memref<64x128xf32, #tpu.memory_space<vmem_shared>>
      tpu.wait_dma2 semaphore(%run_scoped3A : memref<!tpu.dma_semaphore, #tpu.memory_space<semaphore_mem>>) src(%arg10 : memref<64x128xf32, #tpu.memory_space<vmem>>) dst(%dma_wait3A_233 : memref<64x128xf32, #tpu.memory_space<vmem_shared>>)
      tpu.yield
    }) : () -> ()
    %mul3A_18 = arith.constant 626 : i32
    %mul3A_19 = arith.muli %arg1, %mul3A_18 : i32
    %add3A_20 = arith.constant 256 : i32
    %add3A_21 = arith.addi %mul3A_19, %add3A_20 : i32
    "tpu.region"() ({
      %run_scoped3A = tpu.sem_alloc : memref<!tpu.dma_semaphore, #tpu.memory_space<semaphore_mem>>
      %dma_start3A_226 = arith.constant 0 : i32
      %dma_start3A_227 = tpu.memref_slice %arg6[%add3A_21, %dma_start3A_226] : memref<10016x128xf32, #tpu.memory_space<vmem_shared>> -> memref<64x128xf32, #tpu.memory_space<vmem_shared>>
      %dma_start3A_228 = arith.constant 0 : i32
      %dma_start3A_229 = tpu.memref_slice %arg6[%add3A_21, %dma_start3A_228] : memref<10016x128xf32, #tpu.memory_space<vmem_shared>> -> memref<64x128xf32, #tpu.memory_space<vmem_shared>>
      tpu.enqueue_dma source(%arg10 : memref<64x128xf32, #tpu.memory_space<vmem>>) target(%dma_start3A_229 : memref<64x128xf32, #tpu.memory_space<vmem_shared>>) target_semaphore(%run_scoped3A : memref<!tpu.dma_semaphore, #tpu.memory_space<semaphore_mem>>)
      %dma_wait3A_230 = arith.constant 0 : i32
      %dma_wait3A_231 = tpu.memref_slice %arg6[%add3A_21, %dma_wait3A_230] : memref<10016x128xf32, #tpu.memory_space<vmem_shared>> -> memref<64x128xf32, #tpu.memory_space<vmem_shared>>
      %dma_wait3A_232 = arith.constant 0 : i32
      %dma_wait3A_233 = tpu.memref_slice %arg6[%add3A_21, %dma_wait3A_232] : memref<10016x128xf32, #tpu.memory_space<vmem_shared>> -> memref<64x128xf32, #tpu.memory_space<vmem_shared>>
      tpu.wait_dma2 semaphore(%run_scoped3A : memref<!tpu.dma_semaphore, #tpu.memory_space<semaphore_mem>>) src(%arg10 : memref<64x128xf32, #tpu.memory_space<vmem>>) dst(%dma_wait3A_233 : memref<64x128xf32, #tpu.memory_space<vmem_shared>>)
      tpu.yield
    }) : () -> ()
    %mul3A_22 = arith.constant 626 : i32
    %mul3A_23 = arith.muli %arg1, %mul3A_22 : i32
    %add3A_24 = arith.constant 320 : i32
    %add3A_25 = arith.addi %mul3A_23, %add3A_24 : i32
    "tpu.region"() ({
      %run_scoped3A = tpu.sem_alloc : memref<!tpu.dma_semaphore, #tpu.memory_space<semaphore_mem>>
      %dma_start3A_226 = arith.constant 0 : i32
      %dma_start3A_227 = tpu.memref_slice %arg6[%add3A_25, %dma_start3A_226] : memref<10016x128xf32, #tpu.memory_space<vmem_shared>> -> memref<64x128xf32, #tpu.memory_space<vmem_shared>>
      %dma_start3A_228 = arith.constant 0 : i32
      %dma_start3A_229 = tpu.memref_slice %arg6[%add3A_25, %dma_start3A_228] : memref<10016x128xf32, #tpu.memory_space<vmem_shared>> -> memref<64x128xf32, #tpu.memory_space<vmem_shared>>
      tpu.enqueue_dma source(%arg10 : memref<64x128xf32, #tpu.memory_space<vmem>>) target(%dma_start3A_229 : memref<64x128xf32, #tpu.memory_space<vmem_shared>>) target_semaphore(%run_scoped3A : memref<!tpu.dma_semaphore, #tpu.memory_space<semaphore_mem>>)
      %dma_wait3A_230 = arith.constant 0 : i32
      %dma_wait3A_231 = tpu.memref_slice %arg6[%add3A_25, %dma_wait3A_230] : memref<10016x128xf32, #tpu.memory_space<vmem_shared>> -> memref<64x128xf32, #tpu.memory_space<vmem_shared>>
      %dma_wait3A_232 = arith.constant 0 : i32
      %dma_wait3A_233 = tpu.memref_slice %arg6[%add3A_25, %dma_wait3A_232] : memref<10016x128xf32, #tpu.memory_space<vmem_shared>> -> memref<64x128xf32, #tpu.memory_space<vmem_shared>>
      tpu.wait_dma2 semaphore(%run_scoped3A : memref<!tpu.dma_semaphore, #tpu.memory_space<semaphore_mem>>) src(%arg10 : memref<64x128xf32, #tpu.memory_space<vmem>>) dst(%dma_wait3A_233 : memref<64x128xf32, #tpu.memory_space<vmem_shared>>)
      tpu.yield
    }) : () -> ()
    %mul3A_26 = arith.constant 626 : i32
    %mul3A_27 = arith.muli %arg1, %mul3A_26 : i32
    %add3A_28 = arith.constant 384 : i32
    %add3A_29 = arith.addi %mul3A_27, %add3A_28 : i32
    "tpu.region"() ({
      %run_scoped3A = tpu.sem_alloc : memref<!tpu.dma_semaphore, #tpu.memory_space<semaphore_mem>>
      %dma_start3A_226 = arith.constant 0 : i32
      %dma_start3A_227 = tpu.memref_slice %arg6[%add3A_29, %dma_start3A_226] : memref<10016x128xf32, #tpu.memory_space<vmem_shared>> -> memref<64x128xf32, #tpu.memory_space<vmem_shared>>
      %dma_start3A_228 = arith.constant 0 : i32
      %dma_start3A_229 = tpu.memref_slice %arg6[%add3A_29, %dma_start3A_228] : memref<10016x128xf32, #tpu.memory_space<vmem_shared>> -> memref<64x128xf32, #tpu.memory_space<vmem_shared>>
      tpu.enqueue_dma source(%arg10 : memref<64x128xf32, #tpu.memory_space<vmem>>) target(%dma_start3A_229 : memref<64x128xf32, #tpu.memory_space<vmem_shared>>) target_semaphore(%run_scoped3A : memref<!tpu.dma_semaphore, #tpu.memory_space<semaphore_mem>>)
      %dma_wait3A_230 = arith.constant 0 : i32
      %dma_wait3A_231 = tpu.memref_slice %arg6[%add3A_29, %dma_wait3A_230] : memref<10016x128xf32, #tpu.memory_space<vmem_shared>> -> memref<64x128xf32, #tpu.memory_space<vmem_shared>>
      %dma_wait3A_232 = arith.constant 0 : i32
      %dma_wait3A_233 = tpu.memref_slice %arg6[%add3A_29, %dma_wait3A_232] : memref<10016x128xf32, #tpu.memory_space<vmem_shared>> -> memref<64x128xf32, #tpu.memory_space<vmem_shared>>
      tpu.wait_dma2 semaphore(%run_scoped3A : memref<!tpu.dma_semaphore, #tpu.memory_space<semaphore_mem>>) src(%arg10 : memref<64x128xf32, #tpu.memory_space<vmem>>) dst(%dma_wait3A_233 : memref<64x128xf32, #tpu.memory_space<vmem_shared>>)
      tpu.yield
    }) : () -> ()
    %mul3A_30 = arith.constant 626 : i32
    %mul3A_31 = arith.muli %arg1, %mul3A_30 : i32
    %add3A_32 = arith.constant 448 : i32
    %add3A_33 = arith.addi %mul3A_31, %add3A_32 : i32
    "tpu.region"() ({
      %run_scoped3A = tpu.sem_alloc : memref<!tpu.dma_semaphore, #tpu.memory_space<semaphore_mem>>
      %dma_start3A_226 = arith.constant 0 : i32
      %dma_start3A_227 = tpu.memref_slice %arg6[%add3A_33, %dma_start3A_226] : memref<10016x128xf32, #tpu.memory_space<vmem_shared>> -> memref<64x128xf32, #tpu.memory_space<vmem_shared>>
      %dma_start3A_228 = arith.constant 0 : i32
      %dma_start3A_229 = tpu.memref_slice %arg6[%add3A_33, %dma_start3A_228] : memref<10016x128xf32, #tpu.memory_space<vmem_shared>> -> memref<64x128xf32, #tpu.memory_space<vmem_shared>>
      tpu.enqueue_dma source(%arg10 : memref<64x128xf32, #tpu.memory_space<vmem>>) target(%dma_start3A_229 : memref<64x128xf32, #tpu.memory_space<vmem_shared>>) target_semaphore(%run_scoped3A : memref<!tpu.dma_semaphore, #tpu.memory_space<semaphore_mem>>)
      %dma_wait3A_230 = arith.constant 0 : i32
      %dma_wait3A_231 = tpu.memref_slice %arg6[%add3A_33, %dma_wait3A_230] : memref<10016x128xf32, #tpu.memory_space<vmem_shared>> -> memref<64x128xf32, #tpu.memory_space<vmem_shared>>
      %dma_wait3A_232 = arith.constant 0 : i32
      %dma_wait3A_233 = tpu.memref_slice %arg6[%add3A_33, %dma_wait3A_232] : memref<10016x128xf32, #tpu.memory_space<vmem_shared>> -> memref<64x128xf32, #tpu.memory_space<vmem_shared>>
      tpu.wait_dma2 semaphore(%run_scoped3A : memref<!tpu.dma_semaphore, #tpu.memory_space<semaphore_mem>>) src(%arg10 : memref<64x128xf32, #tpu.memory_space<vmem>>) dst(%dma_wait3A_233 : memref<64x128xf32, #tpu.memory_space<vmem_shared>>)
      tpu.yield
    }) : () -> ()
    %mul3A_34 = arith.constant 626 : i32
    %mul3A_35 = arith.muli %arg1, %mul3A_34 : i32
    %add3A_36 = arith.constant 512 : i32
    %add3A_37 = arith.addi %mul3A_35, %add3A_36 : i32
    "tpu.region"() ({
      %run_scoped3A = tpu.sem_alloc : memref<!tpu.dma_semaphore, #tpu.memory_space<semaphore_mem>>
      %dma_start3A_226 = arith.constant 0 : i32
      %dma_start3A_227 = tpu.memref_slice %arg6[%add3A_37, %dma_start3A_226] : memref<10016x128xf32, #tpu.memory_space<vmem_shared>> -> memref<64x128xf32, #tpu.memory_space<vmem_shared>>
      %dma_start3A_228 = arith.constant 0 : i32
      %dma_start3A_229 = tpu.memref_slice %arg6[%add3A_37, %dma_start3A_228] : memref<10016x128xf32, #tpu.memory_space<vmem_shared>> -> memref<64x128xf32, #tpu.memory_space<vmem_shared>>
      tpu.enqueue_dma source(%arg10 : memref<64x128xf32, #tpu.memory_space<vmem>>) target(%dma_start3A_229 : memref<64x128xf32, #tpu.memory_space<vmem_shared>>) target_semaphore(%run_scoped3A : memref<!tpu.dma_semaphore, #tpu.memory_space<semaphore_mem>>)
      %dma_wait3A_230 = arith.constant 0 : i32
      %dma_wait3A_231 = tpu.memref_slice %arg6[%add3A_37, %dma_wait3A_230] : memref<10016x128xf32, #tpu.memory_space<vmem_shared>> -> memref<64x128xf32, #tpu.memory_space<vmem_shared>>
      %dma_wait3A_232 = arith.constant 0 : i32
      %dma_wait3A_233 = tpu.memref_slice %arg6[%add3A_37, %dma_wait3A_232] : memref<10016x128xf32, #tpu.memory_space<vmem_shared>> -> memref<64x128xf32, #tpu.memory_space<vmem_shared>>
      tpu.wait_dma2 semaphore(%run_scoped3A : memref<!tpu.dma_semaphore, #tpu.memory_space<semaphore_mem>>) src(%arg10 : memref<64x128xf32, #tpu.memory_space<vmem>>) dst(%dma_wait3A_233 : memref<64x128xf32, #tpu.memory_space<vmem_shared>>)
      tpu.yield
    }) : () -> ()
    %mul3A_38 = arith.constant 626 : i32
    %mul3A_39 = arith.muli %arg1, %mul3A_38 : i32
    %add3A_40 = arith.constant 576 : i32
    %add3A_41 = arith.addi %mul3A_39, %add3A_40 : i32
    "tpu.region"() ({
      %run_scoped3A = tpu.sem_alloc : memref<!tpu.dma_semaphore, #tpu.memory_space<semaphore_mem>>
      %dma_start3A_226 = arith.constant 0 : i32
      %dma_start3A_227 = arith.constant 0 : i32
      %dma_start3A_228 = tpu.memref_slice %arg10[%dma_start3A_226, %dma_start3A_227] : memref<64x128xf32, #tpu.memory_space<vmem>> -> memref<50x128xf32, #tpu.memory_space<vmem>>
      %dma_start3A_229 = arith.constant 0 : i32
      %dma_start3A_230 = tpu.memref_slice %arg6[%add3A_41, %dma_start3A_229] : memref<10016x128xf32, #tpu.memory_space<vmem_shared>> -> memref<50x128xf32, #tpu.memory_space<vmem_shared>>
      %dma_start3A_231 = arith.constant 0 : i32
      %dma_start3A_232 = tpu.memref_slice %arg6[%add3A_41, %dma_start3A_231] : memref<10016x128xf32, #tpu.memory_space<vmem_shared>> -> memref<50x128xf32, #tpu.memory_space<vmem_shared>>
      %dma_start3A_233 = arith.constant 0 : i32
      %dma_start3A_234 = arith.constant 0 : i32
      %dma_start3A_235 = tpu.memref_slice %arg10[%dma_start3A_233, %dma_start3A_234] : memref<64x128xf32, #tpu.memory_space<vmem>> -> memref<50x128xf32, #tpu.memory_space<vmem>>
      tpu.enqueue_dma source(%dma_start3A_235 : memref<50x128xf32, #tpu.memory_space<vmem>>) target(%dma_start3A_232 : memref<50x128xf32, #tpu.memory_space<vmem_shared>>) target_semaphore(%run_scoped3A : memref<!tpu.dma_semaphore, #tpu.memory_space<semaphore_mem>>)
      %dma_wait3A_236 = arith.constant 0 : i32
      %dma_wait3A_237 = arith.constant 0 : i32
      %dma_wait3A_238 = tpu.memref_slice %arg10[%dma_wait3A_236, %dma_wait3A_237] : memref<64x128xf32, #tpu.memory_space<vmem>> -> memref<50x128xf32, #tpu.memory_space<vmem>>
      %dma_wait3A_239 = arith.constant 0 : i32
      %dma_wait3A_240 = tpu.memref_slice %arg6[%add3A_41, %dma_wait3A_239] : memref<10016x128xf32, #tpu.memory_space<vmem_shared>> -> memref<50x128xf32, #tpu.memory_space<vmem_shared>>
      %dma_wait3A_241 = arith.constant 0 : i32
      %dma_wait3A_242 = tpu.memref_slice %arg6[%add3A_41, %dma_wait3A_241] : memref<10016x128xf32, #tpu.memory_space<vmem_shared>> -> memref<50x128xf32, #tpu.memory_space<vmem_shared>>
      %dma_wait3A_243 = arith.constant 0 : i32
      %dma_wait3A_244 = arith.constant 0 : i32
      %dma_wait3A_245 = tpu.memref_slice %arg10[%dma_wait3A_243, %dma_wait3A_244] : memref<64x128xf32, #tpu.memory_space<vmem>> -> memref<50x128xf32, #tpu.memory_space<vmem>>
      tpu.wait_dma2 semaphore(%run_scoped3A : memref<!tpu.dma_semaphore, #tpu.memory_space<semaphore_mem>>) src(%dma_wait3A_245 : memref<50x128xf32, #tpu.memory_space<vmem>>) dst(%dma_wait3A_242 : memref<50x128xf32, #tpu.memory_space<vmem_shared>>)
      tpu.yield
    }) : () -> ()
    %barrier3A = arith.constant 0 : index
    tpu.barrier barrier_id(%barrier3A)
    %mul3A_42 = arith.constant 315 : i32
    %mul3A_43 = arith.muli %arg1, %mul3A_42 : i32
    %mul3A_44 = arith.constant 10000 : i32
    %mul3A_45 = arith.muli %arg0, %mul3A_44 : i32
    %mul3A_46 = arith.constant 16 : i32
    %mul3A_47 = arith.muli %arg0, %mul3A_46 : i32
    %add3A_48 = arith.addi %mul3A_47, %arg1 : i32
    %mul3A_49 = arith.constant 64 : i32
    %mul3A_50 = arith.muli %add3A_48, %mul3A_49 : i32
    %add3A_51 = arith.constant 0 : i32
    %add3A_52 = arith.addi %mul3A_43, %add3A_51 : i32
    %dma_start3A = arith.constant 0 : i32
    %dma_start3A_53 = arith.constant 0 : i32
    %dma_start3A_54 = tpu.memref_slice %arg3[%add3A_52, %dma_start3A, %dma_start3A_53] : memref<5040x3x64xi32, #tpu.memory_space<hbm>> -> memref<1x3x64xi32, #tpu.memory_space<hbm>>
    %dma_start3A_55 = tpu.memref_squeeze %dma_start3A_54 : memref<1x3x64xi32, #tpu.memory_space<hbm>> -> memref<3x64xi32, #tpu.memory_space<hbm>>
    %dma_start3A_56 = arith.constant 0 : i32
    %dma_start3A_57 = arith.constant 0 : i32
    %dma_start3A_58 = tpu.memref_slice %arg3[%add3A_52, %dma_start3A_56, %dma_start3A_57] : memref<5040x3x64xi32, #tpu.memory_space<hbm>> -> memref<1x3x64xi32, #tpu.memory_space<hbm>>
    %dma_start3A_59 = tpu.memref_squeeze %dma_start3A_58 : memref<1x3x64xi32, #tpu.memory_space<hbm>> -> memref<3x64xi32, #tpu.memory_space<hbm>>
    tpu.enqueue_dma source(%dma_start3A_59 : memref<3x64xi32, #tpu.memory_space<hbm>>) target(%arg7 : memref<3x64xi32, #tpu.memory_space<vmem>>) target_semaphore(%arg16 : memref<!tpu.dma_semaphore, #tpu.memory_space<semaphore_mem>>)
    %add3A_60 = arith.constant 1 : i32
    %add3A_61 = arith.addi %mul3A_43, %add3A_60 : i32
    %dma_start3A_62 = arith.constant 0 : i32
    %dma_start3A_63 = arith.constant 0 : i32
    %dma_start3A_64 = tpu.memref_slice %arg3[%add3A_61, %dma_start3A_62, %dma_start3A_63] : memref<5040x3x64xi32, #tpu.memory_space<hbm>> -> memref<1x3x64xi32, #tpu.memory_space<hbm>>
    %dma_start3A_65 = tpu.memref_squeeze %dma_start3A_64 : memref<1x3x64xi32, #tpu.memory_space<hbm>> -> memref<3x64xi32, #tpu.memory_space<hbm>>
    %dma_start3A_66 = arith.constant 0 : i32
    %dma_start3A_67 = arith.constant 0 : i32
    %dma_start3A_68 = tpu.memref_slice %arg3[%add3A_61, %dma_start3A_66, %dma_start3A_67] : memref<5040x3x64xi32, #tpu.memory_space<hbm>> -> memref<1x3x64xi32, #tpu.memory_space<hbm>>
    %dma_start3A_69 = tpu.memref_squeeze %dma_start3A_68 : memref<1x3x64xi32, #tpu.memory_space<hbm>> -> memref<3x64xi32, #tpu.memory_space<hbm>>
    tpu.enqueue_dma source(%dma_start3A_69 : memref<3x64xi32, #tpu.memory_space<hbm>>) target(%arg8 : memref<3x64xi32, #tpu.memory_space<vmem>>) target_semaphore(%arg17 : memref<!tpu.dma_semaphore, #tpu.memory_space<semaphore_mem>>)
    %dma_wait3A = arith.constant 0 : i32
    %dma_wait3A_70 = arith.constant 0 : i32
    %dma_wait3A_71 = tpu.memref_slice %arg3[%mul3A_43, %dma_wait3A, %dma_wait3A_70] : memref<5040x3x64xi32, #tpu.memory_space<hbm>> -> memref<1x3x64xi32, #tpu.memory_space<hbm>>
    %dma_wait3A_72 = tpu.memref_squeeze %dma_wait3A_71 : memref<1x3x64xi32, #tpu.memory_space<hbm>> -> memref<3x64xi32, #tpu.memory_space<hbm>>
    %dma_wait3A_73 = arith.constant 0 : i32
    %dma_wait3A_74 = arith.constant 0 : i32
    %dma_wait3A_75 = tpu.memref_slice %arg3[%mul3A_43, %dma_wait3A_73, %dma_wait3A_74] : memref<5040x3x64xi32, #tpu.memory_space<hbm>> -> memref<1x3x64xi32, #tpu.memory_space<hbm>>
    %dma_wait3A_76 = tpu.memref_squeeze %dma_wait3A_75 : memref<1x3x64xi32, #tpu.memory_space<hbm>> -> memref<3x64xi32, #tpu.memory_space<hbm>>
    tpu.wait_dma2 semaphore(%arg16 : memref<!tpu.dma_semaphore, #tpu.memory_space<semaphore_mem>>) src(%dma_wait3A_76 : memref<3x64xi32, #tpu.memory_space<hbm>>) dst(%arg7 : memref<3x64xi32, #tpu.memory_space<vmem>>)
    %get3A = arith.constant 0 : i32
    %get3A_77 = arith.index_cast %get3A : i32 to index
    %get3A_78 = arith.constant 0 : index
    %get3A_79 = tpu.vector_load %arg7[%get3A_77, %get3A_78] {strides = array<i32>} : memref<3x64xi32, #tpu.memory_space<vmem>>, vector<1x16xi32>,
    %get3A_80 = vector.shape_cast %get3A_79 : vector<1x16xi32> to vector<16xi32>
    %add3A_81 = vector.broadcast %mul3A_45 : i32 to vector<16xi32>
    %add3A_82 = arith.addi %get3A_80, %add3A_81 : vector<16xi32>
    %swap3A = arith.constant 0 : i32
    %swap3A_83 = arith.index_cast %swap3A : i32 to index
    %swap3A_84 = arith.constant 0 : index
    %swap3A_85 = tpu.vector_load %arg7[%swap3A_83, %swap3A_84] {strides = array<i32>} : memref<3x64xi32, #tpu.memory_space<vmem>>, vector<1x16xi32>,
    %swap3A_86 = vector.shape_cast %swap3A_85 : vector<1x16xi32> to vector<16xi32>
    %swap3A_87 = vector.shape_cast %add3A_82 : vector<16xi32> to vector<1x16xi32>
    tpu.vector_store %arg7[%swap3A_83, %swap3A_84], %swap3A_87 {strides = array<i32>} : memref<3x64xi32, #tpu.memory_space<vmem>>, vector<1x16xi32>,
    %get3A_88 = arith.constant 2 : i32
    %get3A_89 = arith.index_cast %get3A_88 : i32 to index
    %get3A_90 = arith.constant 0 : index
    %get3A_91 = tpu.vector_load %arg7[%get3A_89, %get3A_90] {strides = array<i32>} : memref<3x64xi32, #tpu.memory_space<vmem>>, vector<1x16xi32>,
    %get3A_92 = vector.shape_cast %get3A_91 : vector<1x16xi32> to vector<16xi32>
    %add3A_93 = vector.broadcast %mul3A_50 : i32 to vector<16xi32>
    %add3A_94 = arith.addi %get3A_92, %add3A_93 : vector<16xi32>
    %swap3A_95 = arith.constant 2 : i32
    %swap3A_96 = arith.index_cast %swap3A_95 : i32 to index
    %swap3A_97 = arith.constant 0 : index
    %swap3A_98 = tpu.vector_load %arg7[%swap3A_96, %swap3A_97] {strides = array<i32>} : memref<3x64xi32, #tpu.memory_space<vmem>>, vector<1x16xi32>,
    %swap3A_99 = vector.shape_cast %swap3A_98 : vector<1x16xi32> to vector<16xi32>
    %swap3A_100 = vector.shape_cast %add3A_94 : vector<16xi32> to vector<1x16xi32>
    tpu.vector_store %arg7[%swap3A_96, %swap3A_97], %swap3A_100 {strides = array<i32>} : memref<3x64xi32, #tpu.memory_space<vmem>>, vector<1x16xi32>,
    %get3A_101 = arith.constant 0 : i32
    %get3A_102 = arith.index_cast %get3A_101 : i32 to index
    %get3A_103 = arith.constant 16 : index
    %get3A_104 = tpu.vector_load %arg7[%get3A_102, %get3A_103] {strides = array<i32>} : memref<3x64xi32, #tpu.memory_space<vmem>>, vector<1x16xi32>,
    %get3A_105 = vector.shape_cast %get3A_104 : vector<1x16xi32> to vector<16xi32>
    %add3A_106 = vector.broadcast %mul3A_45 : i32 to vector<16xi32>
    %add3A_107 = arith.addi %get3A_105, %add3A_106 : vector<16xi32>
    %swap3A_108 = arith.constant 0 : i32
    %swap3A_109 = arith.index_cast %swap3A_108 : i32 to index
    %swap3A_110 = arith.constant 16 : index
    %swap3A_111 = tpu.vector_load %arg7[%swap3A_109, %swap3A_110] {strides = array<i32>} : memref<3x64xi32, #tpu.memory_space<vmem>>, vector<1x16xi32>,
    %swap3A_112 = vector.shape_cast %swap3A_111 : vector<1x16xi32> to vector<16xi32>
    %swap3A_113 = vector.shape_cast %add3A_107 : vector<16xi32> to vector<1x16xi32>
    tpu.vector_store %arg7[%swap3A_109, %swap3A_110], %swap3A_113 {strides = array<i32>} : memref<3x64xi32, #tpu.memory_space<vmem>>, vector<1x16xi32>,
    %get3A_114 = arith.constant 2 : i32
    %get3A_115 = arith.index_cast %get3A_114 : i32 to index
    %get3A_116 = arith.constant 16 : index
    %get3A_117 = tpu.vector_load %arg7[%get3A_115, %get3A_116] {strides = array<i32>} : memref<3x64xi32, #tpu.memory_space<vmem>>, vector<1x16xi32>,
    %get3A_118 = vector.shape_cast %get3A_117 : vector<1x16xi32> to vector<16xi32>
    %add3A_119 = vector.broadcast %mul3A_50 : i32 to vector<16xi32>
    %add3A_120 = arith.addi %get3A_118, %add3A_119 : vector<16xi32>
    %swap3A_121 = arith.constant 2 : i32
    %swap3A_122 = arith.index_cast %swap3A_121 : i32 to index
    %swap3A_123 = arith.constant 16 : index
    %swap3A_124 = tpu.vector_load %arg7[%swap3A_122, %swap3A_123] {strides = array<i32>} : memref<3x64xi32, #tpu.memory_space<vmem>>, vector<1x16xi32>,
    %swap3A_125 = vector.shape_cast %swap3A_124 : vector<1x16xi32> to vector<16xi32>
    %swap3A_126 = vector.shape_cast %add3A_120 : vector<16xi32> to vector<1x16xi32>
    tpu.vector_store %arg7[%swap3A_122, %swap3A_123], %swap3A_126 {strides = array<i32>} : memref<3x64xi32, #tpu.memory_space<vmem>>, vector<1x16xi32>,
    %get3A_127 = arith.constant 0 : i32
    %get3A_128 = arith.index_cast %get3A_127 : i32 to index
    %get3A_129 = arith.constant 32 : index
    %get3A_130 = tpu.vector_load %arg7[%get3A_128, %get3A_129] {strides = array<i32>} : memref<3x64xi32, #tpu.memory_space<vmem>>, vector<1x16xi32>,
    %get3A_131 = vector.shape_cast %get3A_130 : vector<1x16xi32> to vector<16xi32>
    %add3A_132 = vector.broadcast %mul3A_45 : i32 to vector<16xi32>
    %add3A_133 = arith.addi %get3A_131, %add3A_132 : vector<16xi32>
    %swap3A_134 = arith.constant 0 : i32
    %swap3A_135 = arith.index_cast %swap3A_134 : i32 to index
    %swap3A_136 = arith.constant 32 : index
    %swap3A_137 = tpu.vector_load %arg7[%swap3A_135, %swap3A_136] {strides = array<i32>} : memref<3x64xi32, #tpu.memory_space<vmem>>, vector<1x16xi32>,
    %swap3A_138 = vector.shape_cast %swap3A_137 : vector<1x16xi32> to vector<16xi32>
    %swap3A_139 = vector.shape_cast %add3A_133 : vector<16xi32> to vector<1x16xi32>
    tpu.vector_store %arg7[%swap3A_135, %swap3A_136], %swap3A_139 {strides = array<i32>} : memref<3x64xi32, #tpu.memory_space<vmem>>, vector<1x16xi32>,
    %get3A_140 = arith.constant 2 : i32
    %get3A_141 = arith.index_cast %get3A_140 : i32 to index
    %get3A_142 = arith.constant 32 : index
    %get3A_143 = tpu.vector_load %arg7[%get3A_141, %get3A_142] {strides = array<i32>} : memref<3x64xi32, #tpu.memory_space<vmem>>, vector<1x16xi32>,
    %get3A_144 = vector.shape_cast %get3A_143 : vector<1x16xi32> to vector<16xi32>
    %add3A_145 = vector.broadcast %mul3A_50 : i32 to vector<16xi32>
    %add3A_146 = arith.addi %get3A_144, %add3A_145 : vector<16xi32>
    %swap3A_147 = arith.constant 2 : i32
    %swap3A_148 = arith.index_cast %swap3A_147 : i32 to index
    %swap3A_149 = arith.constant 32 : index
    %swap3A_150 = tpu.vector_load %arg7[%swap3A_148, %swap3A_149] {strides = array<i32>} : memref<3x64xi32, #tpu.memory_space<vmem>>, vector<1x16xi32>,
    %swap3A_151 = vector.shape_cast %swap3A_150 : vector<1x16xi32> to vector<16xi32>
    %swap3A_152 = vector.shape_cast %add3A_146 : vector<16xi32> to vector<1x16xi32>
    tpu.vector_store %arg7[%swap3A_148, %swap3A_149], %swap3A_152 {strides = array<i32>} : memref<3x64xi32, #tpu.memory_space<vmem>>, vector<1x16xi32>,
    %get3A_153 = arith.constant 0 : i32
    %get3A_154 = arith.index_cast %get3A_153 : i32 to index
    %get3A_155 = arith.constant 48 : index
    %get3A_156 = tpu.vector_load %arg7[%get3A_154, %get3A_155] {strides = array<i32>} : memref<3x64xi32, #tpu.memory_space<vmem>>, vector<1x16xi32>,
    %get3A_157 = vector.shape_cast %get3A_156 : vector<1x16xi32> to vector<16xi32>
    %add3A_158 = vector.broadcast %mul3A_45 : i32 to vector<16xi32>
    %add3A_159 = arith.addi %get3A_157, %add3A_158 : vector<16xi32>
    %swap3A_160 = arith.constant 0 : i32
    %swap3A_161 = arith.index_cast %swap3A_160 : i32 to index
    %swap3A_162 = arith.constant 48 : index
    %swap3A_163 = tpu.vector_load %arg7[%swap3A_161, %swap3A_162] {strides = array<i32>} : memref<3x64xi32, #tpu.memory_space<vmem>>, vector<1x16xi32>,
    %swap3A_164 = vector.shape_cast %swap3A_163 : vector<1x16xi32> to vector<16xi32>
    %swap3A_165 = vector.shape_cast %add3A_159 : vector<16xi32> to vector<1x16xi32>
    tpu.vector_store %arg7[%swap3A_161, %swap3A_162], %swap3A_165 {strides = array<i32>} : memref<3x64xi32, #tpu.memory_space<vmem>>, vector<1x16xi32>,
    %get3A_166 = arith.constant 2 : i32
    %get3A_167 = arith.index_cast %get3A_166 : i32 to index
    %get3A_168 = arith.constant 48 : index
    %get3A_169 = tpu.vector_load %arg7[%get3A_167, %get3A_168] {strides = array<i32>} : memref<3x64xi32, #tpu.memory_space<vmem>>, vector<1x16xi32>,
    %get3A_170 = vector.shape_cast %get3A_169 : vector<1x16xi32> to vector<16xi32>
    %add3A_171 = vector.broadcast %mul3A_50 : i32 to vector<16xi32>
    %add3A_172 = arith.addi %get3A_170, %add3A_171 : vector<16xi32>
    %swap3A_173 = arith.constant 2 : i32
    %swap3A_174 = arith.index_cast %swap3A_173 : i32 to index
    %swap3A_175 = arith.constant 48 : index
    %swap3A_176 = tpu.vector_load %arg7[%swap3A_174, %swap3A_175] {strides = array<i32>} : memref<3x64xi32, #tpu.memory_space<vmem>>, vector<1x16xi32>,
    %swap3A_177 = vector.shape_cast %swap3A_176 : vector<1x16xi32> to vector<16xi32>
    %swap3A_178 = vector.shape_cast %add3A_172 : vector<16xi32> to vector<1x16xi32>
    tpu.vector_store %arg7[%swap3A_174, %swap3A_175], %swap3A_178 {strides = array<i32>} : memref<3x64xi32, #tpu.memory_space<vmem>>, vector<1x16xi32>,
    %dma_start3A_179 = arith.constant 0 : i32
    %dma_start3A_180 = arith.constant 0 : i32
    %dma_start3A_181 = tpu.memref_slice %arg7[%dma_start3A_179, %dma_start3A_180] : memref<3x64xi32, #tpu.memory_space<vmem>> -> memref<1x64xi32, #tpu.memory_space<vmem>>
    %dma_start3A_182 = tpu.memref_squeeze %dma_start3A_181 : memref<1x64xi32, #tpu.memory_space<vmem>> -> memref<64xi32, #tpu.memory_space<vmem>>
    %dma_start3A_183 = arith.constant 0 : i32
    %dma_start3A_184 = arith.constant 0 : i32
    %dma_start3A_185 = tpu.memref_slice %arg2[%dma_start3A_183, %dma_start3A_184] : memref<20000x128xf32, #tpu.memory_space<hbm>> -> memref<20000x128xf32, #tpu.memory_space<hbm>>
    tpu.enqueue_indirect_dma source(%dma_start3A_185 : memref<20000x128xf32, #tpu.memory_space<hbm>>) target(%arg10 : memref<64x128xf32, #tpu.memory_space<vmem>>) offsets(%dma_start3A_182 : memref<64xi32, #tpu.memory_space<vmem>>) semaphore(%arg19 : memref<!tpu.dma_semaphore, #tpu.memory_space<semaphore_mem>>)
    %dma_start3A_186 = arith.constant 2 : i32
    %dma_start3A_187 = arith.constant 0 : i32
    %dma_start3A_188 = tpu.memref_slice %arg7[%dma_start3A_186, %dma_start3A_187] : memref<3x64xi32, #tpu.memory_space<vmem>> -> memref<1x64xi32, #tpu.memory_space<vmem>>
    %dma_start3A_189 = tpu.memref_squeeze %dma_start3A_188 : memref<1x64xi32, #tpu.memory_space<vmem>> -> memref<64xi32, #tpu.memory_space<vmem>>
    %dma_start3A_190 = arith.constant 0 : i32
    %dma_start3A_191 = arith.constant 0 : i32
    %dma_start3A_192 = tpu.memref_slice %arg4[%dma_start3A_190, %dma_start3A_191] : memref<2048x128xf32, #tpu.memory_space<hbm>> -> memref<2048x128xf32, #tpu.memory_space<hbm>>
    tpu.enqueue_indirect_dma source(%dma_start3A_192 : memref<2048x128xf32, #tpu.memory_space<hbm>>) target(%arg13 : memref<64x128xf32, #tpu.memory_space<vmem>>) offsets(%dma_start3A_189 : memref<64xi32, #tpu.memory_space<vmem>>) semaphore(%arg19 : memref<!tpu.dma_semaphore, #tpu.memory_space<semaphore_mem>>)
    %scan3A_193 = arith.constant 0 : i32
    %scan3A_194 = arith.constant 105 : i32
    %scan3A_195 = arith.addi %scan3A_193, %scan3A_194 : i32
    %scan3A_196 = arith.constant 1 : i32
    scf.for %scan3A_226 = %scan3A_193 to %scan3A_195 step %scan3A_196  : i32 {
      %mul3A_227 = arith.constant 3 : i32
      %mul3A_228 = arith.muli %scan3A_226, %mul3A_227 : i32
      %add3A_229 = arith.constant 0 : i32
      %add3A_230 = arith.addi %add3A_229, %mul3A_228 : i32
      %add3A_231 = arith.constant 0 : i32
      %add3A_232 = arith.addi %add3A_230, %add3A_231 : i32
      %add3A_233 = arith.constant 2 : i32
      %add3A_234 = arith.addi %add3A_232, %add3A_233 : i32
      %lt3A = arith.constant 315 : i32
      %lt3A_235 = arith.cmpi slt, %add3A_234, %lt3A : i32
      %convert_element_type3A_236 = arith.extui %lt3A_235 : i1 to i32
      %cond3A_237 = arith.constant 0 : i32
      %cond3A_238 = arith.cmpi ne, %convert_element_type3A_236, %cond3A_237 : i32
      scf.if %cond3A_238 {
        %ge3A = arith.constant 1 : i32
        %ge3A_356 = arith.cmpi sge, %add3A_232, %ge3A : i32
        %convert_element_type3A_357 = arith.extui %ge3A_356 : i1 to i32
        %cond3A_358 = arith.constant 0 : i32
        %cond3A_359 = arith.cmpi ne, %convert_element_type3A_357, %cond3A_358 : i32
        scf.if %cond3A_359 {
          %dma_wait3A_371 = arith.constant 1 : i32
          %dma_wait3A_372 = arith.constant 0 : i32
          %dma_wait3A_373 = tpu.memref_slice %arg9[%dma_wait3A_371, %dma_wait3A_372] : memref<3x64xi32, #tpu.memory_space<vmem>> -> memref<1x64xi32, #tpu.memory_space<vmem>>
          %dma_wait3A_374 = tpu.memref_squeeze %dma_wait3A_373 : memref<1x64xi32, #tpu.memory_space<vmem>> -> memref<64xi32, #tpu.memory_space<vmem>>
          %dma_wait3A_375 = arith.constant 0 : i32
          %dma_wait3A_376 = arith.constant 0 : i32
          %dma_wait3A_377 = tpu.memref_slice %arg6[%dma_wait3A_375, %dma_wait3A_376] : memref<10016x128xf32, #tpu.memory_space<vmem_shared>> -> memref<10016x128xf32, #tpu.memory_space<vmem_shared>>
          tpu.wait_indirect_dma semaphore(%arg24 : memref<!tpu.dma_semaphore, #tpu.memory_space<semaphore_mem>>) src(%arg12 : memref<64x128xf32, #tpu.memory_space<vmem>>) dst(%dma_wait3A_377 : memref<10016x128xf32, #tpu.memory_space<vmem_shared>>)
        } else {
        }
        %add3A_360 = arith.constant 2 : i32
        %add3A_361 = arith.addi %add3A_232, %add3A_360 : i32
        %add3A_362 = arith.addi %mul3A_43, %add3A_361 : i32
        %dma_start3A_363 = arith.constant 0 : i32
        %dma_start3A_364 = arith.constant 0 : i32
        %dma_start3A_365 = tpu.memref_slice %arg3[%add3A_362, %dma_start3A_363, %dma_start3A_364] : memref<5040x3x64xi32, #tpu.memory_space<hbm>> -> memref<1x3x64xi32, #tpu.memory_space<hbm>>
        %dma_start3A_366 = tpu.memref_squeeze %dma_start3A_365 : memref<1x3x64xi32, #tpu.memory_space<hbm>> -> memref<3x64xi32, #tpu.memory_space<hbm>>
        %dma_start3A_367 = arith.constant 0 : i32
        %dma_start3A_368 = arith.constant 0 : i32
        %dma_start3A_369 = tpu.memref_slice %arg3[%add3A_362, %dma_start3A_367, %dma_start3A_368] : memref<5040x3x64xi32, #tpu.memory_space<hbm>> -> memref<1x3x64xi32, #tpu.memory_space<hbm>>
        %dma_start3A_370 = tpu.memref_squeeze %dma_start3A_369 : memref<1x3x64xi32, #tpu.memory_space<hbm>> -> memref<3x64xi32, #tpu.memory_space<hbm>>
        tpu.enqueue_dma source(%dma_start3A_370 : memref<3x64xi32, #tpu.memory_space<hbm>>) target(%arg9 : memref<3x64xi32, #tpu.memory_space<vmem>>) target_semaphore(%arg18 : memref<!tpu.dma_semaphore, #tpu.memory_space<semaphore_mem>>)
      } else {
      }
      %add3A_239 = arith.constant 1 : i32
      %add3A_240 = arith.addi %add3A_232, %add3A_239 : i32
      %lt3A_241 = arith.constant 315 : i32
      %lt3A_242 = arith.cmpi slt, %add3A_240, %lt3A_241 : i32
      %convert_element_type3A_243 = arith.extui %lt3A_242 : i1 to i32
      %cond3A_244 = arith.constant 0 : i32
      %cond3A_245 = arith.cmpi ne, %convert_element_type3A_243, %cond3A_244 : i32
      scf.if %cond3A_245 {
        %add3A_356 = arith.constant 1 : i32
        %add3A_357 = arith.addi %add3A_232, %add3A_356 : i32
        %dma_wait3A_358 = arith.constant 0 : i32
        %dma_wait3A_359 = arith.constant 0 : i32
        %dma_wait3A_360 = tpu.memref_slice %arg3[%mul3A_43, %dma_wait3A_358, %dma_wait3A_359] : memref<5040x3x64xi32, #tpu.memory_space<hbm>> -> memref<1x3x64xi32, #tpu.memory_space<hbm>>
        %dma_wait3A_361 = tpu.memref_squeeze %dma_wait3A_360 : memref<1x3x64xi32, #tpu.memory_space<hbm>> -> memref<3x64xi32, #tpu.memory_space<hbm>>
        %dma_wait3A_362 = arith.constant 0 : i32
        %dma_wait3A_363 = arith.constant 0 : i32
        %dma_wait3A_364 = tpu.memref_slice %arg3[%mul3A_43, %dma_wait3A_362, %dma_wait3A_363] : memref<5040x3x64xi32, #tpu.memory_space<hbm>> -> memref<1x3x64xi32, #tpu.memory_space<hbm>>
        %dma_wait3A_365 = tpu.memref_squeeze %dma_wait3A_364 : memref<1x3x64xi32, #tpu.memory_space<hbm>> -> memref<3x64xi32, #tpu.memory_space<hbm>>
        tpu.wait_dma2 semaphore(%arg17 : memref<!tpu.dma_semaphore, #tpu.memory_space<semaphore_mem>>) src(%dma_wait3A_365 : memref<3x64xi32, #tpu.memory_space<hbm>>) dst(%arg8 : memref<3x64xi32, #tpu.memory_space<vmem>>)
        %get3A_366 = arith.constant 0 : i32
        %get3A_367 = arith.index_cast %get3A_366 : i32 to index
        %get3A_368 = arith.constant 0 : index
        %get3A_369 = tpu.vector_load %arg8[%get3A_367, %get3A_368] {strides = array<i32>} : memref<3x64xi32, #tpu.memory_space<vmem>>, vector<1x16xi32>,
        %get3A_370 = vector.shape_cast %get3A_369 : vector<1x16xi32> to vector<16xi32>
        %add3A_371 = vector.broadcast %mul3A_45 : i32 to vector<16xi32>
        %add3A_372 = arith.addi %get3A_370, %add3A_371 : vector<16xi32>
        %swap3A_373 = arith.constant 0 : i32
        %swap3A_374 = arith.index_cast %swap3A_373 : i32 to index
        %swap3A_375 = arith.constant 0 : index
        %swap3A_376 = tpu.vector_load %arg8[%swap3A_374, %swap3A_375] {strides = array<i32>} : memref<3x64xi32, #tpu.memory_space<vmem>>, vector<1x16xi32>,
        %swap3A_377 = vector.shape_cast %swap3A_376 : vector<1x16xi32> to vector<16xi32>
        %swap3A_378 = vector.shape_cast %add3A_372 : vector<16xi32> to vector<1x16xi32>
        tpu.vector_store %arg8[%swap3A_374, %swap3A_375], %swap3A_378 {strides = array<i32>} : memref<3x64xi32, #tpu.memory_space<vmem>>, vector<1x16xi32>,
        %get3A_379 = arith.constant 2 : i32
        %get3A_380 = arith.index_cast %get3A_379 : i32 to index
        %get3A_381 = arith.constant 0 : index
        %get3A_382 = tpu.vector_load %arg8[%get3A_380, %get3A_381] {strides = array<i32>} : memref<3x64xi32, #tpu.memory_space<vmem>>, vector<1x16xi32>,
        %get3A_383 = vector.shape_cast %get3A_382 : vector<1x16xi32> to vector<16xi32>
        %add3A_384 = vector.broadcast %mul3A_50 : i32 to vector<16xi32>
        %add3A_385 = arith.addi %get3A_383, %add3A_384 : vector<16xi32>
        %swap3A_386 = arith.constant 2 : i32
        %swap3A_387 = arith.index_cast %swap3A_386 : i32 to index
        %swap3A_388 = arith.constant 0 : index
        %swap3A_389 = tpu.vector_load %arg8[%swap3A_387, %swap3A_388] {strides = array<i32>} : memref<3x64xi32, #tpu.memory_space<vmem>>, vector<1x16xi32>,
        %swap3A_390 = vector.shape_cast %swap3A_389 : vector<1x16xi32> to vector<16xi32>
        %swap3A_391 = vector.shape_cast %add3A_385 : vector<16xi32> to vector<1x16xi32>
        tpu.vector_store %arg8[%swap3A_387, %swap3A_388], %swap3A_391 {strides = array<i32>} : memref<3x64xi32, #tpu.memory_space<vmem>>, vector<1x16xi32>,
        %get3A_392 = arith.constant 0 : i32
        %get3A_393 = arith.index_cast %get3A_392 : i32 to index
        %get3A_394 = arith.constant 16 : index
        %get3A_395 = tpu.vector_load %arg8[%get3A_393, %get3A_394] {strides = array<i32>} : memref<3x64xi32, #tpu.memory_space<vmem>>, vector<1x16xi32>,
        %get3A_396 = vector.shape_cast %get3A_395 : vector<1x16xi32> to vector<16xi32>
        %add3A_397 = vector.broadcast %mul3A_45 : i32 to vector<16xi32>
        %add3A_398 = arith.addi %get3A_396, %add3A_397 : vector<16xi32>
        %swap3A_399 = arith.constant 0 : i32
        %swap3A_400 = arith.index_cast %swap3A_399 : i32 to index
        %swap3A_401 = arith.constant 16 : index
        %swap3A_402 = tpu.vector_load %arg8[%swap3A_400, %swap3A_401] {strides = array<i32>} : memref<3x64xi32, #tpu.memory_space<vmem>>, vector<1x16xi32>,
        %swap3A_403 = vector.shape_cast %swap3A_402 : vector<1x16xi32> to vector<16xi32>
        %swap3A_404 = vector.shape_cast %add3A_398 : vector<16xi32> to vector<1x16xi32>
        tpu.vector_store %arg8[%swap3A_400, %swap3A_401], %swap3A_404 {strides = array<i32>} : memref<3x64xi32, #tpu.memory_space<vmem>>, vector<1x16xi32>,
        %get3A_405 = arith.constant 2 : i32
        %get3A_406 = arith.index_cast %get3A_405 : i32 to index
        %get3A_407 = arith.constant 16 : index
        %get3A_408 = tpu.vector_load %arg8[%get3A_406, %get3A_407] {strides = array<i32>} : memref<3x64xi32, #tpu.memory_space<vmem>>, vector<1x16xi32>,
        %get3A_409 = vector.shape_cast %get3A_408 : vector<1x16xi32> to vector<16xi32>
        %add3A_410 = vector.broadcast %mul3A_50 : i32 to vector<16xi32>
        %add3A_411 = arith.addi %get3A_409, %add3A_410 : vector<16xi32>
        %swap3A_412 = arith.constant 2 : i32
        %swap3A_413 = arith.index_cast %swap3A_412 : i32 to index
        %swap3A_414 = arith.constant 16 : index
        %swap3A_415 = tpu.vector_load %arg8[%swap3A_413, %swap3A_414] {strides = array<i32>} : memref<3x64xi32, #tpu.memory_space<vmem>>, vector<1x16xi32>,
        %swap3A_416 = vector.shape_cast %swap3A_415 : vector<1x16xi32> to vector<16xi32>
        %swap3A_417 = vector.shape_cast %add3A_411 : vector<16xi32> to vector<1x16xi32>
        tpu.vector_store %arg8[%swap3A_413, %swap3A_414], %swap3A_417 {strides = array<i32>} : memref<3x64xi32, #tpu.memory_space<vmem>>, vector<1x16xi32>,
        %get3A_418 = arith.constant 0 : i32
        %get3A_419 = arith.index_cast %get3A_418 : i32 to index
        %get3A_420 = arith.constant 32 : index
        %get3A_421 = tpu.vector_load %arg8[%get3A_419, %get3A_420] {strides = array<i32>} : memref<3x64xi32, #tpu.memory_space<vmem>>, vector<1x16xi32>,
        %get3A_422 = vector.shape_cast %get3A_421 : vector<1x16xi32> to vector<16xi32>
        %add3A_423 = vector.broadcast %mul3A_45 : i32 to vector<16xi32>
        %add3A_424 = arith.addi %get3A_422, %add3A_423 : vector<16xi32>
        %swap3A_425 = arith.constant 0 : i32
        %swap3A_426 = arith.index_cast %swap3A_425 : i32 to index
        %swap3A_427 = arith.constant 32 : index
        %swap3A_428 = tpu.vector_load %arg8[%swap3A_426, %swap3A_427] {strides = array<i32>} : memref<3x64xi32, #tpu.memory_space<vmem>>, vector<1x16xi32>,
        %swap3A_429 = vector.shape_cast %swap3A_428 : vector<1x16xi32> to vector<16xi32>
        %swap3A_430 = vector.shape_cast %add3A_424 : vector<16xi32> to vector<1x16xi32>
        tpu.vector_store %arg8[%swap3A_426, %swap3A_427], %swap3A_430 {strides = array<i32>} : memref<3x64xi32, #tpu.memory_space<vmem>>, vector<1x16xi32>,
        %get3A_431 = arith.constant 2 : i32
        %get3A_432 = arith.index_cast %get3A_431 : i32 to index
        %get3A_433 = arith.constant 32 : index
        %get3A_434 = tpu.vector_load %arg8[%get3A_432, %get3A_433] {strides = array<i32>} : memref<3x64xi32, #tpu.memory_space<vmem>>, vector<1x16xi32>,
        %get3A_435 = vector.shape_cast %get3A_434 : vector<1x16xi32> to vector<16xi32>
        %add3A_436 = vector.broadcast %mul3A_50 : i32 to vector<16xi32>
        %add3A_437 = arith.addi %get3A_435, %add3A_436 : vector<16xi32>
        %swap3A_438 = arith.constant 2 : i32
        %swap3A_439 = arith.index_cast %swap3A_438 : i32 to index
        %swap3A_440 = arith.constant 32 : index
        %swap3A_441 = tpu.vector_load %arg8[%swap3A_439, %swap3A_440] {strides = array<i32>} : memref<3x64xi32, #tpu.memory_space<vmem>>, vector<1x16xi32>,
        %swap3A_442 = vector.shape_cast %swap3A_441 : vector<1x16xi32> to vector<16xi32>
        %swap3A_443 = vector.shape_cast %add3A_437 : vector<16xi32> to vector<1x16xi32>
        tpu.vector_store %arg8[%swap3A_439, %swap3A_440], %swap3A_443 {strides = array<i32>} : memref<3x64xi32, #tpu.memory_space<vmem>>, vector<1x16xi32>,
        %get3A_444 = arith.constant 0 : i32
        %get3A_445 = arith.index_cast %get3A_444 : i32 to index
        %get3A_446 = arith.constant 48 : index
        %get3A_447 = tpu.vector_load %arg8[%get3A_445, %get3A_446] {strides = array<i32>} : memref<3x64xi32, #tpu.memory_space<vmem>>, vector<1x16xi32>,
        %get3A_448 = vector.shape_cast %get3A_447 : vector<1x16xi32> to vector<16xi32>
        %add3A_449 = vector.broadcast %mul3A_45 : i32 to vector<16xi32>
        %add3A_450 = arith.addi %get3A_448, %add3A_449 : vector<16xi32>
        %swap3A_451 = arith.constant 0 : i32
        %swap3A_452 = arith.index_cast %swap3A_451 : i32 to index
        %swap3A_453 = arith.constant 48 : index
        %swap3A_454 = tpu.vector_load %arg8[%swap3A_452, %swap3A_453] {strides = array<i32>} : memref<3x64xi32, #tpu.memory_space<vmem>>, vector<1x16xi32>,
        %swap3A_455 = vector.shape_cast %swap3A_454 : vector<1x16xi32> to vector<16xi32>
        %swap3A_456 = vector.shape_cast %add3A_450 : vector<16xi32> to vector<1x16xi32>
        tpu.vector_store %arg8[%swap3A_452, %swap3A_453], %swap3A_456 {strides = array<i32>} : memref<3x64xi32, #tpu.memory_space<vmem>>, vector<1x16xi32>,
        %get3A_457 = arith.constant 2 : i32
        %get3A_458 = arith.index_cast %get3A_457 : i32 to index
        %get3A_459 = arith.constant 48 : index
        %get3A_460 = tpu.vector_load %arg8[%get3A_458, %get3A_459] {strides = array<i32>} : memref<3x64xi32, #tpu.memory_space<vmem>>, vector<1x16xi32>,
        %get3A_461 = vector.shape_cast %get3A_460 : vector<1x16xi32> to vector<16xi32>
        %add3A_462 = vector.broadcast %mul3A_50 : i32 to vector<16xi32>
        %add3A_463 = arith.addi %get3A_461, %add3A_462 : vector<16xi32>
        %swap3A_464 = arith.constant 2 : i32
        %swap3A_465 = arith.index_cast %swap3A_464 : i32 to index
        %swap3A_466 = arith.constant 48 : index
        %swap3A_467 = tpu.vector_load %arg8[%swap3A_465, %swap3A_466] {strides = array<i32>} : memref<3x64xi32, #tpu.memory_space<vmem>>, vector<1x16xi32>,
        %swap3A_468 = vector.shape_cast %swap3A_467 : vector<1x16xi32> to vector<16xi32>
        %swap3A_469 = vector.shape_cast %add3A_463 : vector<16xi32> to vector<1x16xi32>
        tpu.vector_store %arg8[%swap3A_465, %swap3A_466], %swap3A_469 {strides = array<i32>} : memref<3x64xi32, #tpu.memory_space<vmem>>, vector<1x16xi32>,
        %dma_start3A_470 = arith.constant 0 : i32
        %dma_start3A_471 = arith.constant 0 : i32
        %dma_start3A_472 = tpu.memref_slice %arg8[%dma_start3A_470, %dma_start3A_471] : memref<3x64xi32, #tpu.memory_space<vmem>> -> memref<1x64xi32, #tpu.memory_space<vmem>>
        %dma_start3A_473 = tpu.memref_squeeze %dma_start3A_472 : memref<1x64xi32, #tpu.memory_space<vmem>> -> memref<64xi32, #tpu.memory_space<vmem>>
        %dma_start3A_474 = arith.constant 0 : i32
        %dma_start3A_475 = arith.constant 0 : i32
        %dma_start3A_476 = tpu.memref_slice %arg2[%dma_start3A_474, %dma_start3A_475] : memref<20000x128xf32, #tpu.memory_space<hbm>> -> memref<20000x128xf32, #tpu.memory_space<hbm>>
        tpu.enqueue_indirect_dma source(%dma_start3A_476 : memref<20000x128xf32, #tpu.memory_space<hbm>>) target(%arg11 : memref<64x128xf32, #tpu.memory_space<vmem>>) offsets(%dma_start3A_473 : memref<64xi32, #tpu.memory_space<vmem>>) semaphore(%arg20 : memref<!tpu.dma_semaphore, #tpu.memory_space<semaphore_mem>>)
        %dma_start3A_477 = arith.constant 2 : i32
        %dma_start3A_478 = arith.constant 0 : i32
        %dma_start3A_479 = tpu.memref_slice %arg8[%dma_start3A_477, %dma_start3A_478] : memref<3x64xi32, #tpu.memory_space<vmem>> -> memref<1x64xi32, #tpu.memory_space<vmem>>
        %dma_start3A_480 = tpu.memref_squeeze %dma_start3A_479 : memref<1x64xi32, #tpu.memory_space<vmem>> -> memref<64xi32, #tpu.memory_space<vmem>>
        %dma_start3A_481 = arith.constant 0 : i32
        %dma_start3A_482 = arith.constant 0 : i32
        %dma_start3A_483 = tpu.memref_slice %arg4[%dma_start3A_481, %dma_start3A_482] : memref<2048x128xf32, #tpu.memory_space<hbm>> -> memref<2048x128xf32, #tpu.memory_space<hbm>>
        tpu.enqueue_indirect_dma source(%dma_start3A_483 : memref<2048x128xf32, #tpu.memory_space<hbm>>) target(%arg14 : memref<64x128xf32, #tpu.memory_space<vmem>>) offsets(%dma_start3A_480 : memref<64xi32, #tpu.memory_space<vmem>>) semaphore(%arg20 : memref<!tpu.dma_semaphore, #tpu.memory_space<semaphore_mem>>)
      } else {
      }
      %dma_wait3A_246 = arith.constant 0 : i32
      %dma_wait3A_247 = arith.constant 0 : i32
      %dma_wait3A_248 = tpu.memref_slice %arg7[%dma_wait3A_246, %dma_wait3A_247] : memref<3x64xi32, #tpu.memory_space<vmem>> -> memref<1x64xi32, #tpu.memory_space<vmem>>
      %dma_wait3A_249 = tpu.memref_squeeze %dma_wait3A_248 : memref<1x64xi32, #tpu.memory_space<vmem>> -> memref<64xi32, #tpu.memory_space<vmem>>
      %dma_wait3A_250 = arith.constant 0 : i32
      %dma_wait3A_251 = arith.constant 0 : i32
      %dma_wait3A_252 = tpu.memref_slice %arg2[%dma_wait3A_250, %dma_wait3A_251] : memref<20000x128xf32, #tpu.memory_space<hbm>> -> memref<20000x128xf32, #tpu.memory_space<hbm>>
      tpu.wait_indirect_dma semaphore(%arg19 : memref<!tpu.dma_semaphore, #tpu.memory_space<semaphore_mem>>) src(%dma_wait3A_252 : memref<20000x128xf32, #tpu.memory_space<hbm>>) dst(%arg10 : memref<64x128xf32, #tpu.memory_space<vmem>>)
      %dma_wait3A_253 = arith.constant 0 : i32
      %dma_wait3A_254 = arith.constant 0 : i32
      %dma_wait3A_255 = tpu.memref_slice %arg7[%dma_wait3A_253, %dma_wait3A_254] : memref<3x64xi32, #tpu.memory_space<vmem>> -> memref<1x64xi32, #tpu.memory_space<vmem>>
      %dma_wait3A_256 = tpu.memref_squeeze %dma_wait3A_255 : memref<1x64xi32, #tpu.memory_space<vmem>> -> memref<64xi32, #tpu.memory_space<vmem>>
      %dma_wait3A_257 = arith.constant 0 : i32
      %dma_wait3A_258 = arith.constant 0 : i32
      %dma_wait3A_259 = tpu.memref_slice %arg2[%dma_wait3A_257, %dma_wait3A_258] : memref<20000x128xf32, #tpu.memory_space<hbm>> -> memref<20000x128xf32, #tpu.memory_space<hbm>>
      tpu.wait_indirect_dma semaphore(%arg19 : memref<!tpu.dma_semaphore, #tpu.memory_space<semaphore_mem>>) src(%dma_wait3A_259 : memref<20000x128xf32, #tpu.memory_space<hbm>>) dst(%arg13 : memref<64x128xf32, #tpu.memory_space<vmem>>)
      %scan3A_260 = arith.constant 0 : i32
      %scan3A_261 = arith.constant 64 : i32
      %scan3A_262 = arith.addi %scan3A_260, %scan3A_261 : i32
      %scan3A_263 = arith.constant 2 : i32
      scf.for %scan3A_356 = %scan3A_260 to %scan3A_262 step %scan3A_263  : i32 {
        %mul3A_357 = arith.constant 1 : i32
        %mul3A_358 = arith.muli %scan3A_356, %mul3A_357 : i32
        %add3A_359 = arith.constant 0 : i32
        %add3A_360 = arith.addi %add3A_359, %mul3A_358 : i32
        %get3A_361 = arith.index_cast %add3A_360 : i32 to index
        %get3A_362 = arith.constant 0 : index
        %get3A_363 = tpu.vector_load %arg10[%get3A_361, %get3A_362] {strides = array<i32>} : memref<64x128xf32, #tpu.memory_space<vmem>>, vector<1x16xf32>,
        %get3A_364 = vector.shape_cast %get3A_363 : vector<1x16xf32> to vector<16xf32>
        %get3A_365 = arith.index_cast %add3A_360 : i32 to index
        %get3A_366 = arith.constant 0 : index
        %get3A_367 = tpu.vector_load %arg13[%get3A_365, %get3A_366] {strides = array<i32>} : memref<64x128xf32, #tpu.memory_space<vmem>>, vector<1x16xf32>,
        %get3A_368 = vector.shape_cast %get3A_367 : vector<1x16xf32> to vector<16xf32>
        %mul3A_369 = arith.mulf %get3A_364, %get3A_368 : vector<16xf32>
        %swap3A_370 = arith.index_cast %add3A_360 : i32 to index
        %swap3A_371 = arith.constant 0 : index
        %swap3A_372 = tpu.vector_load %arg10[%swap3A_370, %swap3A_371] {strides = array<i32>} : memref<64x128xf32, #tpu.memory_space<vmem>>, vector<1x16xf32>,
        %swap3A_373 = vector.shape_cast %swap3A_372 : vector<1x16xf32> to vector<16xf32>
        %swap3A_374 = vector.shape_cast %mul3A_369 : vector<16xf32> to vector<1x16xf32>
        tpu.vector_store %arg10[%swap3A_370, %swap3A_371], %swap3A_374 {strides = array<i32>} : memref<64x128xf32, #tpu.memory_space<vmem>>, vector<1x16xf32>,
        %get3A_375 = arith.index_cast %add3A_360 : i32 to index
        %get3A_376 = arith.constant 16 : index
        %get3A_377 = tpu.vector_load %arg10[%get3A_375, %get3A_376] {strides = array<i32>} : memref<64x128xf32, #tpu.memory_space<vmem>>, vector<1x16xf32>,
        %get3A_378 = vector.shape_cast %get3A_377 : vector<1x16xf32> to vector<16xf32>
        %get3A_379 = arith.index_cast %add3A_360 : i32 to index
        %get3A_380 = arith.constant 16 : index
        %get3A_381 = tpu.vector_load %arg13[%get3A_379, %get3A_380] {strides = array<i32>} : memref<64x128xf32, #tpu.memory_space<vmem>>, vector<1x16xf32>,
        %get3A_382 = vector.shape_cast %get3A_381 : vector<1x16xf32> to vector<16xf32>
        %mul3A_383 = arith.mulf %get3A_378, %get3A_382 : vector<16xf32>
        %swap3A_384 = arith.index_cast %add3A_360 : i32 to index
        %swap3A_385 = arith.constant 16 : index
        %swap3A_386 = tpu.vector_load %arg10[%swap3A_384, %swap3A_385] {strides = array<i32>} : memref<64x128xf32, #tpu.memory_space<vmem>>, vector<1x16xf32>,
        %swap3A_387 = vector.shape_cast %swap3A_386 : vector<1x16xf32> to vector<16xf32>
        %swap3A_388 = vector.shape_cast %mul3A_383 : vector<16xf32> to vector<1x16xf32>
        tpu.vector_store %arg10[%swap3A_384, %swap3A_385], %swap3A_388 {strides = array<i32>} : memref<64x128xf32, #tpu.memory_space<vmem>>, vector<1x16xf32>,
        %get3A_389 = arith.index_cast %add3A_360 : i32 to index
        %get3A_390 = arith.constant 32 : index
        %get3A_391 = tpu.vector_load %arg10[%get3A_389, %get3A_390] {strides = array<i32>} : memref<64x128xf32, #tpu.memory_space<vmem>>, vector<1x16xf32>,
        %get3A_392 = vector.shape_cast %get3A_391 : vector<1x16xf32> to vector<16xf32>
        %get3A_393 = arith.index_cast %add3A_360 : i32 to index
        %get3A_394 = arith.constant 32 : index
        %get3A_395 = tpu.vector_load %arg13[%get3A_393, %get3A_394] {strides = array<i32>} : memref<64x128xf32, #tpu.memory_space<vmem>>, vector<1x16xf32>,
        %get3A_396 = vector.shape_cast %get3A_395 : vector<1x16xf32> to vector<16xf32>
        %mul3A_397 = arith.mulf %get3A_392, %get3A_396 : vector<16xf32>
        %swap3A_398 = arith.index_cast %add3A_360 : i32 to index
        %swap3A_399 = arith.constant 32 : index
        %swap3A_400 = tpu.vector_load %arg10[%swap3A_398, %swap3A_399] {strides = array<i32>} : memref<64x128xf32, #tpu.memory_space<vmem>>, vector<1x16xf32>,
        %swap3A_401 = vector.shape_cast %swap3A_400 : vector<1x16xf32> to vector<16xf32>
        %swap3A_402 = vector.shape_cast %mul3A_397 : vector<16xf32> to vector<1x16xf32>
        tpu.vector_store %arg10[%swap3A_398, %swap3A_399], %swap3A_402 {strides = array<i32>} : memref<64x128xf32, #tpu.memory_space<vmem>>, vector<1x16xf32>,
        %get3A_403 = arith.index_cast %add3A_360 : i32 to index
        %get3A_404 = arith.constant 48 : index
        %get3A_405 = tpu.vector_load %arg10[%get3A_403, %get3A_404] {strides = array<i32>} : memref<64x128xf32, #tpu.memory_space<vmem>>, vector<1x16xf32>,
        %get3A_406 = vector.shape_cast %get3A_405 : vector<1x16xf32> to vector<16xf32>
        %get3A_407 = arith.index_cast %add3A_360 : i32 to index
        %get3A_408 = arith.constant 48 : index
        %get3A_409 = tpu.vector_load %arg13[%get3A_407, %get3A_408] {strides = array<i32>} : memref<64x128xf32, #tpu.memory_space<vmem>>, vector<1x16xf32>,
        %get3A_410 = vector.shape_cast %get3A_409 : vector<1x16xf32> to vector<16xf32>
        %mul3A_411 = arith.mulf %get3A_406, %get3A_410 : vector<16xf32>
        %swap3A_412 = arith.index_cast %add3A_360 : i32 to index
        %swap3A_413 = arith.constant 48 : index
        %swap3A_414 = tpu.vector_load %arg10[%swap3A_412, %swap3A_413] {strides = array<i32>} : memref<64x128xf32, #tpu.memory_space<vmem>>, vector<1x16xf32>,
        %swap3A_415 = vector.shape_cast %swap3A_414 : vector<1x16xf32> to vector<16xf32>
        %swap3A_416 = vector.shape_cast %mul3A_411 : vector<16xf32> to vector<1x16xf32>
        tpu.vector_store %arg10[%swap3A_412, %swap3A_413], %swap3A_416 {strides = array<i32>} : memref<64x128xf32, #tpu.memory_space<vmem>>, vector<1x16xf32>,
        %get3A_417 = arith.index_cast %add3A_360 : i32 to index
        %get3A_418 = arith.constant 64 : index
        %get3A_419 = tpu.vector_load %arg10[%get3A_417, %get3A_418] {strides = array<i32>} : memref<64x128xf32, #tpu.memory_space<vmem>>, vector<1x16xf32>,
        %get3A_420 = vector.shape_cast %get3A_419 : vector<1x16xf32> to vector<16xf32>
        %get3A_421 = arith.index_cast %add3A_360 : i32 to index
        %get3A_422 = arith.constant 64 : index
        %get3A_423 = tpu.vector_load %arg13[%get3A_421, %get3A_422] {strides = array<i32>} : memref<64x128xf32, #tpu.memory_space<vmem>>, vector<1x16xf32>,
        %get3A_424 = vector.shape_cast %get3A_423 : vector<1x16xf32> to vector<16xf32>
        %mul3A_425 = arith.mulf %get3A_420, %get3A_424 : vector<16xf32>
        %swap3A_426 = arith.index_cast %add3A_360 : i32 to index
        %swap3A_427 = arith.constant 64 : index
        %swap3A_428 = tpu.vector_load %arg10[%swap3A_426, %swap3A_427] {strides = array<i32>} : memref<64x128xf32, #tpu.memory_space<vmem>>, vector<1x16xf32>,
        %swap3A_429 = vector.shape_cast %swap3A_428 : vector<1x16xf32> to vector<16xf32>
        %swap3A_430 = vector.shape_cast %mul3A_425 : vector<16xf32> to vector<1x16xf32>
        tpu.vector_store %arg10[%swap3A_426, %swap3A_427], %swap3A_430 {strides = array<i32>} : memref<64x128xf32, #tpu.memory_space<vmem>>, vector<1x16xf32>,
        %get3A_431 = arith.index_cast %add3A_360 : i32 to index
        %get3A_432 = arith.constant 80 : index
        %get3A_433 = tpu.vector_load %arg10[%get3A_431, %get3A_432] {strides = array<i32>} : memref<64x128xf32, #tpu.memory_space<vmem>>, vector<1x16xf32>,
        %get3A_434 = vector.shape_cast %get3A_433 : vector<1x16xf32> to vector<16xf32>
        %get3A_435 = arith.index_cast %add3A_360 : i32 to index
        %get3A_436 = arith.constant 80 : index
        %get3A_437 = tpu.vector_load %arg13[%get3A_435, %get3A_436] {strides = array<i32>} : memref<64x128xf32, #tpu.memory_space<vmem>>, vector<1x16xf32>,
        %get3A_438 = vector.shape_cast %get3A_437 : vector<1x16xf32> to vector<16xf32>
        %mul3A_439 = arith.mulf %get3A_434, %get3A_438 : vector<16xf32>
        %swap3A_440 = arith.index_cast %add3A_360 : i32 to index
        %swap3A_441 = arith.constant 80 : index
        %swap3A_442 = tpu.vector_load %arg10[%swap3A_440, %swap3A_441] {strides = array<i32>} : memref<64x128xf32, #tpu.memory_space<vmem>>, vector<1x16xf32>,
        %swap3A_443 = vector.shape_cast %swap3A_442 : vector<1x16xf32> to vector<16xf32>
        %swap3A_444 = vector.shape_cast %mul3A_439 : vector<16xf32> to vector<1x16xf32>
        tpu.vector_store %arg10[%swap3A_440, %swap3A_441], %swap3A_444 {strides = array<i32>} : memref<64x128xf32, #tpu.memory_space<vmem>>, vector<1x16xf32>,
        %get3A_445 = arith.index_cast %add3A_360 : i32 to index
        %get3A_446 = arith.constant 96 : index
        %get3A_447 = tpu.vector_load %arg10[%get3A_445, %get3A_446] {strides = array<i32>} : memref<64x128xf32, #tpu.memory_space<vmem>>, vector<1x16xf32>,
        %get3A_448 = vector.shape_cast %get3A_447 : vector<1x16xf32> to vector<16xf32>
        %get3A_449 = arith.index_cast %add3A_360 : i32 to index
        %get3A_450 = arith.constant 96 : index
        %get3A_451 = tpu.vector_load %arg13[%get3A_449, %get3A_450] {strides = array<i32>} : memref<64x128xf32, #tpu.memory_space<vmem>>, vector<1x16xf32>,
        %get3A_452 = vector.shape_cast %get3A_451 : vector<1x16xf32> to vector<16xf32>
        %mul3A_453 = arith.mulf %get3A_448, %get3A_452 : vector<16xf32>
        %swap3A_454 = arith.index_cast %add3A_360 : i32 to index
        %swap3A_455 = arith.constant 96 : index
        %swap3A_456 = tpu.vector_load %arg10[%swap3A_454, %swap3A_455] {strides = array<i32>} : memref<64x128xf32, #tpu.memory_space<vmem>>, vector<1x16xf32>,
        %swap3A_457 = vector.shape_cast %swap3A_456 : vector<1x16xf32> to vector<16xf32>
        %swap3A_458 = vector.shape_cast %mul3A_453 : vector<16xf32> to vector<1x16xf32>
        tpu.vector_store %arg10[%swap3A_454, %swap3A_455], %swap3A_458 {strides = array<i32>} : memref<64x128xf32, #tpu.memory_space<vmem>>, vector<1x16xf32>,
        %get3A_459 = arith.index_cast %add3A_360 : i32 to index
        %get3A_460 = arith.constant 112 : index
        %get3A_461 = tpu.vector_load %arg10[%get3A_459, %get3A_460] {strides = array<i32>} : memref<64x128xf32, #tpu.memory_space<vmem>>, vector<1x16xf32>,
        %get3A_462 = vector.shape_cast %get3A_461 : vector<1x16xf32> to vector<16xf32>
        %get3A_463 = arith.index_cast %add3A_360 : i32 to index
        %get3A_464 = arith.constant 112 : index
        %get3A_465 = tpu.vector_load %arg13[%get3A_463, %get3A_464] {strides = array<i32>} : memref<64x128xf32, #tpu.memory_space<vmem>>, vector<1x16xf32>,
        %get3A_466 = vector.shape_cast %get3A_465 : vector<1x16xf32> to vector<16xf32>
        %mul3A_467 = arith.mulf %get3A_462, %get3A_466 : vector<16xf32>
        %swap3A_468 = arith.index_cast %add3A_360 : i32 to index
        %swap3A_469 = arith.constant 112 : index
        %swap3A_470 = tpu.vector_load %arg10[%swap3A_468, %swap3A_469] {strides = array<i32>} : memref<64x128xf32, #tpu.memory_space<vmem>>, vector<1x16xf32>,
        %swap3A_471 = vector.shape_cast %swap3A_470 : vector<1x16xf32> to vector<16xf32>
        %swap3A_472 = vector.shape_cast %mul3A_467 : vector<16xf32> to vector<1x16xf32>
        tpu.vector_store %arg10[%swap3A_468, %swap3A_469], %swap3A_472 {strides = array<i32>} : memref<64x128xf32, #tpu.memory_space<vmem>>, vector<1x16xf32>,
        %scan3A_473 = arith.constant 1 : i32
        %scan3A_474 = arith.addi %scan3A_356, %scan3A_473 : i32
        %mul3A_475 = arith.constant 1 : i32
        %mul3A_476 = arith.muli %scan3A_474, %mul3A_475 : i32
        %add3A_477 = arith.constant 0 : i32
        %add3A_478 = arith.addi %add3A_477, %mul3A_476 : i32
        %get3A_479 = arith.index_cast %add3A_478 : i32 to index
        %get3A_480 = arith.constant 0 : index
        %get3A_481 = tpu.vector_load %arg10[%get3A_479, %get3A_480] {strides = array<i32>} : memref<64x128xf32, #tpu.memory_space<vmem>>, vector<1x16xf32>,
        %get3A_482 = vector.shape_cast %get3A_481 : vector<1x16xf32> to vector<16xf32>
        %get3A_483 = arith.index_cast %add3A_478 : i32 to index
        %get3A_484 = arith.constant 0 : index
        %get3A_485 = tpu.vector_load %arg13[%get3A_483, %get3A_484] {strides = array<i32>} : memref<64x128xf32, #tpu.memory_space<vmem>>, vector<1x16xf32>,
        %get3A_486 = vector.shape_cast %get3A_485 : vector<1x16xf32> to vector<16xf32>
        %mul3A_487 = arith.mulf %get3A_482, %get3A_486 : vector<16xf32>
        %swap3A_488 = arith.index_cast %add3A_478 : i32 to index
        %swap3A_489 = arith.constant 0 : index
        %swap3A_490 = tpu.vector_load %arg10[%swap3A_488, %swap3A_489] {strides = array<i32>} : memref<64x128xf32, #tpu.memory_space<vmem>>, vector<1x16xf32>,
        %swap3A_491 = vector.shape_cast %swap3A_490 : vector<1x16xf32> to vector<16xf32>
        %swap3A_492 = vector.shape_cast %mul3A_487 : vector<16xf32> to vector<1x16xf32>
        tpu.vector_store %arg10[%swap3A_488, %swap3A_489], %swap3A_492 {strides = array<i32>} : memref<64x128xf32, #tpu.memory_space<vmem>>, vector<1x16xf32>,
        %get3A_493 = arith.index_cast %add3A_478 : i32 to index
        %get3A_494 = arith.constant 16 : index
        %get3A_495 = tpu.vector_load %arg10[%get3A_493, %get3A_494] {strides = array<i32>} : memref<64x128xf32, #tpu.memory_space<vmem>>, vector<1x16xf32>,
        %get3A_496 = vector.shape_cast %get3A_495 : vector<1x16xf32> to vector<16xf32>
        %get3A_497 = arith.index_cast %add3A_478 : i32 to index
        %get3A_498 = arith.constant 16 : index
        %get3A_499 = tpu.vector_load %arg13[%get3A_497, %get3A_498] {strides = array<i32>} : memref<64x128xf32, #tpu.memory_space<vmem>>, vector<1x16xf32>,
        %get3A_500 = vector.shape_cast %get3A_499 : vector<1x16xf32> to vector<16xf32>
        %mul3A_501 = arith.mulf %get3A_496, %get3A_500 : vector<16xf32>
        %swap3A_502 = arith.index_cast %add3A_478 : i32 to index
        %swap3A_503 = arith.constant 16 : index
        %swap3A_504 = tpu.vector_load %arg10[%swap3A_502, %swap3A_503] {strides = array<i32>} : memref<64x128xf32, #tpu.memory_space<vmem>>, vector<1x16xf32>,
        %swap3A_505 = vector.shape_cast %swap3A_504 : vector<1x16xf32> to vector<16xf32>
        %swap3A_506 = vector.shape_cast %mul3A_501 : vector<16xf32> to vector<1x16xf32>
        tpu.vector_store %arg10[%swap3A_502, %swap3A_503], %swap3A_506 {strides = array<i32>} : memref<64x128xf32, #tpu.memory_space<vmem>>, vector<1x16xf32>,
        %get3A_507 = arith.index_cast %add3A_478 : i32 to index
        %get3A_508 = arith.constant 32 : index
        %get3A_509 = tpu.vector_load %arg10[%get3A_507, %get3A_508] {strides = array<i32>} : memref<64x128xf32, #tpu.memory_space<vmem>>, vector<1x16xf32>,
        %get3A_510 = vector.shape_cast %get3A_509 : vector<1x16xf32> to vector<16xf32>
        %get3A_511 = arith.index_cast %add3A_478 : i32 to index
        %get3A_512 = arith.constant 32 : index
        %get3A_513 = tpu.vector_load %arg13[%get3A_511, %get3A_512] {strides = array<i32>} : memref<64x128xf32, #tpu.memory_space<vmem>>, vector<1x16xf32>,
        %get3A_514 = vector.shape_cast %get3A_513 : vector<1x16xf32> to vector<16xf32>
        %mul3A_515 = arith.mulf %get3A_510, %get3A_514 : vector<16xf32>
        %swap3A_516 = arith.index_cast %add3A_478 : i32 to index
        %swap3A_517 = arith.constant 32 : index
        %swap3A_518 = tpu.vector_load %arg10[%swap3A_516, %swap3A_517] {strides = array<i32>} : memref<64x128xf32, #tpu.memory_space<vmem>>, vector<1x16xf32>,
        %swap3A_519 = vector.shape_cast %swap3A_518 : vector<1x16xf32> to vector<16xf32>
        %swap3A_520 = vector.shape_cast %mul3A_515 : vector<16xf32> to vector<1x16xf32>
        tpu.vector_store %arg10[%swap3A_516, %swap3A_517], %swap3A_520 {strides = array<i32>} : memref<64x128xf32, #tpu.memory_space<vmem>>, vector<1x16xf32>,
        %get3A_521 = arith.index_cast %add3A_478 : i32 to index
        %get3A_522 = arith.constant 48 : index
        %get3A_523 = tpu.vector_load %arg10[%get3A_521, %get3A_522] {strides = array<i32>} : memref<64x128xf32, #tpu.memory_space<vmem>>, vector<1x16xf32>,
        %get3A_524 = vector.shape_cast %get3A_523 : vector<1x16xf32> to vector<16xf32>
        %get3A_525 = arith.index_cast %add3A_478 : i32 to index
        %get3A_526 = arith.constant 48 : index
        %get3A_527 = tpu.vector_load %arg13[%get3A_525, %get3A_526] {strides = array<i32>} : memref<64x128xf32, #tpu.memory_space<vmem>>, vector<1x16xf32>,
        %get3A_528 = vector.shape_cast %get3A_527 : vector<1x16xf32> to vector<16xf32>
        %mul3A_529 = arith.mulf %get3A_524, %get3A_528 : vector<16xf32>
        %swap3A_530 = arith.index_cast %add3A_478 : i32 to index
        %swap3A_531 = arith.constant 48 : index
        %swap3A_532 = tpu.vector_load %arg10[%swap3A_530, %swap3A_531] {strides = array<i32>} : memref<64x128xf32, #tpu.memory_space<vmem>>, vector<1x16xf32>,
        %swap3A_533 = vector.shape_cast %swap3A_532 : vector<1x16xf32> to vector<16xf32>
        %swap3A_534 = vector.shape_cast %mul3A_529 : vector<16xf32> to vector<1x16xf32>
        tpu.vector_store %arg10[%swap3A_530, %swap3A_531], %swap3A_534 {strides = array<i32>} : memref<64x128xf32, #tpu.memory_space<vmem>>, vector<1x16xf32>,
        %get3A_535 = arith.index_cast %add3A_478 : i32 to index
        %get3A_536 = arith.constant 64 : index
        %get3A_537 = tpu.vector_load %arg10[%get3A_535, %get3A_536] {strides = array<i32>} : memref<64x128xf32, #tpu.memory_space<vmem>>, vector<1x16xf32>,
        %get3A_538 = vector.shape_cast %get3A_537 : vector<1x16xf32> to vector<16xf32>
        %get3A_539 = arith.index_cast %add3A_478 : i32 to index
        %get3A_540 = arith.constant 64 : index
        %get3A_541 = tpu.vector_load %arg13[%get3A_539, %get3A_540] {strides = array<i32>} : memref<64x128xf32, #tpu.memory_space<vmem>>, vector<1x16xf32>,
        %get3A_542 = vector.shape_cast %get3A_541 : vector<1x16xf32> to vector<16xf32>
        %mul3A_543 = arith.mulf %get3A_538, %get3A_542 : vector<16xf32>
        %swap3A_544 = arith.index_cast %add3A_478 : i32 to index
        %swap3A_545 = arith.constant 64 : index
        %swap3A_546 = tpu.vector_load %arg10[%swap3A_544, %swap3A_545] {strides = array<i32>} : memref<64x128xf32, #tpu.memory_space<vmem>>, vector<1x16xf32>,
        %swap3A_547 = vector.shape_cast %swap3A_546 : vector<1x16xf32> to vector<16xf32>
        %swap3A_548 = vector.shape_cast %mul3A_543 : vector<16xf32> to vector<1x16xf32>
        tpu.vector_store %arg10[%swap3A_544, %swap3A_545], %swap3A_548 {strides = array<i32>} : memref<64x128xf32, #tpu.memory_space<vmem>>, vector<1x16xf32>,
        %get3A_549 = arith.index_cast %add3A_478 : i32 to index
        %get3A_550 = arith.constant 80 : index
        %get3A_551 = tpu.vector_load %arg10[%get3A_549, %get3A_550] {strides = array<i32>} : memref<64x128xf32, #tpu.memory_space<vmem>>, vector<1x16xf32>,
        %get3A_552 = vector.shape_cast %get3A_551 : vector<1x16xf32> to vector<16xf32>
        %get3A_553 = arith.index_cast %add3A_478 : i32 to index
        %get3A_554 = arith.constant 80 : index
        %get3A_555 = tpu.vector_load %arg13[%get3A_553, %get3A_554] {strides = array<i32>} : memref<64x128xf32, #tpu.memory_space<vmem>>, vector<1x16xf32>,
        %get3A_556 = vector.shape_cast %get3A_555 : vector<1x16xf32> to vector<16xf32>
        %mul3A_557 = arith.mulf %get3A_552, %get3A_556 : vector<16xf32>
        %swap3A_558 = arith.index_cast %add3A_478 : i32 to index
        %swap3A_559 = arith.constant 80 : index
        %swap3A_560 = tpu.vector_load %arg10[%swap3A_558, %swap3A_559] {strides = array<i32>} : memref<64x128xf32, #tpu.memory_space<vmem>>, vector<1x16xf32>,
        %swap3A_561 = vector.shape_cast %swap3A_560 : vector<1x16xf32> to vector<16xf32>
        %swap3A_562 = vector.shape_cast %mul3A_557 : vector<16xf32> to vector<1x16xf32>
        tpu.vector_store %arg10[%swap3A_558, %swap3A_559], %swap3A_562 {strides = array<i32>} : memref<64x128xf32, #tpu.memory_space<vmem>>, vector<1x16xf32>,
        %get3A_563 = arith.index_cast %add3A_478 : i32 to index
        %get3A_564 = arith.constant 96 : index
        %get3A_565 = tpu.vector_load %arg10[%get3A_563, %get3A_564] {strides = array<i32>} : memref<64x128xf32, #tpu.memory_space<vmem>>, vector<1x16xf32>,
        %get3A_566 = vector.shape_cast %get3A_565 : vector<1x16xf32> to vector<16xf32>
        %get3A_567 = arith.index_cast %add3A_478 : i32 to index
        %get3A_568 = arith.constant 96 : index
        %get3A_569 = tpu.vector_load %arg13[%get3A_567, %get3A_568] {strides = array<i32>} : memref<64x128xf32, #tpu.memory_space<vmem>>, vector<1x16xf32>,
        %get3A_570 = vector.shape_cast %get3A_569 : vector<1x16xf32> to vector<16xf32>
        %mul3A_571 = arith.mulf %get3A_566, %get3A_570 : vector<16xf32>
        %swap3A_572 = arith.index_cast %add3A_478 : i32 to index
        %swap3A_573 = arith.constant 96 : index
        %swap3A_574 = tpu.vector_load %arg10[%swap3A_572, %swap3A_573] {strides = array<i32>} : memref<64x128xf32, #tpu.memory_space<vmem>>, vector<1x16xf32>,
        %swap3A_575 = vector.shape_cast %swap3A_574 : vector<1x16xf32> to vector<16xf32>
        %swap3A_576 = vector.shape_cast %mul3A_571 : vector<16xf32> to vector<1x16xf32>
        tpu.vector_store %arg10[%swap3A_572, %swap3A_573], %swap3A_576 {strides = array<i32>} : memref<64x128xf32, #tpu.memory_space<vmem>>, vector<1x16xf32>,
        %get3A_577 = arith.index_cast %add3A_478 : i32 to index
        %get3A_578 = arith.constant 112 : index
        %get3A_579 = tpu.vector_load %arg10[%get3A_577, %get3A_578] {strides = array<i32>} : memref<64x128xf32, #tpu.memory_space<vmem>>, vector<1x16xf32>,
        %get3A_580 = vector.shape_cast %get3A_579 : vector<1x16xf32> to vector<16xf32>
        %get3A_581 = arith.index_cast %add3A_478 : i32 to index
        %get3A_582 = arith.constant 112 : index
        %get3A_583 = tpu.vector_load %arg13[%get3A_581, %get3A_582] {strides = array<i32>} : memref<64x128xf32, #tpu.memory_space<vmem>>, vector<1x16xf32>,
        %get3A_584 = vector.shape_cast %get3A_583 : vector<1x16xf32> to vector<16xf32>
        %mul3A_585 = arith.mulf %get3A_580, %get3A_584 : vector<16xf32>
        %swap3A_586 = arith.index_cast %add3A_478 : i32 to index
        %swap3A_587 = arith.constant 112 : index
        %swap3A_588 = tpu.vector_load %arg10[%swap3A_586, %swap3A_587] {strides = array<i32>} : memref<64x128xf32, #tpu.memory_space<vmem>>, vector<1x16xf32>,
        %swap3A_589 = vector.shape_cast %swap3A_588 : vector<1x16xf32> to vector<16xf32>
        %swap3A_590 = vector.shape_cast %mul3A_585 : vector<16xf32> to vector<1x16xf32>
        tpu.vector_store %arg10[%swap3A_586, %swap3A_587], %swap3A_590 {strides = array<i32>} : memref<64x128xf32, #tpu.memory_space<vmem>>, vector<1x16xf32>,
      }
      %scan3A_264 = arith.constant 64 : i32
      %dma_start3A_265 = arith.constant 1 : i32
      %dma_start3A_266 = arith.constant 0 : i32
      %dma_start3A_267 = tpu.memref_slice %arg7[%dma_start3A_265, %dma_start3A_266] : memref<3x64xi32, #tpu.memory_space<vmem>> -> memref<1x64xi32, #tpu.memory_space<vmem>>
      %dma_start3A_268 = tpu.memref_squeeze %dma_start3A_267 : memref<1x64xi32, #tpu.memory_space<vmem>> -> memref<64xi32, #tpu.memory_space<vmem>>
      %dma_start3A_269 = arith.constant 0 : i32
      %dma_start3A_270 = arith.constant 0 : i32
      %dma_start3A_271 = tpu.memref_slice %arg6[%dma_start3A_269, %dma_start3A_270] : memref<10016x128xf32, #tpu.memory_space<vmem_shared>> -> memref<10016x128xf32, #tpu.memory_space<vmem_shared>>
      tpu.enqueue_indirect_dma source(%arg10 : memref<64x128xf32, #tpu.memory_space<vmem>>) target(%dma_start3A_271 : memref<10016x128xf32, #tpu.memory_space<vmem_shared>>) offsets(%dma_start3A_268 : memref<64xi32, #tpu.memory_space<vmem>>) semaphore(%arg22 : memref<!tpu.dma_semaphore, #tpu.memory_space<semaphore_mem>>) {add = true}
      %add3A_272 = arith.constant 1 : i32
      %add3A_273 = arith.addi %add3A_230, %add3A_272 : i32
      %add3A_274 = arith.constant 2 : i32
      %add3A_275 = arith.addi %add3A_273, %add3A_274 : i32
      %lt3A_276 = arith.constant 315 : i32
      %lt3A_277 = arith.cmpi slt, %add3A_275, %lt3A_276 : i32
      %convert_element_type3A_278 = arith.extui %lt3A_277 : i1 to i32
      %cond3A_279 = arith.constant 0 : i32
      %cond3A_280 = arith.cmpi ne, %convert_element_type3A_278, %cond3A_279 : i32
      scf.if %cond3A_280 {
        %ge3A = arith.constant 1 : i32
        %ge3A_356 = arith.cmpi sge, %add3A_273, %ge3A : i32
        %convert_element_type3A_357 = arith.extui %ge3A_356 : i1 to i32
        %cond3A_358 = arith.constant 0 : i32
        %cond3A_359 = arith.cmpi ne, %convert_element_type3A_357, %cond3A_358 : i32
        scf.if %cond3A_359 {
          %dma_wait3A_371 = arith.constant 1 : i32
          %dma_wait3A_372 = arith.constant 0 : i32
          %dma_wait3A_373 = tpu.memref_slice %arg7[%dma_wait3A_371, %dma_wait3A_372] : memref<3x64xi32, #tpu.memory_space<vmem>> -> memref<1x64xi32, #tpu.memory_space<vmem>>
          %dma_wait3A_374 = tpu.memref_squeeze %dma_wait3A_373 : memref<1x64xi32, #tpu.memory_space<vmem>> -> memref<64xi32, #tpu.memory_space<vmem>>
          %dma_wait3A_375 = arith.constant 0 : i32
          %dma_wait3A_376 = arith.constant 0 : i32
          %dma_wait3A_377 = tpu.memref_slice %arg6[%dma_wait3A_375, %dma_wait3A_376] : memref<10016x128xf32, #tpu.memory_space<vmem_shared>> -> memref<10016x128xf32, #tpu.memory_space<vmem_shared>>
          tpu.wait_indirect_dma semaphore(%arg22 : memref<!tpu.dma_semaphore, #tpu.memory_space<semaphore_mem>>) src(%arg10 : memref<64x128xf32, #tpu.memory_space<vmem>>) dst(%dma_wait3A_377 : memref<10016x128xf32, #tpu.memory_space<vmem_shared>>)
        } else {
        }
        %add3A_360 = arith.constant 2 : i32
        %add3A_361 = arith.addi %add3A_273, %add3A_360 : i32
        %add3A_362 = arith.addi %mul3A_43, %add3A_361 : i32
        %dma_start3A_363 = arith.constant 0 : i32
        %dma_start3A_364 = arith.constant 0 : i32
        %dma_start3A_365 = tpu.memref_slice %arg3[%add3A_362, %dma_start3A_363, %dma_start3A_364] : memref<5040x3x64xi32, #tpu.memory_space<hbm>> -> memref<1x3x64xi32, #tpu.memory_space<hbm>>
        %dma_start3A_366 = tpu.memref_squeeze %dma_start3A_365 : memref<1x3x64xi32, #tpu.memory_space<hbm>> -> memref<3x64xi32, #tpu.memory_space<hbm>>
        %dma_start3A_367 = arith.constant 0 : i32
        %dma_start3A_368 = arith.constant 0 : i32
        %dma_start3A_369 = tpu.memref_slice %arg3[%add3A_362, %dma_start3A_367, %dma_start3A_368] : memref<5040x3x64xi32, #tpu.memory_space<hbm>> -> memref<1x3x64xi32, #tpu.memory_space<hbm>>
        %dma_start3A_370 = tpu.memref_squeeze %dma_start3A_369 : memref<1x3x64xi32, #tpu.memory_space<hbm>> -> memref<3x64xi32, #tpu.memory_space<hbm>>
        tpu.enqueue_dma source(%dma_start3A_370 : memref<3x64xi32, #tpu.memory_space<hbm>>) target(%arg7 : memref<3x64xi32, #tpu.memory_space<vmem>>) target_semaphore(%arg16 : memref<!tpu.dma_semaphore, #tpu.memory_space<semaphore_mem>>)
      } else {
      }
      %add3A_281 = arith.constant 1 : i32
      %add3A_282 = arith.addi %add3A_273, %add3A_281 : i32
      %lt3A_283 = arith.constant 315 : i32
      %lt3A_284 = arith.cmpi slt, %add3A_282, %lt3A_283 : i32
      %convert_element_type3A_285 = arith.extui %lt3A_284 : i1 to i32
      %cond3A_286 = arith.constant 0 : i32
      %cond3A_287 = arith.cmpi ne, %convert_element_type3A_285, %cond3A_286 : i32
      scf.if %cond3A_287 {
        %add3A_356 = arith.constant 1 : i32
        %add3A_357 = arith.addi %add3A_273, %add3A_356 : i32
        %dma_wait3A_358 = arith.constant 0 : i32
        %dma_wait3A_359 = arith.constant 0 : i32
        %dma_wait3A_360 = tpu.memref_slice %arg3[%mul3A_43, %dma_wait3A_358, %dma_wait3A_359] : memref<5040x3x64xi32, #tpu.memory_space<hbm>> -> memref<1x3x64xi32, #tpu.memory_space<hbm>>
        %dma_wait3A_361 = tpu.memref_squeeze %dma_wait3A_360 : memref<1x3x64xi32, #tpu.memory_space<hbm>> -> memref<3x64xi32, #tpu.memory_space<hbm>>
        %dma_wait3A_362 = arith.constant 0 : i32
        %dma_wait3A_363 = arith.constant 0 : i32
        %dma_wait3A_364 = tpu.memref_slice %arg3[%mul3A_43, %dma_wait3A_362, %dma_wait3A_363] : memref<5040x3x64xi32, #tpu.memory_space<hbm>> -> memref<1x3x64xi32, #tpu.memory_space<hbm>>
        %dma_wait3A_365 = tpu.memref_squeeze %dma_wait3A_364 : memref<1x3x64xi32, #tpu.memory_space<hbm>> -> memref<3x64xi32, #tpu.memory_space<hbm>>
        tpu.wait_dma2 semaphore(%arg18 : memref<!tpu.dma_semaphore, #tpu.memory_space<semaphore_mem>>) src(%dma_wait3A_365 : memref<3x64xi32, #tpu.memory_space<hbm>>) dst(%arg9 : memref<3x64xi32, #tpu.memory_space<vmem>>)
        %get3A_366 = arith.constant 0 : i32
        %get3A_367 = arith.index_cast %get3A_366 : i32 to index
        %get3A_368 = arith.constant 0 : index
        %get3A_369 = tpu.vector_load %arg9[%get3A_367, %get3A_368] {strides = array<i32>} : memref<3x64xi32, #tpu.memory_space<vmem>>, vector<1x16xi32>,
        %get3A_370 = vector.shape_cast %get3A_369 : vector<1x16xi32> to vector<16xi32>
        %add3A_371 = vector.broadcast %mul3A_45 : i32 to vector<16xi32>
        %add3A_372 = arith.addi %get3A_370, %add3A_371 : vector<16xi32>
        %swap3A_373 = arith.constant 0 : i32
        %swap3A_374 = arith.index_cast %swap3A_373 : i32 to index
        %swap3A_375 = arith.constant 0 : index
        %swap3A_376 = tpu.vector_load %arg9[%swap3A_374, %swap3A_375] {strides = array<i32>} : memref<3x64xi32, #tpu.memory_space<vmem>>, vector<1x16xi32>,
        %swap3A_377 = vector.shape_cast %swap3A_376 : vector<1x16xi32> to vector<16xi32>
        %swap3A_378 = vector.shape_cast %add3A_372 : vector<16xi32> to vector<1x16xi32>
        tpu.vector_store %arg9[%swap3A_374, %swap3A_375], %swap3A_378 {strides = array<i32>} : memref<3x64xi32, #tpu.memory_space<vmem>>, vector<1x16xi32>,
        %get3A_379 = arith.constant 2 : i32
        %get3A_380 = arith.index_cast %get3A_379 : i32 to index
        %get3A_381 = arith.constant 0 : index
        %get3A_382 = tpu.vector_load %arg9[%get3A_380, %get3A_381] {strides = array<i32>} : memref<3x64xi32, #tpu.memory_space<vmem>>, vector<1x16xi32>,
        %get3A_383 = vector.shape_cast %get3A_382 : vector<1x16xi32> to vector<16xi32>
        %add3A_384 = vector.broadcast %mul3A_50 : i32 to vector<16xi32>
        %add3A_385 = arith.addi %get3A_383, %add3A_384 : vector<16xi32>
        %swap3A_386 = arith.constant 2 : i32
        %swap3A_387 = arith.index_cast %swap3A_386 : i32 to index
        %swap3A_388 = arith.constant 0 : index
        %swap3A_389 = tpu.vector_load %arg9[%swap3A_387, %swap3A_388] {strides = array<i32>} : memref<3x64xi32, #tpu.memory_space<vmem>>, vector<1x16xi32>,
        %swap3A_390 = vector.shape_cast %swap3A_389 : vector<1x16xi32> to vector<16xi32>
        %swap3A_391 = vector.shape_cast %add3A_385 : vector<16xi32> to vector<1x16xi32>
        tpu.vector_store %arg9[%swap3A_387, %swap3A_388], %swap3A_391 {strides = array<i32>} : memref<3x64xi32, #tpu.memory_space<vmem>>, vector<1x16xi32>,
        %get3A_392 = arith.constant 0 : i32
        %get3A_393 = arith.index_cast %get3A_392 : i32 to index
        %get3A_394 = arith.constant 16 : index
        %get3A_395 = tpu.vector_load %arg9[%get3A_393, %get3A_394] {strides = array<i32>} : memref<3x64xi32, #tpu.memory_space<vmem>>, vector<1x16xi32>,
        %get3A_396 = vector.shape_cast %get3A_395 : vector<1x16xi32> to vector<16xi32>
        %add3A_397 = vector.broadcast %mul3A_45 : i32 to vector<16xi32>
        %add3A_398 = arith.addi %get3A_396, %add3A_397 : vector<16xi32>
        %swap3A_399 = arith.constant 0 : i32
        %swap3A_400 = arith.index_cast %swap3A_399 : i32 to index
        %swap3A_401 = arith.constant 16 : index
        %swap3A_402 = tpu.vector_load %arg9[%swap3A_400, %swap3A_401] {strides = array<i32>} : memref<3x64xi32, #tpu.memory_space<vmem>>, vector<1x16xi32>,
        %swap3A_403 = vector.shape_cast %swap3A_402 : vector<1x16xi32> to vector<16xi32>
        %swap3A_404 = vector.shape_cast %add3A_398 : vector<16xi32> to vector<1x16xi32>
        tpu.vector_store %arg9[%swap3A_400, %swap3A_401], %swap3A_404 {strides = array<i32>} : memref<3x64xi32, #tpu.memory_space<vmem>>, vector<1x16xi32>,
        %get3A_405 = arith.constant 2 : i32
        %get3A_406 = arith.index_cast %get3A_405 : i32 to index
        %get3A_407 = arith.constant 16 : index
        %get3A_408 = tpu.vector_load %arg9[%get3A_406, %get3A_407] {strides = array<i32>} : memref<3x64xi32, #tpu.memory_space<vmem>>, vector<1x16xi32>,
        %get3A_409 = vector.shape_cast %get3A_408 : vector<1x16xi32> to vector<16xi32>
        %add3A_410 = vector.broadcast %mul3A_50 : i32 to vector<16xi32>
        %add3A_411 = arith.addi %get3A_409, %add3A_410 : vector<16xi32>
        %swap3A_412 = arith.constant 2 : i32
        %swap3A_413 = arith.index_cast %swap3A_412 : i32 to index
        %swap3A_414 = arith.constant 16 : index
        %swap3A_415 = tpu.vector_load %arg9[%swap3A_413, %swap3A_414] {strides = array<i32>} : memref<3x64xi32, #tpu.memory_space<vmem>>, vector<1x16xi32>,
        %swap3A_416 = vector.shape_cast %swap3A_415 : vector<1x16xi32> to vector<16xi32>
        %swap3A_417 = vector.shape_cast %add3A_411 : vector<16xi32> to vector<1x16xi32>
        tpu.vector_store %arg9[%swap3A_413, %swap3A_414], %swap3A_417 {strides = array<i32>} : memref<3x64xi32, #tpu.memory_space<vmem>>, vector<1x16xi32>,
        %get3A_418 = arith.constant 0 : i32
        %get3A_419 = arith.index_cast %get3A_418 : i32 to index
        %get3A_420 = arith.constant 32 : index
        %get3A_421 = tpu.vector_load %arg9[%get3A_419, %get3A_420] {strides = array<i32>} : memref<3x64xi32, #tpu.memory_space<vmem>>, vector<1x16xi32>,
        %get3A_422 = vector.shape_cast %get3A_421 : vector<1x16xi32> to vector<16xi32>
        %add3A_423 = vector.broadcast %mul3A_45 : i32 to vector<16xi32>
        %add3A_424 = arith.addi %get3A_422, %add3A_423 : vector<16xi32>
        %swap3A_425 = arith.constant 0 : i32
        %swap3A_426 = arith.index_cast %swap3A_425 : i32 to index
        %swap3A_427 = arith.constant 32 : index
        %swap3A_428 = tpu.vector_load %arg9[%swap3A_426, %swap3A_427] {strides = array<i32>} : memref<3x64xi32, #tpu.memory_space<vmem>>, vector<1x16xi32>,
        %swap3A_429 = vector.shape_cast %swap3A_428 : vector<1x16xi32> to vector<16xi32>
        %swap3A_430 = vector.shape_cast %add3A_424 : vector<16xi32> to vector<1x16xi32>
        tpu.vector_store %arg9[%swap3A_426, %swap3A_427], %swap3A_430 {strides = array<i32>} : memref<3x64xi32, #tpu.memory_space<vmem>>, vector<1x16xi32>,
        %get3A_431 = arith.constant 2 : i32
        %get3A_432 = arith.index_cast %get3A_431 : i32 to index
        %get3A_433 = arith.constant 32 : index
        %get3A_434 = tpu.vector_load %arg9[%get3A_432, %get3A_433] {strides = array<i32>} : memref<3x64xi32, #tpu.memory_space<vmem>>, vector<1x16xi32>,
        %get3A_435 = vector.shape_cast %get3A_434 : vector<1x16xi32> to vector<16xi32>
        %add3A_436 = vector.broadcast %mul3A_50 : i32 to vector<16xi32>
        %add3A_437 = arith.addi %get3A_435, %add3A_436 : vector<16xi32>
        %swap3A_438 = arith.constant 2 : i32
        %swap3A_439 = arith.index_cast %swap3A_438 : i32 to index
        %swap3A_440 = arith.constant 32 : index
        %swap3A_441 = tpu.vector_load %arg9[%swap3A_439, %swap3A_440] {strides = array<i32>} : memref<3x64xi32, #tpu.memory_space<vmem>>, vector<1x16xi32>,
        %swap3A_442 = vector.shape_cast %swap3A_441 : vector<1x16xi32> to vector<16xi32>
        %swap3A_443 = vector.shape_cast %add3A_437 : vector<16xi32> to vector<1x16xi32>
        tpu.vector_store %arg9[%swap3A_439, %swap3A_440], %swap3A_443 {strides = array<i32>} : memref<3x64xi32, #tpu.memory_space<vmem>>, vector<1x16xi32>,
        %get3A_444 = arith.constant 0 : i32
        %get3A_445 = arith.index_cast %get3A_444 : i32 to index
        %get3A_446 = arith.constant 48 : index
        %get3A_447 = tpu.vector_load %arg9[%get3A_445, %get3A_446] {strides = array<i32>} : memref<3x64xi32, #tpu.memory_space<vmem>>, vector<1x16xi32>,
        %get3A_448 = vector.shape_cast %get3A_447 : vector<1x16xi32> to vector<16xi32>
        %add3A_449 = vector.broadcast %mul3A_45 : i32 to vector<16xi32>
        %add3A_450 = arith.addi %get3A_448, %add3A_449 : vector<16xi32>
        %swap3A_451 = arith.constant 0 : i32
        %swap3A_452 = arith.index_cast %swap3A_451 : i32 to index
        %swap3A_453 = arith.constant 48 : index
        %swap3A_454 = tpu.vector_load %arg9[%swap3A_452, %swap3A_453] {strides = array<i32>} : memref<3x64xi32, #tpu.memory_space<vmem>>, vector<1x16xi32>,
        %swap3A_455 = vector.shape_cast %swap3A_454 : vector<1x16xi32> to vector<16xi32>
        %swap3A_456 = vector.shape_cast %add3A_450 : vector<16xi32> to vector<1x16xi32>
        tpu.vector_store %arg9[%swap3A_452, %swap3A_453], %swap3A_456 {strides = array<i32>} : memref<3x64xi32, #tpu.memory_space<vmem>>, vector<1x16xi32>,
        %get3A_457 = arith.constant 2 : i32
        %get3A_458 = arith.index_cast %get3A_457 : i32 to index
        %get3A_459 = arith.constant 48 : index
        %get3A_460 = tpu.vector_load %arg9[%get3A_458, %get3A_459] {strides = array<i32>} : memref<3x64xi32, #tpu.memory_space<vmem>>, vector<1x16xi32>,
        %get3A_461 = vector.shape_cast %get3A_460 : vector<1x16xi32> to vector<16xi32>
        %add3A_462 = vector.broadcast %mul3A_50 : i32 to vector<16xi32>
        %add3A_463 = arith.addi %get3A_461, %add3A_462 : vector<16xi32>
        %swap3A_464 = arith.constant 2 : i32
        %swap3A_465 = arith.index_cast %swap3A_464 : i32 to index
        %swap3A_466 = arith.constant 48 : index
        %swap3A_467 = tpu.vector_load %arg9[%swap3A_465, %swap3A_466] {strides = array<i32>} : memref<3x64xi32, #tpu.memory_space<vmem>>, vector<1x16xi32>,
        %swap3A_468 = vector.shape_cast %swap3A_467 : vector<1x16xi32> to vector<16xi32>
        %swap3A_469 = vector.shape_cast %add3A_463 : vector<16xi32> to vector<1x16xi32>
        tpu.vector_store %arg9[%swap3A_465, %swap3A_466], %swap3A_469 {strides = array<i32>} : memref<3x64xi32, #tpu.memory_space<vmem>>, vector<1x16xi32>,
        %dma_start3A_470 = arith.constant 0 : i32
        %dma_start3A_471 = arith.constant 0 : i32
        %dma_start3A_472 = tpu.memref_slice %arg9[%dma_start3A_470, %dma_start3A_471] : memref<3x64xi32, #tpu.memory_space<vmem>> -> memref<1x64xi32, #tpu.memory_space<vmem>>
        %dma_start3A_473 = tpu.memref_squeeze %dma_start3A_472 : memref<1x64xi32, #tpu.memory_space<vmem>> -> memref<64xi32, #tpu.memory_space<vmem>>
        %dma_start3A_474 = arith.constant 0 : i32
        %dma_start3A_475 = arith.constant 0 : i32
        %dma_start3A_476 = tpu.memref_slice %arg2[%dma_start3A_474, %dma_start3A_475] : memref<20000x128xf32, #tpu.memory_space<hbm>> -> memref<20000x128xf32, #tpu.memory_space<hbm>>
        tpu.enqueue_indirect_dma source(%dma_start3A_476 : memref<20000x128xf32, #tpu.memory_space<hbm>>) target(%arg12 : memref<64x128xf32, #tpu.memory_space<vmem>>) offsets(%dma_start3A_473 : memref<64xi32, #tpu.memory_space<vmem>>) semaphore(%arg21 : memref<!tpu.dma_semaphore, #tpu.memory_space<semaphore_mem>>)
        %dma_start3A_477 = arith.constant 2 : i32
        %dma_start3A_478 = arith.constant 0 : i32
        %dma_start3A_479 = tpu.memref_slice %arg9[%dma_start3A_477, %dma_start3A_478] : memref<3x64xi32, #tpu.memory_space<vmem>> -> memref<1x64xi32, #tpu.memory_space<vmem>>
        %dma_start3A_480 = tpu.memref_squeeze %dma_start3A_479 : memref<1x64xi32, #tpu.memory_space<vmem>> -> memref<64xi32, #tpu.memory_space<vmem>>
        %dma_start3A_481 = arith.constant 0 : i32
        %dma_start3A_482 = arith.constant 0 : i32
        %dma_start3A_483 = tpu.memref_slice %arg4[%dma_start3A_481, %dma_start3A_482] : memref<2048x128xf32, #tpu.memory_space<hbm>> -> memref<2048x128xf32, #tpu.memory_space<hbm>>
        tpu.enqueue_indirect_dma source(%dma_start3A_483 : memref<2048x128xf32, #tpu.memory_space<hbm>>) target(%arg15 : memref<64x128xf32, #tpu.memory_space<vmem>>) offsets(%dma_start3A_480 : memref<64xi32, #tpu.memory_space<vmem>>) semaphore(%arg21 : memref<!tpu.dma_semaphore, #tpu.memory_space<semaphore_mem>>)
      } else {
      }
      %dma_wait3A_288 = arith.constant 0 : i32
      %dma_wait3A_289 = arith.constant 0 : i32
      %dma_wait3A_290 = tpu.memref_slice %arg8[%dma_wait3A_288, %dma_wait3A_289] : memref<3x64xi32, #tpu.memory_space<vmem>> -> memref<1x64xi32, #tpu.memory_space<vmem>>
      %dma_wait3A_291 = tpu.memref_squeeze %dma_wait3A_290 : memref<1x64xi32, #tpu.memory_space<vmem>> -> memref<64xi32, #tpu.memory_space<vmem>>
      %dma_wait3A_292 = arith.constant 0 : i32
      %dma_wait3A_293 = arith.constant 0 : i32
      %dma_wait3A_294 = tpu.memref_slice %arg2[%dma_wait3A_292, %dma_wait3A_293] : memref<20000x128xf32, #tpu.memory_space<hbm>> -> memref<20000x128xf32, #tpu.memory_space<hbm>>
      tpu.wait_indirect_dma semaphore(%arg20 : memref<!tpu.dma_semaphore, #tpu.memory_space<semaphore_mem>>) src(%dma_wait3A_294 : memref<20000x128xf32, #tpu.memory_space<hbm>>) dst(%arg11 : memref<64x128xf32, #tpu.memory_space<vmem>>)
      %dma_wait3A_295 = arith.constant 0 : i32
      %dma_wait3A_296 = arith.constant 0 : i32
      %dma_wait3A_297 = tpu.memref_slice %arg8[%dma_wait3A_295, %dma_wait3A_296] : memref<3x64xi32, #tpu.memory_space<vmem>> -> memref<1x64xi32, #tpu.memory_space<vmem>>
      %dma_wait3A_298 = tpu.memref_squeeze %dma_wait3A_297 : memref<1x64xi32, #tpu.memory_space<vmem>> -> memref<64xi32, #tpu.memory_space<vmem>>
      %dma_wait3A_299 = arith.constant 0 : i32
      %dma_wait3A_300 = arith.constant 0 : i32
      %dma_wait3A_301 = tpu.memref_slice %arg2[%dma_wait3A_299, %dma_wait3A_300] : memref<20000x128xf32, #tpu.memory_space<hbm>> -> memref<20000x128xf32, #tpu.memory_space<hbm>>
      tpu.wait_indirect_dma semaphore(%arg20 : memref<!tpu.dma_semaphore, #tpu.memory_space<semaphore_mem>>) src(%dma_wait3A_301 : memref<20000x128xf32, #tpu.memory_space<hbm>>) dst(%arg14 : memref<64x128xf32, #tpu.memory_space<vmem>>)
      %scan3A_302 = arith.constant 0 : i32
      %scan3A_303 = arith.constant 64 : i32
      %scan3A_304 = arith.addi %scan3A_302, %scan3A_303 : i32
      %scan3A_305 = arith.constant 2 : i32
      scf.for %scan3A_356 = %scan3A_302 to %scan3A_304 step %scan3A_305  : i32 {
        %mul3A_357 = arith.constant 1 : i32
        %mul3A_358 = arith.muli %scan3A_356, %mul3A_357 : i32
        %add3A_359 = arith.constant 0 : i32
        %add3A_360 = arith.addi %add3A_359, %mul3A_358 : i32
        %get3A_361 = arith.index_cast %add3A_360 : i32 to index
        %get3A_362 = arith.constant 0 : index
        %get3A_363 = tpu.vector_load %arg11[%get3A_361, %get3A_362] {strides = array<i32>} : memref<64x128xf32, #tpu.memory_space<vmem>>, vector<1x16xf32>,
        %get3A_364 = vector.shape_cast %get3A_363 : vector<1x16xf32> to vector<16xf32>
        %get3A_365 = arith.index_cast %add3A_360 : i32 to index
        %get3A_366 = arith.constant 0 : index
        %get3A_367 = tpu.vector_load %arg14[%get3A_365, %get3A_366] {strides = array<i32>} : memref<64x128xf32, #tpu.memory_space<vmem>>, vector<1x16xf32>,
        %get3A_368 = vector.shape_cast %get3A_367 : vector<1x16xf32> to vector<16xf32>
        %mul3A_369 = arith.mulf %get3A_364, %get3A_368 : vector<16xf32>
        %swap3A_370 = arith.index_cast %add3A_360 : i32 to index
        %swap3A_371 = arith.constant 0 : index
        %swap3A_372 = tpu.vector_load %arg11[%swap3A_370, %swap3A_371] {strides = array<i32>} : memref<64x128xf32, #tpu.memory_space<vmem>>, vector<1x16xf32>,
        %swap3A_373 = vector.shape_cast %swap3A_372 : vector<1x16xf32> to vector<16xf32>
        %swap3A_374 = vector.shape_cast %mul3A_369 : vector<16xf32> to vector<1x16xf32>
        tpu.vector_store %arg11[%swap3A_370, %swap3A_371], %swap3A_374 {strides = array<i32>} : memref<64x128xf32, #tpu.memory_space<vmem>>, vector<1x16xf32>,
        %get3A_375 = arith.index_cast %add3A_360 : i32 to index
        %get3A_376 = arith.constant 16 : index
        %get3A_377 = tpu.vector_load %arg11[%get3A_375, %get3A_376] {strides = array<i32>} : memref<64x128xf32, #tpu.memory_space<vmem>>, vector<1x16xf32>,
        %get3A_378 = vector.shape_cast %get3A_377 : vector<1x16xf32> to vector<16xf32>
        %get3A_379 = arith.index_cast %add3A_360 : i32 to index
        %get3A_380 = arith.constant 16 : index
        %get3A_381 = tpu.vector_load %arg14[%get3A_379, %get3A_380] {strides = array<i32>} : memref<64x128xf32, #tpu.memory_space<vmem>>, vector<1x16xf32>,
        %get3A_382 = vector.shape_cast %get3A_381 : vector<1x16xf32> to vector<16xf32>
        %mul3A_383 = arith.mulf %get3A_378, %get3A_382 : vector<16xf32>
        %swap3A_384 = arith.index_cast %add3A_360 : i32 to index
        %swap3A_385 = arith.constant 16 : index
        %swap3A_386 = tpu.vector_load %arg11[%swap3A_384, %swap3A_385] {strides = array<i32>} : memref<64x128xf32, #tpu.memory_space<vmem>>, vector<1x16xf32>,
        %swap3A_387 = vector.shape_cast %swap3A_386 : vector<1x16xf32> to vector<16xf32>
        %swap3A_388 = vector.shape_cast %mul3A_383 : vector<16xf32> to vector<1x16xf32>
        tpu.vector_store %arg11[%swap3A_384, %swap3A_385], %swap3A_388 {strides = array<i32>} : memref<64x128xf32, #tpu.memory_space<vmem>>, vector<1x16xf32>,
        %get3A_389 = arith.index_cast %add3A_360 : i32 to index
        %get3A_390 = arith.constant 32 : index
        %get3A_391 = tpu.vector_load %arg11[%get3A_389, %get3A_390] {strides = array<i32>} : memref<64x128xf32, #tpu.memory_space<vmem>>, vector<1x16xf32>,
        %get3A_392 = vector.shape_cast %get3A_391 : vector<1x16xf32> to vector<16xf32>
        %get3A_393 = arith.index_cast %add3A_360 : i32 to index
        %get3A_394 = arith.constant 32 : index
        %get3A_395 = tpu.vector_load %arg14[%get3A_393, %get3A_394] {strides = array<i32>} : memref<64x128xf32, #tpu.memory_space<vmem>>, vector<1x16xf32>,
        %get3A_396 = vector.shape_cast %get3A_395 : vector<1x16xf32> to vector<16xf32>
        %mul3A_397 = arith.mulf %get3A_392, %get3A_396 : vector<16xf32>
        %swap3A_398 = arith.index_cast %add3A_360 : i32 to index
        %swap3A_399 = arith.constant 32 : index
        %swap3A_400 = tpu.vector_load %arg11[%swap3A_398, %swap3A_399] {strides = array<i32>} : memref<64x128xf32, #tpu.memory_space<vmem>>, vector<1x16xf32>,
        %swap3A_401 = vector.shape_cast %swap3A_400 : vector<1x16xf32> to vector<16xf32>
        %swap3A_402 = vector.shape_cast %mul3A_397 : vector<16xf32> to vector<1x16xf32>
        tpu.vector_store %arg11[%swap3A_398, %swap3A_399], %swap3A_402 {strides = array<i32>} : memref<64x128xf32, #tpu.memory_space<vmem>>, vector<1x16xf32>,
        %get3A_403 = arith.index_cast %add3A_360 : i32 to index
        %get3A_404 = arith.constant 48 : index
        %get3A_405 = tpu.vector_load %arg11[%get3A_403, %get3A_404] {strides = array<i32>} : memref<64x128xf32, #tpu.memory_space<vmem>>, vector<1x16xf32>,
        %get3A_406 = vector.shape_cast %get3A_405 : vector<1x16xf32> to vector<16xf32>
        %get3A_407 = arith.index_cast %add3A_360 : i32 to index
        %get3A_408 = arith.constant 48 : index
        %get3A_409 = tpu.vector_load %arg14[%get3A_407, %get3A_408] {strides = array<i32>} : memref<64x128xf32, #tpu.memory_space<vmem>>, vector<1x16xf32>,
        %get3A_410 = vector.shape_cast %get3A_409 : vector<1x16xf32> to vector<16xf32>
        %mul3A_411 = arith.mulf %get3A_406, %get3A_410 : vector<16xf32>
        %swap3A_412 = arith.index_cast %add3A_360 : i32 to index
        %swap3A_413 = arith.constant 48 : index
        %swap3A_414 = tpu.vector_load %arg11[%swap3A_412, %swap3A_413] {strides = array<i32>} : memref<64x128xf32, #tpu.memory_space<vmem>>, vector<1x16xf32>,
        %swap3A_415 = vector.shape_cast %swap3A_414 : vector<1x16xf32> to vector<16xf32>
        %swap3A_416 = vector.shape_cast %mul3A_411 : vector<16xf32> to vector<1x16xf32>
        tpu.vector_store %arg11[%swap3A_412, %swap3A_413], %swap3A_416 {strides = array<i32>} : memref<64x128xf32, #tpu.memory_space<vmem>>, vector<1x16xf32>,
        %get3A_417 = arith.index_cast %add3A_360 : i32 to index
        %get3A_418 = arith.constant 64 : index
        %get3A_419 = tpu.vector_load %arg11[%get3A_417, %get3A_418] {strides = array<i32>} : memref<64x128xf32, #tpu.memory_space<vmem>>, vector<1x16xf32>,
        %get3A_420 = vector.shape_cast %get3A_419 : vector<1x16xf32> to vector<16xf32>
        %get3A_421 = arith.index_cast %add3A_360 : i32 to index
        %get3A_422 = arith.constant 64 : index
        %get3A_423 = tpu.vector_load %arg14[%get3A_421, %get3A_422] {strides = array<i32>} : memref<64x128xf32, #tpu.memory_space<vmem>>, vector<1x16xf32>,
        %get3A_424 = vector.shape_cast %get3A_423 : vector<1x16xf32> to vector<16xf32>
        %mul3A_425 = arith.mulf %get3A_420, %get3A_424 : vector<16xf32>
        %swap3A_426 = arith.index_cast %add3A_360 : i32 to index
        %swap3A_427 = arith.constant 64 : index
        %swap3A_428 = tpu.vector_load %arg11[%swap3A_426, %swap3A_427] {strides = array<i32>} : memref<64x128xf32, #tpu.memory_space<vmem>>, vector<1x16xf32>,
        %swap3A_429 = vector.shape_cast %swap3A_428 : vector<1x16xf32> to vector<16xf32>
        %swap3A_430 = vector.shape_cast %mul3A_425 : vector<16xf32> to vector<1x16xf32>
        tpu.vector_store %arg11[%swap3A_426, %swap3A_427], %swap3A_430 {strides = array<i32>} : memref<64x128xf32, #tpu.memory_space<vmem>>, vector<1x16xf32>,
        %get3A_431 = arith.index_cast %add3A_360 : i32 to index
        %get3A_432 = arith.constant 80 : index
        %get3A_433 = tpu.vector_load %arg11[%get3A_431, %get3A_432] {strides = array<i32>} : memref<64x128xf32, #tpu.memory_space<vmem>>, vector<1x16xf32>,
        %get3A_434 = vector.shape_cast %get3A_433 : vector<1x16xf32> to vector<16xf32>
        %get3A_435 = arith.index_cast %add3A_360 : i32 to index
        %get3A_436 = arith.constant 80 : index
        %get3A_437 = tpu.vector_load %arg14[%get3A_435, %get3A_436] {strides = array<i32>} : memref<64x128xf32, #tpu.memory_space<vmem>>, vector<1x16xf32>,
        %get3A_438 = vector.shape_cast %get3A_437 : vector<1x16xf32> to vector<16xf32>
        %mul3A_439 = arith.mulf %get3A_434, %get3A_438 : vector<16xf32>
        %swap3A_440 = arith.index_cast %add3A_360 : i32 to index
        %swap3A_441 = arith.constant 80 : index
        %swap3A_442 = tpu.vector_load %arg11[%swap3A_440, %swap3A_441] {strides = array<i32>} : memref<64x128xf32, #tpu.memory_space<vmem>>, vector<1x16xf32>,
        %swap3A_443 = vector.shape_cast %swap3A_442 : vector<1x16xf32> to vector<16xf32>
        %swap3A_444 = vector.shape_cast %mul3A_439 : vector<16xf32> to vector<1x16xf32>
        tpu.vector_store %arg11[%swap3A_440, %swap3A_441], %swap3A_444 {strides = array<i32>} : memref<64x128xf32, #tpu.memory_space<vmem>>, vector<1x16xf32>,
        %get3A_445 = arith.index_cast %add3A_360 : i32 to index
        %get3A_446 = arith.constant 96 : index
        %get3A_447 = tpu.vector_load %arg11[%get3A_445, %get3A_446] {strides = array<i32>} : memref<64x128xf32, #tpu.memory_space<vmem>>, vector<1x16xf32>,
        %get3A_448 = vector.shape_cast %get3A_447 : vector<1x16xf32> to vector<16xf32>
        %get3A_449 = arith.index_cast %add3A_360 : i32 to index
        %get3A_450 = arith.constant 96 : index
        %get3A_451 = tpu.vector_load %arg14[%get3A_449, %get3A_450] {strides = array<i32>} : memref<64x128xf32, #tpu.memory_space<vmem>>, vector<1x16xf32>,
        %get3A_452 = vector.shape_cast %get3A_451 : vector<1x16xf32> to vector<16xf32>
        %mul3A_453 = arith.mulf %get3A_448, %get3A_452 : vector<16xf32>
        %swap3A_454 = arith.index_cast %add3A_360 : i32 to index
        %swap3A_455 = arith.constant 96 : index
        %swap3A_456 = tpu.vector_load %arg11[%swap3A_454, %swap3A_455] {strides = array<i32>} : memref<64x128xf32, #tpu.memory_space<vmem>>, vector<1x16xf32>,
        %swap3A_457 = vector.shape_cast %swap3A_456 : vector<1x16xf32> to vector<16xf32>
        %swap3A_458 = vector.shape_cast %mul3A_453 : vector<16xf32> to vector<1x16xf32>
        tpu.vector_store %arg11[%swap3A_454, %swap3A_455], %swap3A_458 {strides = array<i32>} : memref<64x128xf32, #tpu.memory_space<vmem>>, vector<1x16xf32>,
        %get3A_459 = arith.index_cast %add3A_360 : i32 to index
        %get3A_460 = arith.constant 112 : index
        %get3A_461 = tpu.vector_load %arg11[%get3A_459, %get3A_460] {strides = array<i32>} : memref<64x128xf32, #tpu.memory_space<vmem>>, vector<1x16xf32>,
        %get3A_462 = vector.shape_cast %get3A_461 : vector<1x16xf32> to vector<16xf32>
        %get3A_463 = arith.index_cast %add3A_360 : i32 to index
        %get3A_464 = arith.constant 112 : index
        %get3A_465 = tpu.vector_load %arg14[%get3A_463, %get3A_464] {strides = array<i32>} : memref<64x128xf32, #tpu.memory_space<vmem>>, vector<1x16xf32>,
        %get3A_466 = vector.shape_cast %get3A_465 : vector<1x16xf32> to vector<16xf32>
        %mul3A_467 = arith.mulf %get3A_462, %get3A_466 : vector<16xf32>
        %swap3A_468 = arith.index_cast %add3A_360 : i32 to index
        %swap3A_469 = arith.constant 112 : index
        %swap3A_470 = tpu.vector_load %arg11[%swap3A_468, %swap3A_469] {strides = array<i32>} : memref<64x128xf32, #tpu.memory_space<vmem>>, vector<1x16xf32>,
        %swap3A_471 = vector.shape_cast %swap3A_470 : vector<1x16xf32> to vector<16xf32>
        %swap3A_472 = vector.shape_cast %mul3A_467 : vector<16xf32> to vector<1x16xf32>
        tpu.vector_store %arg11[%swap3A_468, %swap3A_469], %swap3A_472 {strides = array<i32>} : memref<64x128xf32, #tpu.memory_space<vmem>>, vector<1x16xf32>,
        %scan3A_473 = arith.constant 1 : i32
        %scan3A_474 = arith.addi %scan3A_356, %scan3A_473 : i32
        %mul3A_475 = arith.constant 1 : i32
        %mul3A_476 = arith.muli %scan3A_474, %mul3A_475 : i32
        %add3A_477 = arith.constant 0 : i32
        %add3A_478 = arith.addi %add3A_477, %mul3A_476 : i32
        %get3A_479 = arith.index_cast %add3A_478 : i32 to index
        %get3A_480 = arith.constant 0 : index
        %get3A_481 = tpu.vector_load %arg11[%get3A_479, %get3A_480] {strides = array<i32>} : memref<64x128xf32, #tpu.memory_space<vmem>>, vector<1x16xf32>,
        %get3A_482 = vector.shape_cast %get3A_481 : vector<1x16xf32> to vector<16xf32>
        %get3A_483 = arith.index_cast %add3A_478 : i32 to index
        %get3A_484 = arith.constant 0 : index
        %get3A_485 = tpu.vector_load %arg14[%get3A_483, %get3A_484] {strides = array<i32>} : memref<64x128xf32, #tpu.memory_space<vmem>>, vector<1x16xf32>,
        %get3A_486 = vector.shape_cast %get3A_485 : vector<1x16xf32> to vector<16xf32>
        %mul3A_487 = arith.mulf %get3A_482, %get3A_486 : vector<16xf32>
        %swap3A_488 = arith.index_cast %add3A_478 : i32 to index
        %swap3A_489 = arith.constant 0 : index
        %swap3A_490 = tpu.vector_load %arg11[%swap3A_488, %swap3A_489] {strides = array<i32>} : memref<64x128xf32, #tpu.memory_space<vmem>>, vector<1x16xf32>,
        %swap3A_491 = vector.shape_cast %swap3A_490 : vector<1x16xf32> to vector<16xf32>
        %swap3A_492 = vector.shape_cast %mul3A_487 : vector<16xf32> to vector<1x16xf32>
        tpu.vector_store %arg11[%swap3A_488, %swap3A_489], %swap3A_492 {strides = array<i32>} : memref<64x128xf32, #tpu.memory_space<vmem>>, vector<1x16xf32>,
        %get3A_493 = arith.index_cast %add3A_478 : i32 to index
        %get3A_494 = arith.constant 16 : index
        %get3A_495 = tpu.vector_load %arg11[%get3A_493, %get3A_494] {strides = array<i32>} : memref<64x128xf32, #tpu.memory_space<vmem>>, vector<1x16xf32>,
        %get3A_496 = vector.shape_cast %get3A_495 : vector<1x16xf32> to vector<16xf32>
        %get3A_497 = arith.index_cast %add3A_478 : i32 to index
        %get3A_498 = arith.constant 16 : index
        %get3A_499 = tpu.vector_load %arg14[%get3A_497, %get3A_498] {strides = array<i32>} : memref<64x128xf32, #tpu.memory_space<vmem>>, vector<1x16xf32>,
        %get3A_500 = vector.shape_cast %get3A_499 : vector<1x16xf32> to vector<16xf32>
        %mul3A_501 = arith.mulf %get3A_496, %get3A_500 : vector<16xf32>
        %swap3A_502 = arith.index_cast %add3A_478 : i32 to index
        %swap3A_503 = arith.constant 16 : index
        %swap3A_504 = tpu.vector_load %arg11[%swap3A_502, %swap3A_503] {strides = array<i32>} : memref<64x128xf32, #tpu.memory_space<vmem>>, vector<1x16xf32>,
        %swap3A_505 = vector.shape_cast %swap3A_504 : vector<1x16xf32> to vector<16xf32>
        %swap3A_506 = vector.shape_cast %mul3A_501 : vector<16xf32> to vector<1x16xf32>
        tpu.vector_store %arg11[%swap3A_502, %swap3A_503], %swap3A_506 {strides = array<i32>} : memref<64x128xf32, #tpu.memory_space<vmem>>, vector<1x16xf32>,
        %get3A_507 = arith.index_cast %add3A_478 : i32 to index
        %get3A_508 = arith.constant 32 : index
        %get3A_509 = tpu.vector_load %arg11[%get3A_507, %get3A_508] {strides = array<i32>} : memref<64x128xf32, #tpu.memory_space<vmem>>, vector<1x16xf32>,
        %get3A_510 = vector.shape_cast %get3A_509 : vector<1x16xf32> to vector<16xf32>
        %get3A_511 = arith.index_cast %add3A_478 : i32 to index
        %get3A_512 = arith.constant 32 : index
        %get3A_513 = tpu.vector_load %arg14[%get3A_511, %get3A_512] {strides = array<i32>} : memref<64x128xf32, #tpu.memory_space<vmem>>, vector<1x16xf32>,
        %get3A_514 = vector.shape_cast %get3A_513 : vector<1x16xf32> to vector<16xf32>
        %mul3A_515 = arith.mulf %get3A_510, %get3A_514 : vector<16xf32>
        %swap3A_516 = arith.index_cast %add3A_478 : i32 to index
        %swap3A_517 = arith.constant 32 : index
        %swap3A_518 = tpu.vector_load %arg11[%swap3A_516, %swap3A_517] {strides = array<i32>} : memref<64x128xf32, #tpu.memory_space<vmem>>, vector<1x16xf32>,
        %swap3A_519 = vector.shape_cast %swap3A_518 : vector<1x16xf32> to vector<16xf32>
        %swap3A_520 = vector.shape_cast %mul3A_515 : vector<16xf32> to vector<1x16xf32>
        tpu.vector_store %arg11[%swap3A_516, %swap3A_517], %swap3A_520 {strides = array<i32>} : memref<64x128xf32, #tpu.memory_space<vmem>>, vector<1x16xf32>,
        %get3A_521 = arith.index_cast %add3A_478 : i32 to index
        %get3A_522 = arith.constant 48 : index
        %get3A_523 = tpu.vector_load %arg11[%get3A_521, %get3A_522] {strides = array<i32>} : memref<64x128xf32, #tpu.memory_space<vmem>>, vector<1x16xf32>,
        %get3A_524 = vector.shape_cast %get3A_523 : vector<1x16xf32> to vector<16xf32>
        %get3A_525 = arith.index_cast %add3A_478 : i32 to index
        %get3A_526 = arith.constant 48 : index
        %get3A_527 = tpu.vector_load %arg14[%get3A_525, %get3A_526] {strides = array<i32>} : memref<64x128xf32, #tpu.memory_space<vmem>>, vector<1x16xf32>,
        %get3A_528 = vector.shape_cast %get3A_527 : vector<1x16xf32> to vector<16xf32>
        %mul3A_529 = arith.mulf %get3A_524, %get3A_528 : vector<16xf32>
        %swap3A_530 = arith.index_cast %add3A_478 : i32 to index
        %swap3A_531 = arith.constant 48 : index
        %swap3A_532 = tpu.vector_load %arg11[%swap3A_530, %swap3A_531] {strides = array<i32>} : memref<64x128xf32, #tpu.memory_space<vmem>>, vector<1x16xf32>,
        %swap3A_533 = vector.shape_cast %swap3A_532 : vector<1x16xf32> to vector<16xf32>
        %swap3A_534 = vector.shape_cast %mul3A_529 : vector<16xf32> to vector<1x16xf32>
        tpu.vector_store %arg11[%swap3A_530, %swap3A_531], %swap3A_534 {strides = array<i32>} : memref<64x128xf32, #tpu.memory_space<vmem>>, vector<1x16xf32>,
        %get3A_535 = arith.index_cast %add3A_478 : i32 to index
        %get3A_536 = arith.constant 64 : index
        %get3A_537 = tpu.vector_load %arg11[%get3A_535, %get3A_536] {strides = array<i32>} : memref<64x128xf32, #tpu.memory_space<vmem>>, vector<1x16xf32>,
        %get3A_538 = vector.shape_cast %get3A_537 : vector<1x16xf32> to vector<16xf32>
        %get3A_539 = arith.index_cast %add3A_478 : i32 to index
        %get3A_540 = arith.constant 64 : index
        %get3A_541 = tpu.vector_load %arg14[%get3A_539, %get3A_540] {strides = array<i32>} : memref<64x128xf32, #tpu.memory_space<vmem>>, vector<1x16xf32>,
        %get3A_542 = vector.shape_cast %get3A_541 : vector<1x16xf32> to vector<16xf32>
        %mul3A_543 = arith.mulf %get3A_538, %get3A_542 : vector<16xf32>
        %swap3A_544 = arith.index_cast %add3A_478 : i32 to index
        %swap3A_545 = arith.constant 64 : index
        %swap3A_546 = tpu.vector_load %arg11[%swap3A_544, %swap3A_545] {strides = array<i32>} : memref<64x128xf32, #tpu.memory_space<vmem>>, vector<1x16xf32>,
        %swap3A_547 = vector.shape_cast %swap3A_546 : vector<1x16xf32> to vector<16xf32>
        %swap3A_548 = vector.shape_cast %mul3A_543 : vector<16xf32> to vector<1x16xf32>
        tpu.vector_store %arg11[%swap3A_544, %swap3A_545], %swap3A_548 {strides = array<i32>} : memref<64x128xf32, #tpu.memory_space<vmem>>, vector<1x16xf32>,
        %get3A_549 = arith.index_cast %add3A_478 : i32 to index
        %get3A_550 = arith.constant 80 : index
        %get3A_551 = tpu.vector_load %arg11[%get3A_549, %get3A_550] {strides = array<i32>} : memref<64x128xf32, #tpu.memory_space<vmem>>, vector<1x16xf32>,
        %get3A_552 = vector.shape_cast %get3A_551 : vector<1x16xf32> to vector<16xf32>
        %get3A_553 = arith.index_cast %add3A_478 : i32 to index
        %get3A_554 = arith.constant 80 : index
        %get3A_555 = tpu.vector_load %arg14[%get3A_553, %get3A_554] {strides = array<i32>} : memref<64x128xf32, #tpu.memory_space<vmem>>, vector<1x16xf32>,
        %get3A_556 = vector.shape_cast %get3A_555 : vector<1x16xf32> to vector<16xf32>
        %mul3A_557 = arith.mulf %get3A_552, %get3A_556 : vector<16xf32>
        %swap3A_558 = arith.index_cast %add3A_478 : i32 to index
        %swap3A_559 = arith.constant 80 : index
        %swap3A_560 = tpu.vector_load %arg11[%swap3A_558, %swap3A_559] {strides = array<i32>} : memref<64x128xf32, #tpu.memory_space<vmem>>, vector<1x16xf32>,
        %swap3A_561 = vector.shape_cast %swap3A_560 : vector<1x16xf32> to vector<16xf32>
        %swap3A_562 = vector.shape_cast %mul3A_557 : vector<16xf32> to vector<1x16xf32>
        tpu.vector_store %arg11[%swap3A_558, %swap3A_559], %swap3A_562 {strides = array<i32>} : memref<64x128xf32, #tpu.memory_space<vmem>>, vector<1x16xf32>,
        %get3A_563 = arith.index_cast %add3A_478 : i32 to index
        %get3A_564 = arith.constant 96 : index
        %get3A_565 = tpu.vector_load %arg11[%get3A_563, %get3A_564] {strides = array<i32>} : memref<64x128xf32, #tpu.memory_space<vmem>>, vector<1x16xf32>,
        %get3A_566 = vector.shape_cast %get3A_565 : vector<1x16xf32> to vector<16xf32>
        %get3A_567 = arith.index_cast %add3A_478 : i32 to index
        %get3A_568 = arith.constant 96 : index
        %get3A_569 = tpu.vector_load %arg14[%get3A_567, %get3A_568] {strides = array<i32>} : memref<64x128xf32, #tpu.memory_space<vmem>>, vector<1x16xf32>,
        %get3A_570 = vector.shape_cast %get3A_569 : vector<1x16xf32> to vector<16xf32>
        %mul3A_571 = arith.mulf %get3A_566, %get3A_570 : vector<16xf32>
        %swap3A_572 = arith.index_cast %add3A_478 : i32 to index
        %swap3A_573 = arith.constant 96 : index
        %swap3A_574 = tpu.vector_load %arg11[%swap3A_572, %swap3A_573] {strides = array<i32>} : memref<64x128xf32, #tpu.memory_space<vmem>>, vector<1x16xf32>,
        %swap3A_575 = vector.shape_cast %swap3A_574 : vector<1x16xf32> to vector<16xf32>
        %swap3A_576 = vector.shape_cast %mul3A_571 : vector<16xf32> to vector<1x16xf32>
        tpu.vector_store %arg11[%swap3A_572, %swap3A_573], %swap3A_576 {strides = array<i32>} : memref<64x128xf32, #tpu.memory_space<vmem>>, vector<1x16xf32>,
        %get3A_577 = arith.index_cast %add3A_478 : i32 to index
        %get3A_578 = arith.constant 112 : index
        %get3A_579 = tpu.vector_load %arg11[%get3A_577, %get3A_578] {strides = array<i32>} : memref<64x128xf32, #tpu.memory_space<vmem>>, vector<1x16xf32>,
        %get3A_580 = vector.shape_cast %get3A_579 : vector<1x16xf32> to vector<16xf32>
        %get3A_581 = arith.index_cast %add3A_478 : i32 to index
        %get3A_582 = arith.constant 112 : index
        %get3A_583 = tpu.vector_load %arg14[%get3A_581, %get3A_582] {strides = array<i32>} : memref<64x128xf32, #tpu.memory_space<vmem>>, vector<1x16xf32>,
        %get3A_584 = vector.shape_cast %get3A_583 : vector<1x16xf32> to vector<16xf32>
        %mul3A_585 = arith.mulf %get3A_580, %get3A_584 : vector<16xf32>
        %swap3A_586 = arith.index_cast %add3A_478 : i32 to index
        %swap3A_587 = arith.constant 112 : index
        %swap3A_588 = tpu.vector_load %arg11[%swap3A_586, %swap3A_587] {strides = array<i32>} : memref<64x128xf32, #tpu.memory_space<vmem>>, vector<1x16xf32>,
        %swap3A_589 = vector.shape_cast %swap3A_588 : vector<1x16xf32> to vector<16xf32>
        %swap3A_590 = vector.shape_cast %mul3A_585 : vector<16xf32> to vector<1x16xf32>
        tpu.vector_store %arg11[%swap3A_586, %swap3A_587], %swap3A_590 {strides = array<i32>} : memref<64x128xf32, #tpu.memory_space<vmem>>, vector<1x16xf32>,
      }
      %scan3A_306 = arith.constant 64 : i32
      %dma_start3A_307 = arith.constant 1 : i32
      %dma_start3A_308 = arith.constant 0 : i32
      %dma_start3A_309 = tpu.memref_slice %arg8[%dma_start3A_307, %dma_start3A_308] : memref<3x64xi32, #tpu.memory_space<vmem>> -> memref<1x64xi32, #tpu.memory_space<vmem>>
      %dma_start3A_310 = tpu.memref_squeeze %dma_start3A_309 : memref<1x64xi32, #tpu.memory_space<vmem>> -> memref<64xi32, #tpu.memory_space<vmem>>
      %dma_start3A_311 = arith.constant 0 : i32
      %dma_start3A_312 = arith.constant 0 : i32
      %dma_start3A_313 = tpu.memref_slice %arg6[%dma_start3A_311, %dma_start3A_312] : memref<10016x128xf32, #tpu.memory_space<vmem_shared>> -> memref<10016x128xf32, #tpu.memory_space<vmem_shared>>
      tpu.enqueue_indirect_dma source(%arg11 : memref<64x128xf32, #tpu.memory_space<vmem>>) target(%dma_start3A_313 : memref<10016x128xf32, #tpu.memory_space<vmem_shared>>) offsets(%dma_start3A_310 : memref<64xi32, #tpu.memory_space<vmem>>) semaphore(%arg23 : memref<!tpu.dma_semaphore, #tpu.memory_space<semaphore_mem>>) {add = true}
      %add3A_314 = arith.constant 2 : i32
      %add3A_315 = arith.addi %add3A_230, %add3A_314 : i32
      %add3A_316 = arith.constant 2 : i32
      %add3A_317 = arith.addi %add3A_315, %add3A_316 : i32
      %lt3A_318 = arith.constant 315 : i32
      %lt3A_319 = arith.cmpi slt, %add3A_317, %lt3A_318 : i32
      %convert_element_type3A_320 = arith.extui %lt3A_319 : i1 to i32
      %cond3A_321 = arith.constant 0 : i32
      %cond3A_322 = arith.cmpi ne, %convert_element_type3A_320, %cond3A_321 : i32
      scf.if %cond3A_322 {
        %ge3A = arith.constant 1 : i32
        %ge3A_356 = arith.cmpi sge, %add3A_315, %ge3A : i32
        %convert_element_type3A_357 = arith.extui %ge3A_356 : i1 to i32
        %cond3A_358 = arith.constant 0 : i32
        %cond3A_359 = arith.cmpi ne, %convert_element_type3A_357, %cond3A_358 : i32
        scf.if %cond3A_359 {
          %dma_wait3A_371 = arith.constant 1 : i32
          %dma_wait3A_372 = arith.constant 0 : i32
          %dma_wait3A_373 = tpu.memref_slice %arg8[%dma_wait3A_371, %dma_wait3A_372] : memref<3x64xi32, #tpu.memory_space<vmem>> -> memref<1x64xi32, #tpu.memory_space<vmem>>
          %dma_wait3A_374 = tpu.memref_squeeze %dma_wait3A_373 : memref<1x64xi32, #tpu.memory_space<vmem>> -> memref<64xi32, #tpu.memory_space<vmem>>
          %dma_wait3A_375 = arith.constant 0 : i32
          %dma_wait3A_376 = arith.constant 0 : i32
          %dma_wait3A_377 = tpu.memref_slice %arg6[%dma_wait3A_375, %dma_wait3A_376] : memref<10016x128xf32, #tpu.memory_space<vmem_shared>> -> memref<10016x128xf32, #tpu.memory_space<vmem_shared>>
          tpu.wait_indirect_dma semaphore(%arg23 : memref<!tpu.dma_semaphore, #tpu.memory_space<semaphore_mem>>) src(%arg11 : memref<64x128xf32, #tpu.memory_space<vmem>>) dst(%dma_wait3A_377 : memref<10016x128xf32, #tpu.memory_space<vmem_shared>>)
        } else {
        }
        %add3A_360 = arith.constant 2 : i32
        %add3A_361 = arith.addi %add3A_315, %add3A_360 : i32
        %add3A_362 = arith.addi %mul3A_43, %add3A_361 : i32
        %dma_start3A_363 = arith.constant 0 : i32
        %dma_start3A_364 = arith.constant 0 : i32
        %dma_start3A_365 = tpu.memref_slice %arg3[%add3A_362, %dma_start3A_363, %dma_start3A_364] : memref<5040x3x64xi32, #tpu.memory_space<hbm>> -> memref<1x3x64xi32, #tpu.memory_space<hbm>>
        %dma_start3A_366 = tpu.memref_squeeze %dma_start3A_365 : memref<1x3x64xi32, #tpu.memory_space<hbm>> -> memref<3x64xi32, #tpu.memory_space<hbm>>
        %dma_start3A_367 = arith.constant 0 : i32
        %dma_start3A_368 = arith.constant 0 : i32
        %dma_start3A_369 = tpu.memref_slice %arg3[%add3A_362, %dma_start3A_367, %dma_start3A_368] : memref<5040x3x64xi32, #tpu.memory_space<hbm>> -> memref<1x3x64xi32, #tpu.memory_space<hbm>>
        %dma_start3A_370 = tpu.memref_squeeze %dma_start3A_369 : memref<1x3x64xi32, #tpu.memory_space<hbm>> -> memref<3x64xi32, #tpu.memory_space<hbm>>
        tpu.enqueue_dma source(%dma_start3A_370 : memref<3x64xi32, #tpu.memory_space<hbm>>) target(%arg8 : memref<3x64xi32, #tpu.memory_space<vmem>>) target_semaphore(%arg17 : memref<!tpu.dma_semaphore, #tpu.memory_space<semaphore_mem>>)
      } else {
      }
      %add3A_323 = arith.constant 1 : i32
      %add3A_324 = arith.addi %add3A_315, %add3A_323 : i32
      %lt3A_325 = arith.constant 315 : i32
      %lt3A_326 = arith.cmpi slt, %add3A_324, %lt3A_325 : i32
      %convert_element_type3A_327 = arith.extui %lt3A_326 : i1 to i32
      %cond3A_328 = arith.constant 0 : i32
      %cond3A_329 = arith.cmpi ne, %convert_element_type3A_327, %cond3A_328 : i32
      scf.if %cond3A_329 {
        %add3A_356 = arith.constant 1 : i32
        %add3A_357 = arith.addi %add3A_315, %add3A_356 : i32
        %dma_wait3A_358 = arith.constant 0 : i32
        %dma_wait3A_359 = arith.constant 0 : i32
        %dma_wait3A_360 = tpu.memref_slice %arg3[%mul3A_43, %dma_wait3A_358, %dma_wait3A_359] : memref<5040x3x64xi32, #tpu.memory_space<hbm>> -> memref<1x3x64xi32, #tpu.memory_space<hbm>>
        %dma_wait3A_361 = tpu.memref_squeeze %dma_wait3A_360 : memref<1x3x64xi32, #tpu.memory_space<hbm>> -> memref<3x64xi32, #tpu.memory_space<hbm>>
        %dma_wait3A_362 = arith.constant 0 : i32
        %dma_wait3A_363 = arith.constant 0 : i32
        %dma_wait3A_364 = tpu.memref_slice %arg3[%mul3A_43, %dma_wait3A_362, %dma_wait3A_363] : memref<5040x3x64xi32, #tpu.memory_space<hbm>> -> memref<1x3x64xi32, #tpu.memory_space<hbm>>
        %dma_wait3A_365 = tpu.memref_squeeze %dma_wait3A_364 : memref<1x3x64xi32, #tpu.memory_space<hbm>> -> memref<3x64xi32, #tpu.memory_space<hbm>>
        tpu.wait_dma2 semaphore(%arg16 : memref<!tpu.dma_semaphore, #tpu.memory_space<semaphore_mem>>) src(%dma_wait3A_365 : memref<3x64xi32, #tpu.memory_space<hbm>>) dst(%arg7 : memref<3x64xi32, #tpu.memory_space<vmem>>)
        %get3A_366 = arith.constant 0 : i32
        %get3A_367 = arith.index_cast %get3A_366 : i32 to index
        %get3A_368 = arith.constant 0 : index
        %get3A_369 = tpu.vector_load %arg7[%get3A_367, %get3A_368] {strides = array<i32>} : memref<3x64xi32, #tpu.memory_space<vmem>>, vector<1x16xi32>,
        %get3A_370 = vector.shape_cast %get3A_369 : vector<1x16xi32> to vector<16xi32>
        %add3A_371 = vector.broadcast %mul3A_45 : i32 to vector<16xi32>
        %add3A_372 = arith.addi %get3A_370, %add3A_371 : vector<16xi32>
        %swap3A_373 = arith.constant 0 : i32
        %swap3A_374 = arith.index_cast %swap3A_373 : i32 to index
        %swap3A_375 = arith.constant 0 : index
        %swap3A_376 = tpu.vector_load %arg7[%swap3A_374, %swap3A_375] {strides = array<i32>} : memref<3x64xi32, #tpu.memory_space<vmem>>, vector<1x16xi32>,
        %swap3A_377 = vector.shape_cast %swap3A_376 : vector<1x16xi32> to vector<16xi32>
        %swap3A_378 = vector.shape_cast %add3A_372 : vector<16xi32> to vector<1x16xi32>
        tpu.vector_store %arg7[%swap3A_374, %swap3A_375], %swap3A_378 {strides = array<i32>} : memref<3x64xi32, #tpu.memory_space<vmem>>, vector<1x16xi32>,
        %get3A_379 = arith.constant 2 : i32
        %get3A_380 = arith.index_cast %get3A_379 : i32 to index
        %get3A_381 = arith.constant 0 : index
        %get3A_382 = tpu.vector_load %arg7[%get3A_380, %get3A_381] {strides = array<i32>} : memref<3x64xi32, #tpu.memory_space<vmem>>, vector<1x16xi32>,
        %get3A_383 = vector.shape_cast %get3A_382 : vector<1x16xi32> to vector<16xi32>
        %add3A_384 = vector.broadcast %mul3A_50 : i32 to vector<16xi32>
        %add3A_385 = arith.addi %get3A_383, %add3A_384 : vector<16xi32>
        %swap3A_386 = arith.constant 2 : i32
        %swap3A_387 = arith.index_cast %swap3A_386 : i32 to index
        %swap3A_388 = arith.constant 0 : index
        %swap3A_389 = tpu.vector_load %arg7[%swap3A_387, %swap3A_388] {strides = array<i32>} : memref<3x64xi32, #tpu.memory_space<vmem>>, vector<1x16xi32>,
        %swap3A_390 = vector.shape_cast %swap3A_389 : vector<1x16xi32> to vector<16xi32>
        %swap3A_391 = vector.shape_cast %add3A_385 : vector<16xi32> to vector<1x16xi32>
        tpu.vector_store %arg7[%swap3A_387, %swap3A_388], %swap3A_391 {strides = array<i32>} : memref<3x64xi32, #tpu.memory_space<vmem>>, vector<1x16xi32>,
        %get3A_392 = arith.constant 0 : i32
        %get3A_393 = arith.index_cast %get3A_392 : i32 to index
        %get3A_394 = arith.constant 16 : index
        %get3A_395 = tpu.vector_load %arg7[%get3A_393, %get3A_394] {strides = array<i32>} : memref<3x64xi32, #tpu.memory_space<vmem>>, vector<1x16xi32>,
        %get3A_396 = vector.shape_cast %get3A_395 : vector<1x16xi32> to vector<16xi32>
        %add3A_397 = vector.broadcast %mul3A_45 : i32 to vector<16xi32>
        %add3A_398 = arith.addi %get3A_396, %add3A_397 : vector<16xi32>
        %swap3A_399 = arith.constant 0 : i32
        %swap3A_400 = arith.index_cast %swap3A_399 : i32 to index
        %swap3A_401 = arith.constant 16 : index
        %swap3A_402 = tpu.vector_load %arg7[%swap3A_400, %swap3A_401] {strides = array<i32>} : memref<3x64xi32, #tpu.memory_space<vmem>>, vector<1x16xi32>,
        %swap3A_403 = vector.shape_cast %swap3A_402 : vector<1x16xi32> to vector<16xi32>
        %swap3A_404 = vector.shape_cast %add3A_398 : vector<16xi32> to vector<1x16xi32>
        tpu.vector_store %arg7[%swap3A_400, %swap3A_401], %swap3A_404 {strides = array<i32>} : memref<3x64xi32, #tpu.memory_space<vmem>>, vector<1x16xi32>,
        %get3A_405 = arith.constant 2 : i32
        %get3A_406 = arith.index_cast %get3A_405 : i32 to index
        %get3A_407 = arith.constant 16 : index
        %get3A_408 = tpu.vector_load %arg7[%get3A_406, %get3A_407] {strides = array<i32>} : memref<3x64xi32, #tpu.memory_space<vmem>>, vector<1x16xi32>,
        %get3A_409 = vector.shape_cast %get3A_408 : vector<1x16xi32> to vector<16xi32>
        %add3A_410 = vector.broadcast %mul3A_50 : i32 to vector<16xi32>
        %add3A_411 = arith.addi %get3A_409, %add3A_410 : vector<16xi32>
        %swap3A_412 = arith.constant 2 : i32
        %swap3A_413 = arith.index_cast %swap3A_412 : i32 to index
        %swap3A_414 = arith.constant 16 : index
        %swap3A_415 = tpu.vector_load %arg7[%swap3A_413, %swap3A_414] {strides = array<i32>} : memref<3x64xi32, #tpu.memory_space<vmem>>, vector<1x16xi32>,
        %swap3A_416 = vector.shape_cast %swap3A_415 : vector<1x16xi32> to vector<16xi32>
        %swap3A_417 = vector.shape_cast %add3A_411 : vector<16xi32> to vector<1x16xi32>
        tpu.vector_store %arg7[%swap3A_413, %swap3A_414], %swap3A_417 {strides = array<i32>} : memref<3x64xi32, #tpu.memory_space<vmem>>, vector<1x16xi32>,
        %get3A_418 = arith.constant 0 : i32
        %get3A_419 = arith.index_cast %get3A_418 : i32 to index
        %get3A_420 = arith.constant 32 : index
        %get3A_421 = tpu.vector_load %arg7[%get3A_419, %get3A_420] {strides = array<i32>} : memref<3x64xi32, #tpu.memory_space<vmem>>, vector<1x16xi32>,
        %get3A_422 = vector.shape_cast %get3A_421 : vector<1x16xi32> to vector<16xi32>
        %add3A_423 = vector.broadcast %mul3A_45 : i32 to vector<16xi32>
        %add3A_424 = arith.addi %get3A_422, %add3A_423 : vector<16xi32>
        %swap3A_425 = arith.constant 0 : i32
        %swap3A_426 = arith.index_cast %swap3A_425 : i32 to index
        %swap3A_427 = arith.constant 32 : index
        %swap3A_428 = tpu.vector_load %arg7[%swap3A_426, %swap3A_427] {strides = array<i32>} : memref<3x64xi32, #tpu.memory_space<vmem>>, vector<1x16xi32>,
        %swap3A_429 = vector.shape_cast %swap3A_428 : vector<1x16xi32> to vector<16xi32>
        %swap3A_430 = vector.shape_cast %add3A_424 : vector<16xi32> to vector<1x16xi32>
        tpu.vector_store %arg7[%swap3A_426, %swap3A_427], %swap3A_430 {strides = array<i32>} : memref<3x64xi32, #tpu.memory_space<vmem>>, vector<1x16xi32>,
        %get3A_431 = arith.constant 2 : i32
        %get3A_432 = arith.index_cast %get3A_431 : i32 to index
        %get3A_433 = arith.constant 32 : index
        %get3A_434 = tpu.vector_load %arg7[%get3A_432, %get3A_433] {strides = array<i32>} : memref<3x64xi32, #tpu.memory_space<vmem>>, vector<1x16xi32>,
        %get3A_435 = vector.shape_cast %get3A_434 : vector<1x16xi32> to vector<16xi32>
        %add3A_436 = vector.broadcast %mul3A_50 : i32 to vector<16xi32>
        %add3A_437 = arith.addi %get3A_435, %add3A_436 : vector<16xi32>
        %swap3A_438 = arith.constant 2 : i32
        %swap3A_439 = arith.index_cast %swap3A_438 : i32 to index
        %swap3A_440 = arith.constant 32 : index
        %swap3A_441 = tpu.vector_load %arg7[%swap3A_439, %swap3A_440] {strides = array<i32>} : memref<3x64xi32, #tpu.memory_space<vmem>>, vector<1x16xi32>,
        %swap3A_442 = vector.shape_cast %swap3A_441 : vector<1x16xi32> to vector<16xi32>
        %swap3A_443 = vector.shape_cast %add3A_437 : vector<16xi32> to vector<1x16xi32>
        tpu.vector_store %arg7[%swap3A_439, %swap3A_440], %swap3A_443 {strides = array<i32>} : memref<3x64xi32, #tpu.memory_space<vmem>>, vector<1x16xi32>,
        %get3A_444 = arith.constant 0 : i32
        %get3A_445 = arith.index_cast %get3A_444 : i32 to index
        %get3A_446 = arith.constant 48 : index
        %get3A_447 = tpu.vector_load %arg7[%get3A_445, %get3A_446] {strides = array<i32>} : memref<3x64xi32, #tpu.memory_space<vmem>>, vector<1x16xi32>,
        %get3A_448 = vector.shape_cast %get3A_447 : vector<1x16xi32> to vector<16xi32>
        %add3A_449 = vector.broadcast %mul3A_45 : i32 to vector<16xi32>
        %add3A_450 = arith.addi %get3A_448, %add3A_449 : vector<16xi32>
        %swap3A_451 = arith.constant 0 : i32
        %swap3A_452 = arith.index_cast %swap3A_451 : i32 to index
        %swap3A_453 = arith.constant 48 : index
        %swap3A_454 = tpu.vector_load %arg7[%swap3A_452, %swap3A_453] {strides = array<i32>} : memref<3x64xi32, #tpu.memory_space<vmem>>, vector<1x16xi32>,
        %swap3A_455 = vector.shape_cast %swap3A_454 : vector<1x16xi32> to vector<16xi32>
        %swap3A_456 = vector.shape_cast %add3A_450 : vector<16xi32> to vector<1x16xi32>
        tpu.vector_store %arg7[%swap3A_452, %swap3A_453], %swap3A_456 {strides = array<i32>} : memref<3x64xi32, #tpu.memory_space<vmem>>, vector<1x16xi32>,
        %get3A_457 = arith.constant 2 : i32
        %get3A_458 = arith.index_cast %get3A_457 : i32 to index
        %get3A_459 = arith.constant 48 : index
        %get3A_460 = tpu.vector_load %arg7[%get3A_458, %get3A_459] {strides = array<i32>} : memref<3x64xi32, #tpu.memory_space<vmem>>, vector<1x16xi32>,
        %get3A_461 = vector.shape_cast %get3A_460 : vector<1x16xi32> to vector<16xi32>
        %add3A_462 = vector.broadcast %mul3A_50 : i32 to vector<16xi32>
        %add3A_463 = arith.addi %get3A_461, %add3A_462 : vector<16xi32>
        %swap3A_464 = arith.constant 2 : i32
        %swap3A_465 = arith.index_cast %swap3A_464 : i32 to index
        %swap3A_466 = arith.constant 48 : index
        %swap3A_467 = tpu.vector_load %arg7[%swap3A_465, %swap3A_466] {strides = array<i32>} : memref<3x64xi32, #tpu.memory_space<vmem>>, vector<1x16xi32>,
        %swap3A_468 = vector.shape_cast %swap3A_467 : vector<1x16xi32> to vector<16xi32>
        %swap3A_469 = vector.shape_cast %add3A_463 : vector<16xi32> to vector<1x16xi32>
        tpu.vector_store %arg7[%swap3A_465, %swap3A_466], %swap3A_469 {strides = array<i32>} : memref<3x64xi32, #tpu.memory_space<vmem>>, vector<1x16xi32>,
        %dma_start3A_470 = arith.constant 0 : i32
        %dma_start3A_471 = arith.constant 0 : i32
        %dma_start3A_472 = tpu.memref_slice %arg7[%dma_start3A_470, %dma_start3A_471] : memref<3x64xi32, #tpu.memory_space<vmem>> -> memref<1x64xi32, #tpu.memory_space<vmem>>
        %dma_start3A_473 = tpu.memref_squeeze %dma_start3A_472 : memref<1x64xi32, #tpu.memory_space<vmem>> -> memref<64xi32, #tpu.memory_space<vmem>>
        %dma_start3A_474 = arith.constant 0 : i32
        %dma_start3A_475 = arith.constant 0 : i32
        %dma_start3A_476 = tpu.memref_slice %arg2[%dma_start3A_474, %dma_start3A_475] : memref<20000x128xf32, #tpu.memory_space<hbm>> -> memref<20000x128xf32, #tpu.memory_space<hbm>>
        tpu.enqueue_indirect_dma source(%dma_start3A_476 : memref<20000x128xf32, #tpu.memory_space<hbm>>) target(%arg10 : memref<64x128xf32, #tpu.memory_space<vmem>>) offsets(%dma_start3A_473 : memref<64xi32, #tpu.memory_space<vmem>>) semaphore(%arg19 : memref<!tpu.dma_semaphore, #tpu.memory_space<semaphore_mem>>)
        %dma_start3A_477 = arith.constant 2 : i32
        %dma_start3A_478 = arith.constant 0 : i32
        %dma_start3A_479 = tpu.memref_slice %arg7[%dma_start3A_477, %dma_start3A_478] : memref<3x64xi32, #tpu.memory_space<vmem>> -> memref<1x64xi32, #tpu.memory_space<vmem>>
        %dma_start3A_480 = tpu.memref_squeeze %dma_start3A_479 : memref<1x64xi32, #tpu.memory_space<vmem>> -> memref<64xi32, #tpu.memory_space<vmem>>
        %dma_start3A_481 = arith.constant 0 : i32
        %dma_start3A_482 = arith.constant 0 : i32
        %dma_start3A_483 = tpu.memref_slice %arg4[%dma_start3A_481, %dma_start3A_482] : memref<2048x128xf32, #tpu.memory_space<hbm>> -> memref<2048x128xf32, #tpu.memory_space<hbm>>
        tpu.enqueue_indirect_dma source(%dma_start3A_483 : memref<2048x128xf32, #tpu.memory_space<hbm>>) target(%arg13 : memref<64x128xf32, #tpu.memory_space<vmem>>) offsets(%dma_start3A_480 : memref<64xi32, #tpu.memory_space<vmem>>) semaphore(%arg19 : memref<!tpu.dma_semaphore, #tpu.memory_space<semaphore_mem>>)
      } else {
      }
      %dma_wait3A_330 = arith.constant 0 : i32
      %dma_wait3A_331 = arith.constant 0 : i32
      %dma_wait3A_332 = tpu.memref_slice %arg9[%dma_wait3A_330, %dma_wait3A_331] : memref<3x64xi32, #tpu.memory_space<vmem>> -> memref<1x64xi32, #tpu.memory_space<vmem>>
      %dma_wait3A_333 = tpu.memref_squeeze %dma_wait3A_332 : memref<1x64xi32, #tpu.memory_space<vmem>> -> memref<64xi32, #tpu.memory_space<vmem>>
      %dma_wait3A_334 = arith.constant 0 : i32
      %dma_wait3A_335 = arith.constant 0 : i32
      %dma_wait3A_336 = tpu.memref_slice %arg2[%dma_wait3A_334, %dma_wait3A_335] : memref<20000x128xf32, #tpu.memory_space<hbm>> -> memref<20000x128xf32, #tpu.memory_space<hbm>>
      tpu.wait_indirect_dma semaphore(%arg21 : memref<!tpu.dma_semaphore, #tpu.memory_space<semaphore_mem>>) src(%dma_wait3A_336 : memref<20000x128xf32, #tpu.memory_space<hbm>>) dst(%arg12 : memref<64x128xf32, #tpu.memory_space<vmem>>)
      %dma_wait3A_337 = arith.constant 0 : i32
      %dma_wait3A_338 = arith.constant 0 : i32
      %dma_wait3A_339 = tpu.memref_slice %arg9[%dma_wait3A_337, %dma_wait3A_338] : memref<3x64xi32, #tpu.memory_space<vmem>> -> memref<1x64xi32, #tpu.memory_space<vmem>>
      %dma_wait3A_340 = tpu.memref_squeeze %dma_wait3A_339 : memref<1x64xi32, #tpu.memory_space<vmem>> -> memref<64xi32, #tpu.memory_space<vmem>>
      %dma_wait3A_341 = arith.constant 0 : i32
      %dma_wait3A_342 = arith.constant 0 : i32
      %dma_wait3A_343 = tpu.memref_slice %arg2[%dma_wait3A_341, %dma_wait3A_342] : memref<20000x128xf32, #tpu.memory_space<hbm>> -> memref<20000x128xf32, #tpu.memory_space<hbm>>
      tpu.wait_indirect_dma semaphore(%arg21 : memref<!tpu.dma_semaphore, #tpu.memory_space<semaphore_mem>>) src(%dma_wait3A_343 : memref<20000x128xf32, #tpu.memory_space<hbm>>) dst(%arg15 : memref<64x128xf32, #tpu.memory_space<vmem>>)
      %scan3A_344 = arith.constant 0 : i32
      %scan3A_345 = arith.constant 64 : i32
      %scan3A_346 = arith.addi %scan3A_344, %scan3A_345 : i32
      %scan3A_347 = arith.constant 2 : i32
      scf.for %scan3A_356 = %scan3A_344 to %scan3A_346 step %scan3A_347  : i32 {
        %mul3A_357 = arith.constant 1 : i32
        %mul3A_358 = arith.muli %scan3A_356, %mul3A_357 : i32
        %add3A_359 = arith.constant 0 : i32
        %add3A_360 = arith.addi %add3A_359, %mul3A_358 : i32
        %get3A_361 = arith.index_cast %add3A_360 : i32 to index
        %get3A_362 = arith.constant 0 : index
        %get3A_363 = tpu.vector_load %arg12[%get3A_361, %get3A_362] {strides = array<i32>} : memref<64x128xf32, #tpu.memory_space<vmem>>, vector<1x16xf32>,
        %get3A_364 = vector.shape_cast %get3A_363 : vector<1x16xf32> to vector<16xf32>
        %get3A_365 = arith.index_cast %add3A_360 : i32 to index
        %get3A_366 = arith.constant 0 : index
        %get3A_367 = tpu.vector_load %arg15[%get3A_365, %get3A_366] {strides = array<i32>} : memref<64x128xf32, #tpu.memory_space<vmem>>, vector<1x16xf32>,
        %get3A_368 = vector.shape_cast %get3A_367 : vector<1x16xf32> to vector<16xf32>
        %mul3A_369 = arith.mulf %get3A_364, %get3A_368 : vector<16xf32>
        %swap3A_370 = arith.index_cast %add3A_360 : i32 to index
        %swap3A_371 = arith.constant 0 : index
        %swap3A_372 = tpu.vector_load %arg12[%swap3A_370, %swap3A_371] {strides = array<i32>} : memref<64x128xf32, #tpu.memory_space<vmem>>, vector<1x16xf32>,
        %swap3A_373 = vector.shape_cast %swap3A_372 : vector<1x16xf32> to vector<16xf32>
        %swap3A_374 = vector.shape_cast %mul3A_369 : vector<16xf32> to vector<1x16xf32>
        tpu.vector_store %arg12[%swap3A_370, %swap3A_371], %swap3A_374 {strides = array<i32>} : memref<64x128xf32, #tpu.memory_space<vmem>>, vector<1x16xf32>,
        %get3A_375 = arith.index_cast %add3A_360 : i32 to index
        %get3A_376 = arith.constant 16 : index
        %get3A_377 = tpu.vector_load %arg12[%get3A_375, %get3A_376] {strides = array<i32>} : memref<64x128xf32, #tpu.memory_space<vmem>>, vector<1x16xf32>,
        %get3A_378 = vector.shape_cast %get3A_377 : vector<1x16xf32> to vector<16xf32>
        %get3A_379 = arith.index_cast %add3A_360 : i32 to index
        %get3A_380 = arith.constant 16 : index
        %get3A_381 = tpu.vector_load %arg15[%get3A_379, %get3A_380] {strides = array<i32>} : memref<64x128xf32, #tpu.memory_space<vmem>>, vector<1x16xf32>,
        %get3A_382 = vector.shape_cast %get3A_381 : vector<1x16xf32> to vector<16xf32>
        %mul3A_383 = arith.mulf %get3A_378, %get3A_382 : vector<16xf32>
        %swap3A_384 = arith.index_cast %add3A_360 : i32 to index
        %swap3A_385 = arith.constant 16 : index
        %swap3A_386 = tpu.vector_load %arg12[%swap3A_384, %swap3A_385] {strides = array<i32>} : memref<64x128xf32, #tpu.memory_space<vmem>>, vector<1x16xf32>,
        %swap3A_387 = vector.shape_cast %swap3A_386 : vector<1x16xf32> to vector<16xf32>
        %swap3A_388 = vector.shape_cast %mul3A_383 : vector<16xf32> to vector<1x16xf32>
        tpu.vector_store %arg12[%swap3A_384, %swap3A_385], %swap3A_388 {strides = array<i32>} : memref<64x128xf32, #tpu.memory_space<vmem>>, vector<1x16xf32>,
        %get3A_389 = arith.index_cast %add3A_360 : i32 to index
        %get3A_390 = arith.constant 32 : index
        %get3A_391 = tpu.vector_load %arg12[%get3A_389, %get3A_390] {strides = array<i32>} : memref<64x128xf32, #tpu.memory_space<vmem>>, vector<1x16xf32>,
        %get3A_392 = vector.shape_cast %get3A_391 : vector<1x16xf32> to vector<16xf32>
        %get3A_393 = arith.index_cast %add3A_360 : i32 to index
        %get3A_394 = arith.constant 32 : index
        %get3A_395 = tpu.vector_load %arg15[%get3A_393, %get3A_394] {strides = array<i32>} : memref<64x128xf32, #tpu.memory_space<vmem>>, vector<1x16xf32>,
        %get3A_396 = vector.shape_cast %get3A_395 : vector<1x16xf32> to vector<16xf32>
        %mul3A_397 = arith.mulf %get3A_392, %get3A_396 : vector<16xf32>
        %swap3A_398 = arith.index_cast %add3A_360 : i32 to index
        %swap3A_399 = arith.constant 32 : index
        %swap3A_400 = tpu.vector_load %arg12[%swap3A_398, %swap3A_399] {strides = array<i32>} : memref<64x128xf32, #tpu.memory_space<vmem>>, vector<1x16xf32>,
        %swap3A_401 = vector.shape_cast %swap3A_400 : vector<1x16xf32> to vector<16xf32>
        %swap3A_402 = vector.shape_cast %mul3A_397 : vector<16xf32> to vector<1x16xf32>
        tpu.vector_store %arg12[%swap3A_398, %swap3A_399], %swap3A_402 {strides = array<i32>} : memref<64x128xf32, #tpu.memory_space<vmem>>, vector<1x16xf32>,
        %get3A_403 = arith.index_cast %add3A_360 : i32 to index
        %get3A_404 = arith.constant 48 : index
        %get3A_405 = tpu.vector_load %arg12[%get3A_403, %get3A_404] {strides = array<i32>} : memref<64x128xf32, #tpu.memory_space<vmem>>, vector<1x16xf32>,
        %get3A_406 = vector.shape_cast %get3A_405 : vector<1x16xf32> to vector<16xf32>
        %get3A_407 = arith.index_cast %add3A_360 : i32 to index
        %get3A_408 = arith.constant 48 : index
        %get3A_409 = tpu.vector_load %arg15[%get3A_407, %get3A_408] {strides = array<i32>} : memref<64x128xf32, #tpu.memory_space<vmem>>, vector<1x16xf32>,
        %get3A_410 = vector.shape_cast %get3A_409 : vector<1x16xf32> to vector<16xf32>
        %mul3A_411 = arith.mulf %get3A_406, %get3A_410 : vector<16xf32>
        %swap3A_412 = arith.index_cast %add3A_360 : i32 to index
        %swap3A_413 = arith.constant 48 : index
        %swap3A_414 = tpu.vector_load %arg12[%swap3A_412, %swap3A_413] {strides = array<i32>} : memref<64x128xf32, #tpu.memory_space<vmem>>, vector<1x16xf32>,
        %swap3A_415 = vector.shape_cast %swap3A_414 : vector<1x16xf32> to vector<16xf32>
        %swap3A_416 = vector.shape_cast %mul3A_411 : vector<16xf32> to vector<1x16xf32>
        tpu.vector_store %arg12[%swap3A_412, %swap3A_413], %swap3A_416 {strides = array<i32>} : memref<64x128xf32, #tpu.memory_space<vmem>>, vector<1x16xf32>,
        %get3A_417 = arith.index_cast %add3A_360 : i32 to index
        %get3A_418 = arith.constant 64 : index
        %get3A_419 = tpu.vector_load %arg12[%get3A_417, %get3A_418] {strides = array<i32>} : memref<64x128xf32, #tpu.memory_space<vmem>>, vector<1x16xf32>,
        %get3A_420 = vector.shape_cast %get3A_419 : vector<1x16xf32> to vector<16xf32>
        %get3A_421 = arith.index_cast %add3A_360 : i32 to index
        %get3A_422 = arith.constant 64 : index
        %get3A_423 = tpu.vector_load %arg15[%get3A_421, %get3A_422] {strides = array<i32>} : memref<64x128xf32, #tpu.memory_space<vmem>>, vector<1x16xf32>,
        %get3A_424 = vector.shape_cast %get3A_423 : vector<1x16xf32> to vector<16xf32>
        %mul3A_425 = arith.mulf %get3A_420, %get3A_424 : vector<16xf32>
        %swap3A_426 = arith.index_cast %add3A_360 : i32 to index
        %swap3A_427 = arith.constant 64 : index
        %swap3A_428 = tpu.vector_load %arg12[%swap3A_426, %swap3A_427] {strides = array<i32>} : memref<64x128xf32, #tpu.memory_space<vmem>>, vector<1x16xf32>,
        %swap3A_429 = vector.shape_cast %swap3A_428 : vector<1x16xf32> to vector<16xf32>
        %swap3A_430 = vector.shape_cast %mul3A_425 : vector<16xf32> to vector<1x16xf32>
        tpu.vector_store %arg12[%swap3A_426, %swap3A_427], %swap3A_430 {strides = array<i32>} : memref<64x128xf32, #tpu.memory_space<vmem>>, vector<1x16xf32>,
        %get3A_431 = arith.index_cast %add3A_360 : i32 to index
        %get3A_432 = arith.constant 80 : index
        %get3A_433 = tpu.vector_load %arg12[%get3A_431, %get3A_432] {strides = array<i32>} : memref<64x128xf32, #tpu.memory_space<vmem>>, vector<1x16xf32>,
        %get3A_434 = vector.shape_cast %get3A_433 : vector<1x16xf32> to vector<16xf32>
        %get3A_435 = arith.index_cast %add3A_360 : i32 to index
        %get3A_436 = arith.constant 80 : index
        %get3A_437 = tpu.vector_load %arg15[%get3A_435, %get3A_436] {strides = array<i32>} : memref<64x128xf32, #tpu.memory_space<vmem>>, vector<1x16xf32>,
        %get3A_438 = vector.shape_cast %get3A_437 : vector<1x16xf32> to vector<16xf32>
        %mul3A_439 = arith.mulf %get3A_434, %get3A_438 : vector<16xf32>
        %swap3A_440 = arith.index_cast %add3A_360 : i32 to index
        %swap3A_441 = arith.constant 80 : index
        %swap3A_442 = tpu.vector_load %arg12[%swap3A_440, %swap3A_441] {strides = array<i32>} : memref<64x128xf32, #tpu.memory_space<vmem>>, vector<1x16xf32>,
        %swap3A_443 = vector.shape_cast %swap3A_442 : vector<1x16xf32> to vector<16xf32>
        %swap3A_444 = vector.shape_cast %mul3A_439 : vector<16xf32> to vector<1x16xf32>
        tpu.vector_store %arg12[%swap3A_440, %swap3A_441], %swap3A_444 {strides = array<i32>} : memref<64x128xf32, #tpu.memory_space<vmem>>, vector<1x16xf32>,
        %get3A_445 = arith.index_cast %add3A_360 : i32 to index
        %get3A_446 = arith.constant 96 : index
        %get3A_447 = tpu.vector_load %arg12[%get3A_445, %get3A_446] {strides = array<i32>} : memref<64x128xf32, #tpu.memory_space<vmem>>, vector<1x16xf32>,
        %get3A_448 = vector.shape_cast %get3A_447 : vector<1x16xf32> to vector<16xf32>
        %get3A_449 = arith.index_cast %add3A_360 : i32 to index
        %get3A_450 = arith.constant 96 : index
        %get3A_451 = tpu.vector_load %arg15[%get3A_449, %get3A_450] {strides = array<i32>} : memref<64x128xf32, #tpu.memory_space<vmem>>, vector<1x16xf32>,
        %get3A_452 = vector.shape_cast %get3A_451 : vector<1x16xf32> to vector<16xf32>
        %mul3A_453 = arith.mulf %get3A_448, %get3A_452 : vector<16xf32>
        %swap3A_454 = arith.index_cast %add3A_360 : i32 to index
        %swap3A_455 = arith.constant 96 : index
        %swap3A_456 = tpu.vector_load %arg12[%swap3A_454, %swap3A_455] {strides = array<i32>} : memref<64x128xf32, #tpu.memory_space<vmem>>, vector<1x16xf32>,
        %swap3A_457 = vector.shape_cast %swap3A_456 : vector<1x16xf32> to vector<16xf32>
        %swap3A_458 = vector.shape_cast %mul3A_453 : vector<16xf32> to vector<1x16xf32>
        tpu.vector_store %arg12[%swap3A_454, %swap3A_455], %swap3A_458 {strides = array<i32>} : memref<64x128xf32, #tpu.memory_space<vmem>>, vector<1x16xf32>,
        %get3A_459 = arith.index_cast %add3A_360 : i32 to index
        %get3A_460 = arith.constant 112 : index
        %get3A_461 = tpu.vector_load %arg12[%get3A_459, %get3A_460] {strides = array<i32>} : memref<64x128xf32, #tpu.memory_space<vmem>>, vector<1x16xf32>,
        %get3A_462 = vector.shape_cast %get3A_461 : vector<1x16xf32> to vector<16xf32>
        %get3A_463 = arith.index_cast %add3A_360 : i32 to index
        %get3A_464 = arith.constant 112 : index
        %get3A_465 = tpu.vector_load %arg15[%get3A_463, %get3A_464] {strides = array<i32>} : memref<64x128xf32, #tpu.memory_space<vmem>>, vector<1x16xf32>,
        %get3A_466 = vector.shape_cast %get3A_465 : vector<1x16xf32> to vector<16xf32>
        %mul3A_467 = arith.mulf %get3A_462, %get3A_466 : vector<16xf32>
        %swap3A_468 = arith.index_cast %add3A_360 : i32 to index
        %swap3A_469 = arith.constant 112 : index
        %swap3A_470 = tpu.vector_load %arg12[%swap3A_468, %swap3A_469] {strides = array<i32>} : memref<64x128xf32, #tpu.memory_space<vmem>>, vector<1x16xf32>,
        %swap3A_471 = vector.shape_cast %swap3A_470 : vector<1x16xf32> to vector<16xf32>
        %swap3A_472 = vector.shape_cast %mul3A_467 : vector<16xf32> to vector<1x16xf32>
        tpu.vector_store %arg12[%swap3A_468, %swap3A_469], %swap3A_472 {strides = array<i32>} : memref<64x128xf32, #tpu.memory_space<vmem>>, vector<1x16xf32>,
        %scan3A_473 = arith.constant 1 : i32
        %scan3A_474 = arith.addi %scan3A_356, %scan3A_473 : i32
        %mul3A_475 = arith.constant 1 : i32
        %mul3A_476 = arith.muli %scan3A_474, %mul3A_475 : i32
        %add3A_477 = arith.constant 0 : i32
        %add3A_478 = arith.addi %add3A_477, %mul3A_476 : i32
        %get3A_479 = arith.index_cast %add3A_478 : i32 to index
        %get3A_480 = arith.constant 0 : index
        %get3A_481 = tpu.vector_load %arg12[%get3A_479, %get3A_480] {strides = array<i32>} : memref<64x128xf32, #tpu.memory_space<vmem>>, vector<1x16xf32>,
        %get3A_482 = vector.shape_cast %get3A_481 : vector<1x16xf32> to vector<16xf32>
        %get3A_483 = arith.index_cast %add3A_478 : i32 to index
        %get3A_484 = arith.constant 0 : index
        %get3A_485 = tpu.vector_load %arg15[%get3A_483, %get3A_484] {strides = array<i32>} : memref<64x128xf32, #tpu.memory_space<vmem>>, vector<1x16xf32>,
        %get3A_486 = vector.shape_cast %get3A_485 : vector<1x16xf32> to vector<16xf32>
        %mul3A_487 = arith.mulf %get3A_482, %get3A_486 : vector<16xf32>
        %swap3A_488 = arith.index_cast %add3A_478 : i32 to index
        %swap3A_489 = arith.constant 0 : index
        %swap3A_490 = tpu.vector_load %arg12[%swap3A_488, %swap3A_489] {strides = array<i32>} : memref<64x128xf32, #tpu.memory_space<vmem>>, vector<1x16xf32>,
        %swap3A_491 = vector.shape_cast %swap3A_490 : vector<1x16xf32> to vector<16xf32>
        %swap3A_492 = vector.shape_cast %mul3A_487 : vector<16xf32> to vector<1x16xf32>
        tpu.vector_store %arg12[%swap3A_488, %swap3A_489], %swap3A_492 {strides = array<i32>} : memref<64x128xf32, #tpu.memory_space<vmem>>, vector<1x16xf32>,
        %get3A_493 = arith.index_cast %add3A_478 : i32 to index
        %get3A_494 = arith.constant 16 : index
        %get3A_495 = tpu.vector_load %arg12[%get3A_493, %get3A_494] {strides = array<i32>} : memref<64x128xf32, #tpu.memory_space<vmem>>, vector<1x16xf32>,
        %get3A_496 = vector.shape_cast %get3A_495 : vector<1x16xf32> to vector<16xf32>
        %get3A_497 = arith.index_cast %add3A_478 : i32 to index
        %get3A_498 = arith.constant 16 : index
        %get3A_499 = tpu.vector_load %arg15[%get3A_497, %get3A_498] {strides = array<i32>} : memref<64x128xf32, #tpu.memory_space<vmem>>, vector<1x16xf32>,
        %get3A_500 = vector.shape_cast %get3A_499 : vector<1x16xf32> to vector<16xf32>
        %mul3A_501 = arith.mulf %get3A_496, %get3A_500 : vector<16xf32>
        %swap3A_502 = arith.index_cast %add3A_478 : i32 to index
        %swap3A_503 = arith.constant 16 : index
        %swap3A_504 = tpu.vector_load %arg12[%swap3A_502, %swap3A_503] {strides = array<i32>} : memref<64x128xf32, #tpu.memory_space<vmem>>, vector<1x16xf32>,
        %swap3A_505 = vector.shape_cast %swap3A_504 : vector<1x16xf32> to vector<16xf32>
        %swap3A_506 = vector.shape_cast %mul3A_501 : vector<16xf32> to vector<1x16xf32>
        tpu.vector_store %arg12[%swap3A_502, %swap3A_503], %swap3A_506 {strides = array<i32>} : memref<64x128xf32, #tpu.memory_space<vmem>>, vector<1x16xf32>,
        %get3A_507 = arith.index_cast %add3A_478 : i32 to index
        %get3A_508 = arith.constant 32 : index
        %get3A_509 = tpu.vector_load %arg12[%get3A_507, %get3A_508] {strides = array<i32>} : memref<64x128xf32, #tpu.memory_space<vmem>>, vector<1x16xf32>,
        %get3A_510 = vector.shape_cast %get3A_509 : vector<1x16xf32> to vector<16xf32>
        %get3A_511 = arith.index_cast %add3A_478 : i32 to index
        %get3A_512 = arith.constant 32 : index
        %get3A_513 = tpu.vector_load %arg15[%get3A_511, %get3A_512] {strides = array<i32>} : memref<64x128xf32, #tpu.memory_space<vmem>>, vector<1x16xf32>,
        %get3A_514 = vector.shape_cast %get3A_513 : vector<1x16xf32> to vector<16xf32>
        %mul3A_515 = arith.mulf %get3A_510, %get3A_514 : vector<16xf32>
        %swap3A_516 = arith.index_cast %add3A_478 : i32 to index
        %swap3A_517 = arith.constant 32 : index
        %swap3A_518 = tpu.vector_load %arg12[%swap3A_516, %swap3A_517] {strides = array<i32>} : memref<64x128xf32, #tpu.memory_space<vmem>>, vector<1x16xf32>,
        %swap3A_519 = vector.shape_cast %swap3A_518 : vector<1x16xf32> to vector<16xf32>
        %swap3A_520 = vector.shape_cast %mul3A_515 : vector<16xf32> to vector<1x16xf32>
        tpu.vector_store %arg12[%swap3A_516, %swap3A_517], %swap3A_520 {strides = array<i32>} : memref<64x128xf32, #tpu.memory_space<vmem>>, vector<1x16xf32>,
        %get3A_521 = arith.index_cast %add3A_478 : i32 to index
        %get3A_522 = arith.constant 48 : index
        %get3A_523 = tpu.vector_load %arg12[%get3A_521, %get3A_522] {strides = array<i32>} : memref<64x128xf32, #tpu.memory_space<vmem>>, vector<1x16xf32>,
        %get3A_524 = vector.shape_cast %get3A_523 : vector<1x16xf32> to vector<16xf32>
        %get3A_525 = arith.index_cast %add3A_478 : i32 to index
        %get3A_526 = arith.constant 48 : index
        %get3A_527 = tpu.vector_load %arg15[%get3A_525, %get3A_526] {strides = array<i32>} : memref<64x128xf32, #tpu.memory_space<vmem>>, vector<1x16xf32>,
        %get3A_528 = vector.shape_cast %get3A_527 : vector<1x16xf32> to vector<16xf32>
        %mul3A_529 = arith.mulf %get3A_524, %get3A_528 : vector<16xf32>
        %swap3A_530 = arith.index_cast %add3A_478 : i32 to index
        %swap3A_531 = arith.constant 48 : index
        %swap3A_532 = tpu.vector_load %arg12[%swap3A_530, %swap3A_531] {strides = array<i32>} : memref<64x128xf32, #tpu.memory_space<vmem>>, vector<1x16xf32>,
        %swap3A_533 = vector.shape_cast %swap3A_532 : vector<1x16xf32> to vector<16xf32>
        %swap3A_534 = vector.shape_cast %mul3A_529 : vector<16xf32> to vector<1x16xf32>
        tpu.vector_store %arg12[%swap3A_530, %swap3A_531], %swap3A_534 {strides = array<i32>} : memref<64x128xf32, #tpu.memory_space<vmem>>, vector<1x16xf32>,
        %get3A_535 = arith.index_cast %add3A_478 : i32 to index
        %get3A_536 = arith.constant 64 : index
        %get3A_537 = tpu.vector_load %arg12[%get3A_535, %get3A_536] {strides = array<i32>} : memref<64x128xf32, #tpu.memory_space<vmem>>, vector<1x16xf32>,
        %get3A_538 = vector.shape_cast %get3A_537 : vector<1x16xf32> to vector<16xf32>
        %get3A_539 = arith.index_cast %add3A_478 : i32 to index
        %get3A_540 = arith.constant 64 : index
        %get3A_541 = tpu.vector_load %arg15[%get3A_539, %get3A_540] {strides = array<i32>} : memref<64x128xf32, #tpu.memory_space<vmem>>, vector<1x16xf32>,
        %get3A_542 = vector.shape_cast %get3A_541 : vector<1x16xf32> to vector<16xf32>
        %mul3A_543 = arith.mulf %get3A_538, %get3A_542 : vector<16xf32>
        %swap3A_544 = arith.index_cast %add3A_478 : i32 to index
        %swap3A_545 = arith.constant 64 : index
        %swap3A_546 = tpu.vector_load %arg12[%swap3A_544, %swap3A_545] {strides = array<i32>} : memref<64x128xf32, #tpu.memory_space<vmem>>, vector<1x16xf32>,
        %swap3A_547 = vector.shape_cast %swap3A_546 : vector<1x16xf32> to vector<16xf32>
        %swap3A_548 = vector.shape_cast %mul3A_543 : vector<16xf32> to vector<1x16xf32>
        tpu.vector_store %arg12[%swap3A_544, %swap3A_545], %swap3A_548 {strides = array<i32>} : memref<64x128xf32, #tpu.memory_space<vmem>>, vector<1x16xf32>,
        %get3A_549 = arith.index_cast %add3A_478 : i32 to index
        %get3A_550 = arith.constant 80 : index
        %get3A_551 = tpu.vector_load %arg12[%get3A_549, %get3A_550] {strides = array<i32>} : memref<64x128xf32, #tpu.memory_space<vmem>>, vector<1x16xf32>,
        %get3A_552 = vector.shape_cast %get3A_551 : vector<1x16xf32> to vector<16xf32>
        %get3A_553 = arith.index_cast %add3A_478 : i32 to index
        %get3A_554 = arith.constant 80 : index
        %get3A_555 = tpu.vector_load %arg15[%get3A_553, %get3A_554] {strides = array<i32>} : memref<64x128xf32, #tpu.memory_space<vmem>>, vector<1x16xf32>,
        %get3A_556 = vector.shape_cast %get3A_555 : vector<1x16xf32> to vector<16xf32>
        %mul3A_557 = arith.mulf %get3A_552, %get3A_556 : vector<16xf32>
        %swap3A_558 = arith.index_cast %add3A_478 : i32 to index
        %swap3A_559 = arith.constant 80 : index
        %swap3A_560 = tpu.vector_load %arg12[%swap3A_558, %swap3A_559] {strides = array<i32>} : memref<64x128xf32, #tpu.memory_space<vmem>>, vector<1x16xf32>,
        %swap3A_561 = vector.shape_cast %swap3A_560 : vector<1x16xf32> to vector<16xf32>
        %swap3A_562 = vector.shape_cast %mul3A_557 : vector<16xf32> to vector<1x16xf32>
        tpu.vector_store %arg12[%swap3A_558, %swap3A_559], %swap3A_562 {strides = array<i32>} : memref<64x128xf32, #tpu.memory_space<vmem>>, vector<1x16xf32>,
        %get3A_563 = arith.index_cast %add3A_478 : i32 to index
        %get3A_564 = arith.constant 96 : index
        %get3A_565 = tpu.vector_load %arg12[%get3A_563, %get3A_564] {strides = array<i32>} : memref<64x128xf32, #tpu.memory_space<vmem>>, vector<1x16xf32>,
        %get3A_566 = vector.shape_cast %get3A_565 : vector<1x16xf32> to vector<16xf32>
        %get3A_567 = arith.index_cast %add3A_478 : i32 to index
        %get3A_568 = arith.constant 96 : index
        %get3A_569 = tpu.vector_load %arg15[%get3A_567, %get3A_568] {strides = array<i32>} : memref<64x128xf32, #tpu.memory_space<vmem>>, vector<1x16xf32>,
        %get3A_570 = vector.shape_cast %get3A_569 : vector<1x16xf32> to vector<16xf32>
        %mul3A_571 = arith.mulf %get3A_566, %get3A_570 : vector<16xf32>
        %swap3A_572 = arith.index_cast %add3A_478 : i32 to index
        %swap3A_573 = arith.constant 96 : index
        %swap3A_574 = tpu.vector_load %arg12[%swap3A_572, %swap3A_573] {strides = array<i32>} : memref<64x128xf32, #tpu.memory_space<vmem>>, vector<1x16xf32>,
        %swap3A_575 = vector.shape_cast %swap3A_574 : vector<1x16xf32> to vector<16xf32>
        %swap3A_576 = vector.shape_cast %mul3A_571 : vector<16xf32> to vector<1x16xf32>
        tpu.vector_store %arg12[%swap3A_572, %swap3A_573], %swap3A_576 {strides = array<i32>} : memref<64x128xf32, #tpu.memory_space<vmem>>, vector<1x16xf32>,
        %get3A_577 = arith.index_cast %add3A_478 : i32 to index
        %get3A_578 = arith.constant 112 : index
        %get3A_579 = tpu.vector_load %arg12[%get3A_577, %get3A_578] {strides = array<i32>} : memref<64x128xf32, #tpu.memory_space<vmem>>, vector<1x16xf32>,
        %get3A_580 = vector.shape_cast %get3A_579 : vector<1x16xf32> to vector<16xf32>
        %get3A_581 = arith.index_cast %add3A_478 : i32 to index
        %get3A_582 = arith.constant 112 : index
        %get3A_583 = tpu.vector_load %arg15[%get3A_581, %get3A_582] {strides = array<i32>} : memref<64x128xf32, #tpu.memory_space<vmem>>, vector<1x16xf32>,
        %get3A_584 = vector.shape_cast %get3A_583 : vector<1x16xf32> to vector<16xf32>
        %mul3A_585 = arith.mulf %get3A_580, %get3A_584 : vector<16xf32>
        %swap3A_586 = arith.index_cast %add3A_478 : i32 to index
        %swap3A_587 = arith.constant 112 : index
        %swap3A_588 = tpu.vector_load %arg12[%swap3A_586, %swap3A_587] {strides = array<i32>} : memref<64x128xf32, #tpu.memory_space<vmem>>, vector<1x16xf32>,
        %swap3A_589 = vector.shape_cast %swap3A_588 : vector<1x16xf32> to vector<16xf32>
        %swap3A_590 = vector.shape_cast %mul3A_585 : vector<16xf32> to vector<1x16xf32>
        tpu.vector_store %arg12[%swap3A_586, %swap3A_587], %swap3A_590 {strides = array<i32>} : memref<64x128xf32, #tpu.memory_space<vmem>>, vector<1x16xf32>,
      }
      %scan3A_348 = arith.constant 64 : i32
      %dma_start3A_349 = arith.constant 1 : i32
      %dma_start3A_350 = arith.constant 0 : i32
      %dma_start3A_351 = tpu.memref_slice %arg9[%dma_start3A_349, %dma_start3A_350] : memref<3x64xi32, #tpu.memory_space<vmem>> -> memref<1x64xi32, #tpu.memory_space<vmem>>
      %dma_start3A_352 = tpu.memref_squeeze %dma_start3A_351 : memref<1x64xi32, #tpu.memory_space<vmem>> -> memref<64xi32, #tpu.memory_space<vmem>>
      %dma_start3A_353 = arith.constant 0 : i32
      %dma_start3A_354 = arith.constant 0 : i32
      %dma_start3A_355 = tpu.memref_slice %arg6[%dma_start3A_353, %dma_start3A_354] : memref<10016x128xf32, #tpu.memory_space<vmem_shared>> -> memref<10016x128xf32, #tpu.memory_space<vmem_shared>>
      tpu.enqueue_indirect_dma source(%arg12 : memref<64x128xf32, #tpu.memory_space<vmem>>) target(%dma_start3A_355 : memref<10016x128xf32, #tpu.memory_space<vmem_shared>>) offsets(%dma_start3A_352 : memref<64xi32, #tpu.memory_space<vmem>>) semaphore(%arg24 : memref<!tpu.dma_semaphore, #tpu.memory_space<semaphore_mem>>) {add = true}
    }
    %scan3A_197 = arith.constant 105 : i32
    %dma_wait3A_198 = arith.constant 1 : i32
    %dma_wait3A_199 = arith.constant 0 : i32
    %dma_wait3A_200 = tpu.memref_slice %arg7[%dma_wait3A_198, %dma_wait3A_199] : memref<3x64xi32, #tpu.memory_space<vmem>> -> memref<1x64xi32, #tpu.memory_space<vmem>>
    %dma_wait3A_201 = tpu.memref_squeeze %dma_wait3A_200 : memref<1x64xi32, #tpu.memory_space<vmem>> -> memref<64xi32, #tpu.memory_space<vmem>>
    %dma_wait3A_202 = arith.constant 0 : i32
    %dma_wait3A_203 = arith.constant 0 : i32
    %dma_wait3A_204 = tpu.memref_slice %arg6[%dma_wait3A_202, %dma_wait3A_203] : memref<10016x128xf32, #tpu.memory_space<vmem_shared>> -> memref<10016x128xf32, #tpu.memory_space<vmem_shared>>
    tpu.wait_indirect_dma semaphore(%arg22 : memref<!tpu.dma_semaphore, #tpu.memory_space<semaphore_mem>>) src(%arg10 : memref<64x128xf32, #tpu.memory_space<vmem>>) dst(%dma_wait3A_204 : memref<10016x128xf32, #tpu.memory_space<vmem_shared>>)
    %dma_wait3A_205 = arith.constant 1 : i32
    %dma_wait3A_206 = arith.constant 0 : i32
    %dma_wait3A_207 = tpu.memref_slice %arg8[%dma_wait3A_205, %dma_wait3A_206] : memref<3x64xi32, #tpu.memory_space<vmem>> -> memref<1x64xi32, #tpu.memory_space<vmem>>
    %dma_wait3A_208 = tpu.memref_squeeze %dma_wait3A_207 : memref<1x64xi32, #tpu.memory_space<vmem>> -> memref<64xi32, #tpu.memory_space<vmem>>
    %dma_wait3A_209 = arith.constant 0 : i32
    %dma_wait3A_210 = arith.constant 0 : i32
    %dma_wait3A_211 = tpu.memref_slice %arg6[%dma_wait3A_209, %dma_wait3A_210] : memref<10016x128xf32, #tpu.memory_space<vmem_shared>> -> memref<10016x128xf32, #tpu.memory_space<vmem_shared>>
    tpu.wait_indirect_dma semaphore(%arg23 : memref<!tpu.dma_semaphore, #tpu.memory_space<semaphore_mem>>) src(%arg11 : memref<64x128xf32, #tpu.memory_space<vmem>>) dst(%dma_wait3A_211 : memref<10016x128xf32, #tpu.memory_space<vmem_shared>>)
    %dma_wait3A_212 = arith.constant 1 : i32
    %dma_wait3A_213 = arith.constant 0 : i32
    %dma_wait3A_214 = tpu.memref_slice %arg9[%dma_wait3A_212, %dma_wait3A_213] : memref<3x64xi32, #tpu.memory_space<vmem>> -> memref<1x64xi32, #tpu.memory_space<vmem>>
    %dma_wait3A_215 = tpu.memref_squeeze %dma_wait3A_214 : memref<1x64xi32, #tpu.memory_space<vmem>> -> memref<64xi32, #tpu.memory_space<vmem>>
    %dma_wait3A_216 = arith.constant 0 : i32
    %dma_wait3A_217 = arith.constant 0 : i32
    %dma_wait3A_218 = tpu.memref_slice %arg6[%dma_wait3A_216, %dma_wait3A_217] : memref<10016x128xf32, #tpu.memory_space<vmem_shared>> -> memref<10016x128xf32, #tpu.memory_space<vmem_shared>>
    tpu.wait_indirect_dma semaphore(%arg24 : memref<!tpu.dma_semaphore, #tpu.memory_space<semaphore_mem>>) src(%arg12 : memref<64x128xf32, #tpu.memory_space<vmem>>) dst(%dma_wait3A_218 : memref<10016x128xf32, #tpu.memory_space<vmem_shared>>)
    %barrier3A_219 = arith.constant 0 : index
    tpu.barrier barrier_id(%barrier3A_219)
    %mul3A_220 = arith.constant 624 : i32
    %mul3A_221 = arith.muli %arg1, %mul3A_220 : i32
    %mul3A_222 = arith.constant 624 : i32
    %mul3A_223 = arith.muli %arg1, %mul3A_222 : i32
    "tpu.region"() ({
      %run_scoped3A = tpu.sem_alloc : memref<!tpu.dma_semaphore, #tpu.memory_space<semaphore_mem>>
      %dma_start3A_226 = arith.constant 0 : i32
      %dma_start3A_227 = tpu.memref_slice %arg5[%arg0, %mul3A_223, %dma_start3A_226] : memref<2x10000x128xf32, #tpu.memory_space<hbm>> -> memref<1x624x128xf32, #tpu.memory_space<hbm>>
      %dma_start3A_228 = tpu.memref_squeeze %dma_start3A_227 : memref<1x624x128xf32, #tpu.memory_space<hbm>> -> memref<624x128xf32, #tpu.memory_space<hbm>>
      %dma_start3A_229 = arith.constant 0 : i32
      %dma_start3A_230 = tpu.memref_slice %arg6[%mul3A_221, %dma_start3A_229] : memref<10016x128xf32, #tpu.memory_space<vmem_shared>> -> memref<624x128xf32, #tpu.memory_space<vmem_shared>>
      tpu.enqueue_dma source(%dma_start3A_230 : memref<624x128xf32, #tpu.memory_space<vmem_shared>>) target(%dma_start3A_228 : memref<624x128xf32, #tpu.memory_space<hbm>>) target_semaphore(%run_scoped3A : memref<!tpu.dma_semaphore, #tpu.memory_space<semaphore_mem>>)
      %dma_wait3A_231 = arith.constant 0 : i32
      %dma_wait3A_232 = tpu.memref_slice %arg5[%arg0, %mul3A_223, %dma_wait3A_231] : memref<2x10000x128xf32, #tpu.memory_space<hbm>> -> memref<1x624x128xf32, #tpu.memory_space<hbm>>
      %dma_wait3A_233 = tpu.memref_squeeze %dma_wait3A_232 : memref<1x624x128xf32, #tpu.memory_space<hbm>> -> memref<624x128xf32, #tpu.memory_space<hbm>>
      %dma_wait3A_234 = arith.constant 0 : i32
      %dma_wait3A_235 = tpu.memref_slice %arg6[%mul3A_221, %dma_wait3A_234] : memref<10016x128xf32, #tpu.memory_space<vmem_shared>> -> memref<624x128xf32, #tpu.memory_space<vmem_shared>>
      tpu.wait_dma2 semaphore(%run_scoped3A : memref<!tpu.dma_semaphore, #tpu.memory_space<semaphore_mem>>) src(%dma_wait3A_235 : memref<624x128xf32, #tpu.memory_space<vmem_shared>>) dst(%dma_wait3A_233 : memref<624x128xf32, #tpu.memory_space<hbm>>)
      tpu.yield
    }) : () -> ()
    %eq3A = arith.constant 0 : i32
    %eq3A_224 = arith.cmpi eq, %arg1, %eq3A : i32
    %convert_element_type3A = arith.extui %eq3A_224 : i1 to i32
    %cond3A = arith.constant 0 : i32
    %cond3A_225 = arith.cmpi ne, %convert_element_type3A, %cond3A : i32
    scf.if %cond3A_225 {
      "tpu.region"() ({
        %run_scoped3A = tpu.sem_alloc : memref<!tpu.dma_semaphore, #tpu.memory_space<semaphore_mem>>
        %dma_start3A_226 = arith.constant 9984 : i32
        %dma_start3A_227 = arith.constant 0 : i32
        %dma_start3A_228 = tpu.memref_slice %arg5[%arg0, %dma_start3A_226, %dma_start3A_227] : memref<2x10000x128xf32, #tpu.memory_space<hbm>> -> memref<1x16x128xf32, #tpu.memory_space<hbm>>
        %dma_start3A_229 = tpu.memref_squeeze %dma_start3A_228 : memref<1x16x128xf32, #tpu.memory_space<hbm>> -> memref<16x128xf32, #tpu.memory_space<hbm>>
        %dma_start3A_230 = arith.constant 9984 : i32
        %dma_start3A_231 = arith.constant 0 : i32
        %dma_start3A_232 = tpu.memref_slice %arg6[%dma_start3A_230, %dma_start3A_231] : memref<10016x128xf32, #tpu.memory_space<vmem_shared>> -> memref<16x128xf32, #tpu.memory_space<vmem_shared>>
        tpu.enqueue_dma source(%dma_start3A_232 : memref<16x128xf32, #tpu.memory_space<vmem_shared>>) target(%dma_start3A_229 : memref<16x128xf32, #tpu.memory_space<hbm>>) target_semaphore(%run_scoped3A : memref<!tpu.dma_semaphore, #tpu.memory_space<semaphore_mem>>)
        %dma_wait3A_233 = arith.constant 9984 : i32
        %dma_wait3A_234 = arith.constant 0 : i32
        %dma_wait3A_235 = tpu.memref_slice %arg5[%arg0, %dma_wait3A_233, %dma_wait3A_234] : memref<2x10000x128xf32, #tpu.memory_space<hbm>> -> memref<1x16x128xf32, #tpu.memory_space<hbm>>
        %dma_wait3A_236 = tpu.memref_squeeze %dma_wait3A_235 : memref<1x16x128xf32, #tpu.memory_space<hbm>> -> memref<16x128xf32, #tpu.memory_space<hbm>>
        %dma_wait3A_237 = arith.constant 9984 : i32
        %dma_wait3A_238 = arith.constant 0 : i32
        %dma_wait3A_239 = tpu.memref_slice %arg6[%dma_wait3A_237, %dma_wait3A_238] : memref<10016x128xf32, #tpu.memory_space<vmem_shared>> -> memref<16x128xf32, #tpu.memory_space<vmem_shared>>
        tpu.wait_dma2 semaphore(%run_scoped3A : memref<!tpu.dma_semaphore, #tpu.memory_space<semaphore_mem>>) src(%dma_wait3A_239 : memref<16x128xf32, #tpu.memory_space<vmem_shared>>) dst(%dma_wait3A_236 : memref<16x128xf32, #tpu.memory_space<hbm>>)
        tpu.yield
      }) : () -> ()
    } else {
    }
    return
  }
}

module attributes {stable_mosaic.version = 14 : i64} {
  func.func @_mm2_body(%arg0: i32, %arg1: memref<1000x128xf32, #tpu.memory_space<vmem>>, %arg2: memref<128x128xf32, #tpu.memory_space<vmem>>, %arg3: memref<128x128xf32, #tpu.memory_space<vmem>>, %arg4: memref<1000x128xf32, #tpu.memory_space<vmem>>, %arg5: memref<1000x128xf32, #tpu.memory_space<vmem>>) attributes {dimension_semantics = [#tpu.dimension_semantics<arbitrary>], iteration_bounds = array<i64: 20>, scalar_prefetch = 0 : i64, scratch_operands = 0 : i64, tpu.core_type = #tpu.core_type<tc>, window_params = [{transform_indices = @transform_0, window_bounds = array<i64: 1000, 128>}, {pipeline_mode = #tpu.pipeline_mode<synchronous>, transform_indices = @transform_1, window_bounds = array<i64: 128, 128>}, {pipeline_mode = #tpu.pipeline_mode<synchronous>, transform_indices = @transform_2, window_bounds = array<i64: 128, 128>}, {transform_indices = @transform_3, window_bounds = array<i64: 1000, 128>}, {transform_indices = @transform_4, window_bounds = array<i64: 1000, 128>}]} {
    %get3A = arith.constant 0 : index
    %get3A_0 = arith.constant 0 : index
    %get3A_1 = vector.load %arg1[%get3A, %get3A_0] : memref<1000x128xf32, #tpu.memory_space<vmem>>, vector<1000x128xf32>
    %get3A_2 = arith.constant 0 : index
    %get3A_3 = arith.constant 0 : index
    %get3A_4 = vector.load %arg2[%get3A_2, %get3A_3] : memref<128x128xf32, #tpu.memory_space<vmem>>, vector<128x128xf32>
    %dot_general3A = arith.constant dense<0.000000e+00> : vector<1000x128xf32>
    %dot_general3A_5 = tpu.matmul %get3A_1, %get3A_4, %dot_general3A {dimension_numbers = #tpu.dot_dimension_numbers<[1], [1], [0], [0], [0, 0, 1, 0], [], []>, transpose_lhs_hint = false} : vector<1000x128xf32>, vector<128x128xf32>, vector<1000x128xf32> -> vector<1000x128xf32>
    %swap3A = arith.constant 0 : index
    %swap3A_6 = arith.constant 0 : index
    %swap3A_7 = vector.load %arg4[%swap3A, %swap3A_6] : memref<1000x128xf32, #tpu.memory_space<vmem>>, vector<1000x128xf32>
    tpu.vector_store %arg4[%swap3A, %swap3A_6], %dot_general3A_5 {strides = array<i32>} : memref<1000x128xf32, #tpu.memory_space<vmem>>, vector<1000x128xf32>,
    %get3A_8 = arith.constant 0 : index
    %get3A_9 = arith.constant 0 : index
    %get3A_10 = vector.load %arg3[%get3A_8, %get3A_9] : memref<128x128xf32, #tpu.memory_space<vmem>>, vector<128x128xf32>
    %dot_general3A_11 = arith.constant dense<0.000000e+00> : vector<1000x128xf32>
    %dot_general3A_12 = tpu.matmul %get3A_1, %get3A_10, %dot_general3A_11 {dimension_numbers = #tpu.dot_dimension_numbers<[1], [1], [0], [0], [0, 0, 1, 0], [], []>, transpose_lhs_hint = false} : vector<1000x128xf32>, vector<128x128xf32>, vector<1000x128xf32> -> vector<1000x128xf32>
    %swap3A_13 = arith.constant 0 : index
    %swap3A_14 = arith.constant 0 : index
    %swap3A_15 = vector.load %arg5[%swap3A_13, %swap3A_14] : memref<1000x128xf32, #tpu.memory_space<vmem>>, vector<1000x128xf32>
    tpu.vector_store %arg5[%swap3A_13, %swap3A_14], %dot_general3A_12 {strides = array<i32>} : memref<1000x128xf32, #tpu.memory_space<vmem>>, vector<1000x128xf32>,
    return
  }
  func.func @transform_0(%arg0: i32) -> (i32, i32) {
    %c0_i32 = arith.constant 0 : i32
    %c0_i32_0 = arith.constant 0 : i32
    return %arg0, %c0_i32 : i32, i32
  }
  func.func @transform_1(%arg0: i32) -> (i32, i32) {
    %c0_i32 = arith.constant 0 : i32
    %c0_i32_0 = arith.constant 0 : i32
    %c0_i32_1 = arith.constant 0 : i32
    return %c0_i32, %c0_i32_0 : i32, i32
  }
  func.func @transform_2(%arg0: i32) -> (i32, i32) {
    %c0_i32 = arith.constant 0 : i32
    %c0_i32_0 = arith.constant 0 : i32
    %c0_i32_1 = arith.constant 0 : i32
    return %c0_i32, %c0_i32_0 : i32, i32
  }
  func.func @transform_3(%arg0: i32) -> (i32, i32) {
    %c0_i32 = arith.constant 0 : i32
    %c0_i32_0 = arith.constant 0 : i32
    return %arg0, %c0_i32 : i32, i32
  }
  func.func @transform_4(%arg0: i32) -> (i32, i32) {
    %c0_i32 = arith.constant 0 : i32
    %c0_i32_0 = arith.constant 0 : i32
    return %arg0, %c0_i32 : i32, i32
  }
}

module attributes {stable_mosaic.version = 14 : i64} {
  func.func @_update_body(%arg0: i32, %arg1: memref<1000x128xf32, #tpu.memory_space<vmem>>, %arg2: memref<1000x128xf32, #tpu.memory_space<vmem>>, %arg3: memref<1000x128xf32, #tpu.memory_space<vmem>>, %arg4: memref<128x128xf32, #tpu.memory_space<vmem>>, %arg5: memref<1x128xf32, #tpu.memory_space<vmem>>, %arg6: memref<1x128xf32, #tpu.memory_space<vmem>>, %arg7: memref<1x128xf32, #tpu.memory_space<vmem>>, %arg8: memref<1000x128xf32, #tpu.memory_space<vmem>>) attributes {dimension_semantics = [#tpu.dimension_semantics<arbitrary>], iteration_bounds = array<i64: 20>, scalar_prefetch = 0 : i64, scratch_operands = 0 : i64, tpu.core_type = #tpu.core_type<tc>, window_params = [{transform_indices = @transform_0, window_bounds = array<i64: 1000, 128>}, {transform_indices = @transform_1, window_bounds = array<i64: 1000, 128>}, {transform_indices = @transform_2, window_bounds = array<i64: 1000, 128>}, {pipeline_mode = #tpu.pipeline_mode<synchronous>, transform_indices = @transform_3, window_bounds = array<i64: 128, 128>}, {pipeline_mode = #tpu.pipeline_mode<synchronous>, transform_indices = @transform_4, window_bounds = array<i64: 1, 128>}, {pipeline_mode = #tpu.pipeline_mode<synchronous>, transform_indices = @transform_5, window_bounds = array<i64: 1, 128>}, {pipeline_mode = #tpu.pipeline_mode<synchronous>, transform_indices = @transform_6, window_bounds = array<i64: 1, 128>}, {transform_indices = @transform_7, window_bounds = array<i64: 1000, 128>}]} {
    %get3A = arith.constant 0 : index
    %get3A_0 = arith.constant 0 : index
    %get3A_1 = vector.load %arg2[%get3A, %get3A_0] : memref<1000x128xf32, #tpu.memory_space<vmem>>, vector<1000x128xf32>
    %get3A_2 = arith.constant 0 : index
    %get3A_3 = arith.constant 0 : index
    %get3A_4 = vector.load %arg3[%get3A_2, %get3A_3] : memref<1000x128xf32, #tpu.memory_space<vmem>>, vector<1000x128xf32>
    %get3A_5 = arith.constant 0 : index
    %get3A_6 = arith.constant 0 : index
    %get3A_7 = vector.load %arg4[%get3A_5, %get3A_6] : memref<128x128xf32, #tpu.memory_space<vmem>>, vector<128x128xf32>
    %dot_general3A = arith.constant dense<0.000000e+00> : vector<1000x128xf32>
    %dot_general3A_8 = tpu.matmul %get3A_4, %get3A_7, %dot_general3A {dimension_numbers = #tpu.dot_dimension_numbers<[1], [1], [0], [0], [0, 0, 1, 0], [], []>, transpose_lhs_hint = false} : vector<1000x128xf32>, vector<128x128xf32>, vector<1000x128xf32> -> vector<1000x128xf32>
    %add3A = arith.addf %get3A_1, %dot_general3A_8 : vector<1000x128xf32>
    %get3A_9 = arith.constant 0 : index
    %get3A_10 = arith.constant 0 : index
    %get3A_11 = vector.load %arg5[%get3A_9, %get3A_10] : memref<1x128xf32, #tpu.memory_space<vmem>>, vector<1x128xf32>
    %add3A_12 = vector.broadcast %get3A_11 : vector<1x128xf32> to vector<1000x128xf32>
    %add3A_13 = arith.addf %add3A, %add3A_12 : vector<1000x128xf32>
    %max3A = arith.constant 0.000000e+00 : f32
    %max3A_14 = vector.broadcast %max3A : f32 to vector<1000x128xf32>
    %max3A_15 = arith.maximumf %add3A_13, %max3A_14 : vector<1000x128xf32>
    %get3A_16 = arith.constant 0 : index
    %get3A_17 = arith.constant 0 : index
    %get3A_18 = vector.load %arg1[%get3A_16, %get3A_17] : memref<1000x128xf32, #tpu.memory_space<vmem>>, vector<1000x128xf32>
    %add3A_19 = arith.addf %get3A_18, %max3A_15 : vector<1000x128xf32>
    %reduce_sum3A = arith.constant dense<0.000000e+00> : vector<1000xf32>
    %reduce_sum3A_20 = vector.multi_reduction <add>, %add3A_19, %reduce_sum3A [1] : vector<1000x128xf32> to vector<1000xf32>
    %broadcast_in_dim3A = vector.shape_cast %reduce_sum3A_20 : vector<1000xf32> to vector<1000x1xf32>
    %div3A = arith.constant 1.280000e+02 : f32
    %div3A_21 = vector.broadcast %div3A : f32 to vector<1000x1xf32>
    %div3A_22 = arith.divf %broadcast_in_dim3A, %div3A_21 : vector<1000x1xf32>
    %sub3A = vector.broadcast %div3A_22 : vector<1000x1xf32> to vector<1000x128xf32>
    %sub3A_23 = arith.subf %add3A_19, %sub3A : vector<1000x128xf32>
    %square3A = arith.mulf %sub3A_23, %sub3A_23 : vector<1000x128xf32>
    %reduce_sum3A_24 = arith.constant dense<0.000000e+00> : vector<1000xf32>
    %reduce_sum3A_25 = vector.multi_reduction <add>, %square3A, %reduce_sum3A_24 [1] : vector<1000x128xf32> to vector<1000xf32>
    %broadcast_in_dim3A_26 = vector.shape_cast %reduce_sum3A_25 : vector<1000xf32> to vector<1000x1xf32>
    %div3A_27 = arith.constant 1.280000e+02 : f32
    %div3A_28 = vector.broadcast %div3A_27 : f32 to vector<1000x1xf32>
    %div3A_29 = arith.divf %broadcast_in_dim3A_26, %div3A_28 : vector<1000x1xf32>
    %sub3A_30 = vector.broadcast %div3A_22 : vector<1000x1xf32> to vector<1000x128xf32>
    %sub3A_31 = arith.subf %add3A_19, %sub3A_30 : vector<1000x128xf32>
    %add3A_32 = arith.constant 9.99999974E-6 : f32
    %add3A_33 = vector.broadcast %add3A_32 : f32 to vector<1000x1xf32>
    %add3A_34 = arith.addf %div3A_29, %add3A_33 : vector<1000x1xf32>
    %rsqrt3A = math.rsqrt %add3A_34 : vector<1000x1xf32>
    %mul3A = vector.broadcast %rsqrt3A : vector<1000x1xf32> to vector<1000x128xf32>
    %mul3A_35 = arith.mulf %sub3A_31, %mul3A : vector<1000x128xf32>
    %get3A_36 = arith.constant 0 : index
    %get3A_37 = arith.constant 0 : index
    %get3A_38 = vector.load %arg6[%get3A_36, %get3A_37] : memref<1x128xf32, #tpu.memory_space<vmem>>, vector<1x128xf32>
    %mul3A_39 = vector.broadcast %get3A_38 : vector<1x128xf32> to vector<1000x128xf32>
    %mul3A_40 = arith.mulf %mul3A_35, %mul3A_39 : vector<1000x128xf32>
    %get3A_41 = arith.constant 0 : index
    %get3A_42 = arith.constant 0 : index
    %get3A_43 = vector.load %arg7[%get3A_41, %get3A_42] : memref<1x128xf32, #tpu.memory_space<vmem>>, vector<1x128xf32>
    %add3A_44 = vector.broadcast %get3A_43 : vector<1x128xf32> to vector<1000x128xf32>
    %add3A_45 = arith.addf %mul3A_40, %add3A_44 : vector<1000x128xf32>
    %swap3A = arith.constant 0 : index
    %swap3A_46 = arith.constant 0 : index
    %swap3A_47 = vector.load %arg8[%swap3A, %swap3A_46] : memref<1000x128xf32, #tpu.memory_space<vmem>>, vector<1000x128xf32>
    tpu.vector_store %arg8[%swap3A, %swap3A_46], %add3A_45 {strides = array<i32>} : memref<1000x128xf32, #tpu.memory_space<vmem>>, vector<1000x128xf32>,
    return
  }
  func.func @transform_0(%arg0: i32) -> (i32, i32) {
    %c0_i32 = arith.constant 0 : i32
    %c0_i32_0 = arith.constant 0 : i32
    return %arg0, %c0_i32 : i32, i32
  }
  func.func @transform_1(%arg0: i32) -> (i32, i32) {
    %c0_i32 = arith.constant 0 : i32
    %c0_i32_0 = arith.constant 0 : i32
    return %arg0, %c0_i32 : i32, i32
  }
  func.func @transform_2(%arg0: i32) -> (i32, i32) {
    %c0_i32 = arith.constant 0 : i32
    %c0_i32_0 = arith.constant 0 : i32
    return %arg0, %c0_i32 : i32, i32
  }
  func.func @transform_3(%arg0: i32) -> (i32, i32) {
    %c0_i32 = arith.constant 0 : i32
    %c0_i32_0 = arith.constant 0 : i32
    %c0_i32_1 = arith.constant 0 : i32
    return %c0_i32, %c0_i32_0 : i32, i32
  }
  func.func @transform_4(%arg0: i32) -> (i32, i32) {
    %c0_i32 = arith.constant 0 : i32
    %c0_i32_0 = arith.constant 0 : i32
    %c0_i32_1 = arith.constant 0 : i32
    return %c0_i32, %c0_i32_0 : i32, i32
  }
  func.func @transform_5(%arg0: i32) -> (i32, i32) {
    %c0_i32 = arith.constant 0 : i32
    %c0_i32_0 = arith.constant 0 : i32
    %c0_i32_1 = arith.constant 0 : i32
    return %c0_i32, %c0_i32_0 : i32, i32
  }
  func.func @transform_6(%arg0: i32) -> (i32, i32) {
    %c0_i32 = arith.constant 0 : i32
    %c0_i32_0 = arith.constant 0 : i32
    %c0_i32_1 = arith.constant 0 : i32
    return %c0_i32, %c0_i32_0 : i32, i32
  }
  func.func @transform_7(%arg0: i32) -> (i32, i32) {
    %c0_i32 = arith.constant 0 : i32
    %c0_i32_0 = arith.constant 0 : i32
    return %arg0, %c0_i32 : i32, i32
  }
}

</mosaic_0001>

<sc_bundles>
// kernel: kernel.5.cloned.1.call-start
scs
__scs_entry_jumppad:
0x0: {  	(pc) =	sbr.rel $0x88, $3  }
0x1: {  	(tag) =	ssettag $0x0;
	lr =	simm.s32 $0x1  }
0x2: {  	[smem:$0x3F97] =	sst lr;
	_ =	strace $0xD0000000  }
0x3: {  	_ = 	snop  }
0x4: {  	_ = 	snop  }
0x5: {  	_ = 	snop  }
0x6: {  	_ = 	snop  }
0x7: {  	_ = 	snop  }
__scs_overlays_trampoline_lowered:
0x8: {  	[smem:$0x3FA6] =	sst s0  }
0x9: {  	[smem:$0x3FA7] =	sst s1  }
0xa: {  	[smem:$0x3FA8] =	sst s2  }
0xb: {  	[smem:$0x3FA9] =	sst s3  }
0xc: {  	[smem:$0x3FAA] =	sst s4  }
0xd: {  	[smem:$0x3FAB] =	sst s5  }
0xe: {  	[smem:$0x3FAC] =	sst s6  }
0xf: {  	[smem:$0x3FAD] =	sst s7  }
0x10: {  	[smem:$0x3FAE] =	sst s8  }
0x11: {  	[smem:$0x3FAF] =	sst s9;
	s0 =	simm.s32 @!p0 $0x0  }
0x12: {  	s1 =	sld [smem:$0x3F95];
	s0 =	simm.s32 @p0 $0x1  }
0x13: {  	[smem:$0x3FB0] =	sst s0;
	s0 =	simm.s32 @!p1 $0x0  }
0x14: {  	s2 =	sld [smem:$0x3F94];
	s0 =	simm.s32 @p1 $0x1  }
0x15: {  	[smem:$0x3FB1] =	sst s0;
	s0 =	simm.s32 @!p2 $0x0  }
0x16: {  	s3 =	sld [smem:$0x3FDB];
	s0 =	simm.s32 @p2 $0x1  }
0x17: {  	s4 =	simm.s32 $0x1BF5;
	[smem:$0x3FB3] =	sst s0  }
0x18: {  	s0 =	sld [smem:$0x3F96];
	_ =	swait.ge [sflag:s4], $0x0  }
0x19: {  	s7 =	sld [smem:$0x3F97]  }
0x1a: {  	s8 =	sadd.s32 $0xFFFFE003, lr  }
0x1b: {  	s9 =	sadd.s32 $0xFFFFFEF7, lr;
	s5 =	simm.s32 $0xFFFFFFFF;
	p2 =	slt.u32 s8, $0xFFFFF086  }
0x1c: {  	p1 =	slt.u32 s9, $0xF7A;
	s5 =	simm.s32 @!p2 $0x0  }
0x1d: {  	s5 =	simm.s32 @p1 $0x1;
	p0 =	seq.s32 s7, s2  }
0x1e: {  	s7 =	smul.u32 @!p0 $0xF7A, s2;
	p2 =	seq.s32 @!p0 s5, $0x0  }
0x1f: {  	s9 =	smul.u32 $0xF7A, s1;
	s8 =	simm.s32 @!p0 $0x1BF5;
	p2 =	por !p2, p0  }
0x20: {  	[sflag:s8] =	ssyncset.s32 @!p0 $0xFFFFF086;
	s6 =	sadd.s32 @!p0 s3, s7;
	s7 =	simm.s32 @!p0 $0x108  }
0x21: {  	s3 =	sadd.s32 s3, s9;
	s6 =	sadd.s32 @!p0 $0x88, s6;
	s7 =	simm.s32 @p2 $0x1082  }
0x22: {  	[simem:s7], [sflag:s8] =	dma.local @!p0 [hbm:s6], $0xF7A  }
0x23: {  	s9 =	sor.u32 $0xD0000000, s2;
	s6 =	simm.s32 $0x108;
	_ =	swait.ge @!p0 [sflag:s8], $0x0  }
0x24: {  	s3 =	sadd.s32 $0x88, s3;
	s6 =	simm.s32 @!p1 $0x1082;
	[sflag:s4] =	ssyncset.s32 $0xFFFFF086  }
0x25: {  	[simem:s6], [sflag:s4] =	dma.local [hbm:s3], $0xF7A  }
0x26: {  	[smem:$0x3F97] =	sst s1;
	(tag) =	ssettag s2;
	_ =	strace s9  }
0x27: {  	s1 =	sld [smem:$0x3FA7]  }
0x28: {  	s2 =	sld [smem:$0x3FA8]  }
0x29: {  	s4 =	sld [smem:$0x3FAA]  }
0x2a: {  	p0 =	seq.s32 s5, $0x0;
	s5 =	sld [smem:$0x3FAB]  }
0x2b: {  	s6 =	sld [smem:$0x3FAC]  }
0x2c: {  	s7 =	sld [smem:$0x3FAD]  }
0x2d: {  	s3 =	simm.s32 $0x108;
	s8 =	sld [smem:$0x3FAE]  }
0x2e: {  	s3 =	simm.s32 @!p0 $0x1082;
	s9 =	sld [smem:$0x3FAF]  }
0x2f: {  	lr =	sadd.s32 s0, s3;
	s0 =	sld [smem:$0x3FA6]  }
0x30: {  	s3 =	sld [smem:$0x3FA9]  }
0x31: {  	[smem:$0x3FB2] =	sst s10  }
0x32: {  	s10 =	sld [smem:$0x3FB0];
	_ =	sdelay $0x3  }
0x33: {  	p0 =	seq.s32 s10, $0x1;
	s10 =	sld [smem:$0x3FB2];
	_ =	sdelay $0x3  }
0x34: {  	[smem:$0x3FB2] =	sst s10  }
0x35: {  	s10 =	sld [smem:$0x3FB1];
	_ =	sdelay $0x3  }
0x36: {  	p1 =	seq.s32 s10, $0x1;
	s10 =	sld [smem:$0x3FB2];
	_ =	sdelay $0x3  }
0x37: {  	[smem:$0x3FB2] =	sst s10  }
0x38: {  	s10 =	sld [smem:$0x3FB3]  }
0x39: {  	_ = 	snop;
	(pc) =	sbr.ind lr, $3  }
0x3a: {  	_ = 	snop  }
0x3b: {  	_ = 	snop  }
0x3c: {  	p2 =	seq.s32 s10, $0x1;
	s10 =	sld [smem:$0x3FB2]  }
0x3d: {  	_ =	shalt  }
0x3e: {  	_ =	shalt  }
0x3f: {  	_ =	shalt  }
0x40: {  	_ =	shalt  }
0x41: {  	_ =	shalt  }
0x42: {  	_ =	shalt  }
0x43: {  	_ =	shalt  }
0x44: {  	_ =	shalt  }
0x45: {  	_ =	shalt  }
0x46: {  	_ =	shalt  }
0x47: {  	_ =	shalt  }
0x48: {  	_ =	shalt  }
0x49: {  	_ =	shalt  }
0x4a: {  	_ =	shalt  }
0x4b: {  	_ =	shalt  }
0x4c: {  	_ =	shalt  }
0x4d: {  	_ =	shalt  }
0x4e: {  	_ =	shalt  }
0x4f: {  	_ =	shalt  }
0x50: {  	_ =	shalt  }
0x51: {  	_ =	shalt  }
0x52: {  	_ =	shalt  }
0x53: {  	_ =	shalt  }
0x54: {  	_ =	shalt  }
0x55: {  	_ =	shalt  }
0x56: {  	_ =	shalt  }
0x57: {  	_ =	shalt  }
0x58: {  	_ =	shalt  }
0x59: {  	_ =	shalt  }
0x5a: {  	_ =	shalt  }
0x5b: {  	_ =	shalt  }
0x5c: {  	_ =	shalt  }
0x5d: {  	_ =	shalt  }
0x5e: {  	_ =	shalt  }
0x5f: {  	_ =	shalt  }
0x60: {  	_ =	shalt  }
0x61: {  	_ =	shalt  }
0x62: {  	_ =	shalt  }
0x63: {  	_ =	shalt  }
0x64: {  	_ =	shalt  }
0x65: {  	_ =	shalt  }
0x66: {  	_ =	shalt  }
0x67: {  	_ =	shalt  }
0x68: {  	_ =	shalt  }
0x69: {  	_ =	shalt  }
0x6a: {  	_ =	shalt  }
0x6b: {  	_ =	shalt  }
0x6c: {  	_ =	shalt  }
0x6d: {  	_ =	shalt  }
0x6e: {  	_ =	shalt  }
0x6f: {  	_ =	shalt  }
0x70: {  	_ =	shalt  }
0x71: {  	_ =	shalt  }
0x72: {  	_ =	shalt  }
0x73: {  	_ =	shalt  }
0x74: {  	_ =	shalt  }
0x75: {  	_ =	shalt  }
0x76: {  	_ =	shalt  }
0x77: {  	_ =	shalt  }
0x78: {  	_ =	shalt  }
0x79: {  	_ =	shalt  }
0x7a: {  	_ =	shalt  }
0x7b: {  	_ =	shalt  }
0x7c: {  	_ =	shalt  }
0x7d: {  	_ =	shalt  }
0x7e: {  	_ =	shalt  }
0x7f: {  	_ =	shalt  }
0x80: {  	_ =	shalt  }
0x81: {  	_ =	shalt  }
0x82: {  	_ =	shalt  }
0x83: {  	_ =	shalt  }
0x84: {  	_ =	shalt  }
0x85: {  	_ =	shalt  }
0x86: {  	_ =	shalt  }
0x87: {  	_ =	shalt  }
.Lfunc_end0:
.L_simem_size_0:
called_computation_lowered:
.L_overlay_start_0:
0x88: {  	s2 =	sld [smem:$0x3FD9]  }
0x89: {  	s3 =	sld [smem:$0x3FFE];
	_ =	sdelay $0x1  }
0x8a: {  	s1 =	srdreg.scid  }
0x8b: {  	s0 =	sand.u32 $0x1, s1  }
0x8c: {  	s17 =	sshll.u32 s0, $0xA;
	s2 =	sadd.s32 s3, s2  }
0x8d: {  	s2 =	sadd.s32 s2, s17  }
0x8e: {  	[smem:$0x3FBE] =	sst s2  }
0x8f: {  	_ = 	snop  }
0x90: {  	s2 =	sld [smem:$0x3FD0];
	(tm) =	ssettm $0x1  }
0x91: {  	s18 =	sld [smem:$0x3FFB];
	_ =	sdelay $0x3  }
0x92: {  	_ =	strace s18  }
0x93: {  	s3 =	sld [smem:$0x3FFC];
	_ =	sdelay $0x3  }
0x94: {  	_ =	strace s3  }
0x95: {  	s3 =	sld [smem:$0x3FFD];
	_ =	sdelay $0x3  }
0x96: {  	_ =	strace s3  }
0x97: {  	_ =	strace $0x8FFFFFFF  }
0x98: {  	s19 =	sld [smem:$0x3FDB];
	_ =	sdelay $0x1  }
0x99: {  	s4 =	simm.s32 $_scs_section_size  }
0x9a: {  	s5 =	simm.s32 $_size__tile_overlayer_lowered;
	s6 =	simm.s32 $_tile_overlayer_lowered  }
0x9b: {  	s22 =	simm.s32 $0x1BFF;
	s21 =	sshll.u32 s6, $0x1;
	s3 =	sadd.s32 s4, s19  }
0x9c: {  	s7 =	simm.s32 $0x0;
	s20 =	sshll.u32 s5, $0x1;
	s5 =	sadd.s32 s21, s3  }
0x9d: {  	[timem:s7], [sflag:s22] =	dma.local [hbm:s5], s20  }
0x9e: {  	_ =	swait.ge [sflag:s22], s20  }
0x9f: {  	s4 =	ssub.s32 $0x0, s20;
	[sflag:s22] =	ssyncset.done $0x0  }
0xa0: {  	[sflag:s22] =	ssyncadd.s32 s4;
	_ =	sdelay $0x1  }
0xa1: {  	s23 =	simm.s32 $0x1B8B  }
0xa2: {  	_ =	swait.ge [sflag:s23], $0x1  }
0xa3: {  	[sflag:s23] =	ssyncset.done $0x0  }
0xa4: {  	s25 =	simm.s32 $0x1B8E;
	s24 =	sld [smem:$0x3FFE];
	[sflag:s23] =	ssyncadd.s32 $0xFFFFFFFF  }
0xa5: {  	s26 =	simm.s32 $execute0_lowered;
	[smem:$0x3FD2] =	sst s25  }
0xa6: {  	s5 =	sshll.u32 s26, $0x1;
	_ =	strace $0x80000046;
	[dreg:$0x1] =	wrdreg $0xFFFFFFFF  }
0xa7: {  	s28 =	simm.s32 $_size_execute0_lowered;
	s3 =	sadd.s32 s3, s5;
	[dreg:$0x0] =	wrdreg $0x0  }
0xa8: {  	s5 =	sshll.u32 s28, $0x1;
	[dreg:$0x2] =	wrdreg s3  }
0xa9: {  	[dreg:$0x3] =	wrdreg s5  }
0xaa: {  	[dreg:$0x4] =	wrdreg $0xC0  }
0xab: {  	_ =	task [dreg:s7], $0x5FFFF  }
0xac: {  	[dreg:$0x1] =	wrdreg $0xFFFFFFFF  }
0xad: {  	[dreg:$0x0] =	wrdreg $0x60  }
0xae: {  	[dreg:$0x2] =	wrdreg s2  }
0xaf: {  	[dreg:$0x3] =	wrdreg s24  }
0xb0: {  	[dreg:$0x4] =	wrdreg $0x0  }
0xb1: {  	[dreg:$0x5] =	wrdreg $0x9  }
0xb2: {  	_ =	task.clear_ibuf [dreg:s7], $0x6FFFF;
	_ =	strace $0x90000046  }
0xb3: {  	s29 =	simm.s32 $0x9;
	_ =	strace $0x80000048  }
0xb4: {  	_ =	swait.ge [sflag:s29], $0x1  }
0xb5: {  	[sflag:s29] =	ssyncadd.s32 $0xFFFFFFFF  }
0xb6: {  	_ =	strace $0x90000048  }
0xb7: {  	_ =	sfence  }
0xb8: {  	s30 =	sld [smem:$0x0];
	_ =	sdelay $0x2  }
0xb9: {  	s31 =	sshll.u32 s1, $0xD;
	s1 =	sshrl.u32 s1, $0x2  }
0xba: {  	s3 =	sand.u32 $0x4000, s31;
	s1 =	sadd.s32 s1, s30  }
0xbb: {  	s0 =	sor.u32 s3, s0;
	s1 =	sshll.u32 s1, $0x11  }
0xbc: {  	s0 =	sor.u32 s1, s0  }
0xbd: {  	s0 =	sadd.s32 $0x8F2B, s0  }
0xbe: {  	[sflag:s0] =	ssyncadd.remote.s32 $0x1  }
0xbf: {  	_ =	sfence.sel $0xFFFF  }
0xc0: {  	[dreg:$0x0] =	wrdreg $0xFFFFFFFF;
	(pc) =	sbr.abs _section_cstart, $3  }
0xc1: {  	[dreg:$0x1] =	wrdreg $0xFFFFFFFF  }
0xc2: {  	_ =	task.clear_ibuf [dreg:s7], $0x2FFFF;
	_ =	strace $0x9FFFFFFF  }
0xc3: {  	(tm) =	ssettm $0x7FFFFFFF  }
tec
execute0_lowered:
.L_overlay_start_1:
0x0: {  	(tag) =	ssettag $0x1  }
0x1: {  	s1 =	rddreg [dreg:$0x0]  }
0x2: {  	s0 =	rddreg [dreg:$0x1]  }
0x3: {  	s2 =	rddreg [dreg:$0x2];
	s3 =	simm.s32 $0x0;
	s6 =	srdreg.scid  }
0x4: {  	[smem:$0x7FF] =	sst s3;
	s3 =	stileid.u32  }
0x5: {  	s28 =	simm.s32 $0x13F00;
	s29 =	simm.s32 $0xA;
	s7 =	smul.u32 $0x4E400, s3  }
0x6: {  	s31 =	simm.s32 $0x13B00;
	s6 =	sand.u32 $0x1, s6;
	s19 =	smul.u32 $0x13B, s3  }
0x7: {  	s30 =	simm.s32 $0x3;
	s4 =	sadd.s32 $0x2400, s0;
	s11 =	smul.u32 $0x2710, s6  }
0x8: {  	s5 =	sadd.s32 $0x51000, s0;
	s0 =	sadd.s32 $0x59000, s0;
	s23 =	smul.u32 $0x4EC0, s3  }
0x9: {  	_ =	strace $0x80000047;
	s8 =	ssub.s32 $0x2, s6;
	s25 =	smul.u32 $0x27600, s3  }
0xa: {  	s26 =	sshll.u32 s6, $0xA;
	s6 =	smul.u32 $0x138800, s6;
	s15 =	sshll.u32 s3, $0x6  }
0xb: {  	s13 =	smul.u32 $0x13800, s3;
	p0 =	sne.s32 s3, $0x0;
	s9 =	sshrl.u32 s8, $0x1  }
0xc: {  	[dreg:$0xb] =	wrdreg s15;
	s26 =	sor.u32 s15, s26;
	s15 =	smul.u32 $0x4E000, s3  }
0xd: {  	s7 =	sshrl.u32 s7, $0x2;
	s8 =	ssub.s32 s8, s9;
	s9 =	sadd.s32 s4, s23  }
0xe: {  	s13 =	sadd.s32 s13, s6;
	s14 =	sadd.s32 s7, s2;
	[dreg:$0xc] =	wrdreg s9  }
0xf: {  	s16 =	sadd.s32 $0x2, s19;
	s20 =	sadd.s32 $0x2000, s14;
	[dreg:$0x4] =	wrdreg s14  }
0x10: {  	s6 =	sshrl.u32 s6, $0x3;
	s21 =	sadd.s32 $0x4000, s14;
	[dreg:$0x5] =	wrdreg s20  }
0x11: {  	s18 =	sadd.s32 $0x3, s19;
	s22 =	sadd.s32 $0x6000, s14;
	[dreg:$0x6] =	wrdreg s21  }
0x12: {  	s19 =	sadd.s32 $0x4, s19;
	s10 =	sadd.s32 $0x8000, s14;
	[dreg:$0x7] =	wrdreg s22  }
0x13: {  	s17 =	sshrl.u32 s15, $0x2;
	s24 =	sadd.s32 $0xA000, s14;
	[dreg:$0x8] =	wrdreg s10  }
0x14: {  	s7 =	simm.s32 $0x40;
	s12 =	sadd.s32 $0xC000, s14;
	[dreg:$0x9] =	wrdreg s24  }
0x15: {  	s15 =	simm.s32 $0x13980;
	s23 =	sadd.s32 $0xE000, s14;
	[dreg:$0xa] =	wrdreg s12  }
0x16: {  	s10 =	sshrl.u32 s25, $0x3;
	s20 =	sadd.s32 s17, s2;
	s21 =	smax.u32 s8, $0x1  }
0x17: {  	[dreg:$0x13] =	wrdreg s23;
	s24 =	sadd.s32 $0x10000, s14;
	s25 =	sadd.s32 $0x12000, s14  }
0x18: {  	s8 =	simm.s32 $0x13D00;
	s14 =	simm.s32 $0x4;
	[dreg:$0x10] =	wrdreg s21  }
0x19: {  	s17 =	simm.s32 $0x17F00;
	s23 =	simm.s32 $0x13B80;
	[dreg:$0x14] =	wrdreg s24  }
0x1a: {  	s12 =	sadd.s32 s4, s10;
	s22 =	sshrl.u32 s20, $0x3;
	[dreg:$0x15] =	wrdreg s25  }
0x1b: {  	s10 =	simm.s32 $0x15F00;
	s20 =	simm.s32 $0x13E00;
	s9 =	sadd.s32 $0x40, s12  }
0x1c: {  	s21 =	simm.s32 $0x1DF00;
	[dreg:$0xd] =	wrdreg s9;
	s9 =	sshrl.u32 s13, $0x3  }
0x1d: {  	s24 =	simm.s32 $0x6;
	s9 =	sadd.s32 s0, s9;
	s0 =	sadd.s32 s0, s6  }
0x1e: {  	s25 =	simm.s32 $0x13D80;
	[dreg:$0x11] =	wrdreg s22;
	s0 =	sadd.s32 $0x27000, s0  }
0x1f: {  	s12 =	simm.s32 $0x1BF00;
	[dreg:$0xf] =	wrdreg s0;
	s0 =	sadd.s32 $0x138000, s2  }
0x20: {  	s22 =	simm.s32 $0x5;
	[dreg:$0xe] =	wrdreg s9;
	s0 =	sshrl.u32 @!p0 s0, $0x3  }
0x21: {  	v2 =	vimm.f32 $0.0e+00;
	v0 =	vmov s11;
	v1 =	vmov s26;
	s6 =	simm.s32 $0x0;
	s9 =	simm.s32 $0x2;
	[dreg:$0x12] =	wrdreg s0  }
.LBB2_1:
0x22: {  	s0 =	simm.s32 $0x0;
	s3 =	simm.s32 $0x200  }
.LBB2_2:
0x23: {  	p1 =	sne.s32 s3, $0x7E00;
	[tilespmem:s0+$0x13F70] =	vst v2  }
0x24: {  	[tilespmem:s0+$0x13F00] =	vst v2  }
0x25: {  	[tilespmem:s0+$0x13F10] =	vst v2  }
.Ltmp0:
0x26: {  	[tilespmem:s0+$0x13F20] =	vst v2;
	(pc) =	sbr.rel @p1 .LBB2_2-.Ltmp0, $4  }
0x27: {  	[tilespmem:s0+$0x13F30] =	vst v2  }
0x28: {  	[tilespmem:s0+$0x13F40] =	vst v2  }
0x29: {  	[tilespmem:s0+$0x13F50] =	vst v2  }
0x2a: {  	[tilespmem:s0+$0x13F60] =	vst v2;
	s0 =	sshra.s32 s3, $0x2;
	s3 =	sadd.s32 $0x200, s3  }
0x2b: {  	[tilespmem:s0+$0x13F70] =	vst v2  }
0x2c: {  	[tilespmem:s0+$0x13F00] =	vst v2  }
0x2d: {  	[tilespmem:s0+$0x13F10] =	vst v2  }
0x2e: {  	[tilespmem:s0+$0x13F20] =	vst v2  }
0x2f: {  	[tilespmem:s0+$0x13F30] =	vst v2  }
0x30: {  	[tilespmem:s0+$0x13F40] =	vst v2  }
0x31: {  	[dreg:$0x16] =	wrdreg s6;
	[tilespmem:s0+$0x13F50] =	vst v2  }
0x32: {  	[tilespmem:s0+$0x13F60] =	vst v2;
	s11 =	rddreg [dreg:$0x4]  }
0x33: {  	[spmem:s11] =	stream.linear.scatter [tilespmem:s28], [sflag:$0xA], $0x2000, $0x38;
	[tilespmem:$0x1FF00] =	vst v63  }
0x34: {  	_ =	swait.ge [sflag:s29], $0x2000  }
0x35: {  	[sflag:s29] =	ssyncset.done $0x0  }
0x36: {  	s13 =	rddreg [dreg:$0x5];
	[sflag:s29] =	ssyncadd.s32 $0xFFFFE000  }
0x37: {  	[spmem:s13] =	stream.linear.scatter [tilespmem:s28], [sflag:$0xA], $0x2000, $0x38;
	[tilespmem:$0x1FF00] =	vst v63  }
0x38: {  	_ =	swait.ge [sflag:s29], $0x2000  }
0x39: {  	[sflag:s29] =	ssyncset.done $0x0  }
0x3a: {  	s26 =	rddreg [dreg:$0x6];
	[sflag:s29] =	ssyncadd.s32 $0xFFFFE000  }
0x3b: {  	[spmem:s26] =	stream.linear.scatter [tilespmem:s28], [sflag:$0xA], $0x2000, $0x38;
	[tilespmem:$0x1FF00] =	vst v63  }
0x3c: {  	_ =	swait.ge [sflag:s29], $0x2000  }
0x3d: {  	[sflag:s29] =	ssyncset.done $0x0  }
0x3e: {  	s3 =	rddreg [dreg:$0x7];
	[sflag:s29] =	ssyncadd.s32 $0xFFFFE000  }
0x3f: {  	[spmem:s3] =	stream.linear.scatter [tilespmem:s28], [sflag:$0xA], $0x2000, $0x38;
	[tilespmem:$0x1FF00] =	vst v63  }
0x40: {  	_ =	swait.ge [sflag:s29], $0x2000  }
0x41: {  	[sflag:s29] =	ssyncset.done $0x0  }
0x42: {  	s6 =	rddreg [dreg:$0x8];
	[sflag:s29] =	ssyncadd.s32 $0xFFFFE000  }
0x43: {  	[spmem:s6] =	stream.linear.scatter [tilespmem:s28], [sflag:$0xA], $0x2000, $0x38;
	[tilespmem:$0x1FF00] =	vst v63  }
0x44: {  	_ =	swait.ge [sflag:s29], $0x2000  }
0x45: {  	[sflag:s29] =	ssyncset.done $0x0  }
0x46: {  	s11 =	rddreg [dreg:$0x9];
	[sflag:s29] =	ssyncadd.s32 $0xFFFFE000  }
0x47: {  	[spmem:s11] =	stream.linear.scatter [tilespmem:s28], [sflag:$0xA], $0x2000, $0x38;
	[tilespmem:$0x1FF00] =	vst v63  }
0x48: {  	_ =	swait.ge [sflag:s29], $0x2000  }
0x49: {  	[sflag:s29] =	ssyncset.done $0x0  }
0x4a: {  	s13 =	rddreg [dreg:$0xa];
	[sflag:s29] =	ssyncadd.s32 $0xFFFFE000  }
0x4b: {  	[spmem:s13] =	stream.linear.scatter [tilespmem:s28], [sflag:$0xA], $0x2000, $0x38;
	[tilespmem:$0x1FF00] =	vst v63  }
0x4c: {  	_ =	swait.ge [sflag:s29], $0x2000  }
0x4d: {  	[sflag:s29] =	ssyncset.done $0x0  }
0x4e: {  	s26 =	rddreg [dreg:$0x13];
	[sflag:s29] =	ssyncadd.s32 $0xFFFFE000  }
0x4f: {  	[spmem:s26] =	stream.linear.scatter [tilespmem:s28], [sflag:$0xA], $0x2000, $0x38;
	[tilespmem:$0x1FF00] =	vst v63  }
0x50: {  	_ =	swait.ge [sflag:s29], $0x2000  }
0x51: {  	[sflag:s29] =	ssyncset.done $0x0  }
0x52: {  	s3 =	rddreg [dreg:$0x14];
	[sflag:s29] =	ssyncadd.s32 $0xFFFFE000  }
0x53: {  	[spmem:s3] =	stream.linear.scatter [tilespmem:s28], [sflag:$0xA], $0x2000, $0x38;
	[tilespmem:$0x1FF00] =	vst v63  }
0x54: {  	_ =	swait.ge [sflag:s29], $0x2000  }
0x55: {  	[sflag:s29] =	ssyncset.done $0x0  }
0x56: {  	s6 =	rddreg [dreg:$0x15];
	[sflag:s29] =	ssyncadd.s32 $0xFFFFE000  }
0x57: {  	[spmem:s6] =	stream.linear.scatter [tilespmem:s28], [sflag:$0xA], $0x1900, $0x38;
	[tilespmem:$0x1FF00] =	vst v63  }
0x58: {  	_ =	swait.ge [sflag:s29], $0x1900  }
0x59: {  	[sflag:s29] =	ssyncset.done $0x0  }
0x5a: {  	[sflag:s29] =	ssyncadd.s32 $0xFFFFE700  }
0x5b: {  	[bflag:$0x0] =	sbarrier.arrive $0xFFFF  }
0x5c: {  	s26 =	simm.s32 $0x0;
	s3 =	simm.s32 $0x13900;
	s11 =	rddreg [dreg:$0xc]  }
0x5d: {  	[tilespmem:s3], [sflag:$0x1] =	stream.linear.gather [hbm4b:s11+s26], $0x180, $0x38;
	[tilespmem:$0x1FF00] =	vst v63  }
0x5e: {  	s6 =	simm.s32 $0x1;
	s13 =	rddreg [dreg:$0xd]  }
0x5f: {  	[tilespmem:s31], [sflag:$0x2] =	stream.linear.gather [hbm4b:s13+s26], $0x180, $0x38;
	[tilespmem:$0x1FF00] =	vst v63  }
0x60: {  	_ =	swait.ge [sflag:s6], $0x180  }
0x61: {  	[sflag:s6] =	ssyncset.done $0x0  }
0x62: {  	[sflag:s6] =	ssyncadd.s32 $0xFFFFFE80  }
0x63: {  	v3 =	vld [tilespmem:$0x13900]  }
0x64: {  	v4 =	vld [tilespmem:$0x13A00]  }
0x65: {  	v5 =	vld [tilespmem:$0x13910]  }
0x66: {  	v6 =	vld [tilespmem:$0x13A10]  }
0x67: {  	v7 =	vld [tilespmem:$0x13920]  }
0x68: {  	v8 =	vld [tilespmem:$0x13A20];
	v3 =	vadd.s32 v0, v3  }
0x69: {  	v62 =	vld [tilespmem:$0x13930];
	[tilespmem:$0x13900] =	vst v3;
	v3 =	vadd.s32 v1, v4  }
0x6a: {  	v63 =	vld [tilespmem:$0x13A30];
	[tilespmem:$0x13A00] =	vst v3;
	v3 =	vadd.s32 v0, v5  }
0x6b: {  	[tilespmem:$0x13910] =	vst v3;
	v3 =	vadd.s32 v1, v6  }
0x6c: {  	[tilespmem:$0x13A10] =	vst v3;
	v3 =	vadd.s32 v0, v7  }
0x6d: {  	[tilespmem:$0x13920] =	vst v3;
	v3 =	vadd.s32 v1, v8  }
0x6e: {  	[tilespmem:$0x13A20] =	vst v3;
	v3 =	vadd.s32 v0, v62  }
0x6f: {  	[tilespmem:$0x13930] =	vst v3;
	v3 =	vadd.s32 v1, v63  }
0x70: {  	[tilespmem:$0x13A30] =	vst v3  }
0x71: {  	[tilespmem:s28], [sflag:$0x4] =	stream.indirect.gather [hbm4b:s1+s7], $0x80, s3, s7, $0xb8;
	[tilespmem:$0x1FF00] =	vst v63  }
0x72: {  	s11 =	simm.s32 $0x13A00;
	s13 =	simm.s32 $0x19F00  }
0x73: {  	[tilespmem:s13], [sflag:$0x4] =	stream.indirect.gather [hbm4b:s5+s7], $0x80, s11, s7, $0xb8;
	[tilespmem:$0x1FF00] =	vst v63  }
.LBB2_4:
0x74: {  	s13 =	smul.u32 $0x3, s26;
	p1 =	seq.s32 s26, $0x0  }
0x75: {  	s0 =	simm.s32 @!p1 $0x9  }
0x76: {  	_ =	swait.ge @!p1 [sflag:s0], $0x2000;
	s3 =	sadd.s32 s13, s16  }
0x77: {  	[sflag:s0] =	ssyncset.done @!p1 $0x0;
	s3 =	sshll.u32 s3, $0x6  }
0x78: {  	s6 =	simm.s32 $0x0;
	[sflag:s0] =	ssyncadd.s32 @!p1 $0xFFFFE000;
	s3 =	sadd.s32 s4, s3  }
0x79: {  	[tilespmem:s8], [sflag:$0x3] =	stream.linear.gather [hbm4b:s3+s6], $0x180, $0x38;
	[tilespmem:$0x1FF00] =	vst v63  }
0x7a: {  	_ =	swait.ge [sflag:s9], $0x180  }
0x7b: {  	[sflag:s9] =	ssyncset.done $0x0  }
0x7c: {  	[sflag:s9] =	ssyncadd.s32 $0xFFFFFE80  }
0x7d: {  	v3 =	vld [tilespmem:$0x13B00]  }
0x7e: {  	v4 =	vld [tilespmem:$0x13C00]  }
0x7f: {  	v5 =	vld [tilespmem:$0x13B10]  }
0x80: {  	v6 =	vld [tilespmem:$0x13C10]  }
0x81: {  	v7 =	vld [tilespmem:$0x13B20]  }
0x82: {  	v8 =	vld [tilespmem:$0x13C20];
	v3 =	vadd.s32 v0, v3  }
0x83: {  	[tilespmem:$0x13B00] =	vst v3;
	v3 =	vadd.s32 v1, v4;
	v4 =	vld [tilespmem:$0x13B30]  }
0x84: {  	[tilespmem:$0x13C00] =	vst v3;
	v3 =	vadd.s32 v0, v5;
	v5 =	vld [tilespmem:$0x13C30]  }
0x85: {  	[tilespmem:$0x13B10] =	vst v3;
	v3 =	vadd.s32 v1, v6  }
0x86: {  	[tilespmem:$0x13C10] =	vst v3;
	v3 =	vadd.s32 v0, v7  }
0x87: {  	[tilespmem:$0x13B20] =	vst v3;
	v3 =	vadd.s32 v1, v8  }
0x88: {  	[tilespmem:$0x13C20] =	vst v3;
	v3 =	vadd.s32 v0, v4  }
0x89: {  	[tilespmem:$0x13B30] =	vst v3;
	v3 =	vadd.s32 v1, v5  }
0x8a: {  	[tilespmem:$0x13C30] =	vst v3  }
0x8b: {  	[tilespmem:s10], [sflag:$0x5] =	stream.indirect.gather [hbm4b:s1+s7], $0x80, s31, s7, $0xb8;
	[tilespmem:$0x1FF00] =	vst v63  }
0x8c: {  	s11 =	simm.s32 $0x13C00  }
0x8d: {  	[tilespmem:s12], [sflag:$0x5] =	stream.indirect.gather [hbm4b:s5+s7], $0x80, s11, s7, $0xb8;
	[tilespmem:$0x1FF00] =	vst v63  }
0x8e: {  	_ =	swait.ge [sflag:s14], $0x2000  }
0x8f: {  	[sflag:s14] =	ssyncset.done $0x0  }
0x90: {  	[sflag:s14] =	ssyncadd.s32 $0xFFFFE000  }
0x91: {  	_ =	swait.ge [sflag:s14], $0x2000  }
0x92: {  	[sflag:s14] =	ssyncset.done $0x0  }
0x93: {  	s6 =	simm.s32 $0x13F80;
	[sflag:s14] =	ssyncadd.s32 $0xFFFFE000  }
0x94: {  	s0 =	simm.s32 $0x19F80;
	v3 =	vld [tilespmem:s6+$0xFFFFFF80]  }
0x95: {  	v4 =	vld [tilespmem:s0+$0xFFFFFF80];
	_ =	sdelay $0x4  }
0x96: {  	v3 =	vmul.f32 v4, v3;
	_ =	sdelay $0x1  }
0x97: {  	[tilespmem:s6+$0xFFFFFF80] =	vst v3;
	v3 =	vld [tilespmem:s6+$0xFFFFFF90]  }
0x98: {  	v4 =	vld [tilespmem:s0+$0xFFFFFF90];
	_ =	sdelay $0x4  }
0x99: {  	v3 =	vmul.f32 v4, v3;
	_ =	sdelay $0x1  }
0x9a: {  	[tilespmem:s6+$0xFFFFFF90] =	vst v3;
	v3 =	vld [tilespmem:s6+$0xFFFFFFA0]  }
0x9b: {  	v4 =	vld [tilespmem:s0+$0xFFFFFFA0];
	_ =	sdelay $0x4  }
0x9c: {  	v3 =	vmul.f32 v4, v3;
	_ =	sdelay $0x1  }
0x9d: {  	[tilespmem:s6+$0xFFFFFFA0] =	vst v3;
	v3 =	vld [tilespmem:s6+$0xFFFFFFB0]  }
0x9e: {  	v4 =	vld [tilespmem:s0+$0xFFFFFFB0];
	_ =	sdelay $0x4  }
0x9f: {  	v3 =	vmul.f32 v4, v3;
	_ =	sdelay $0x1  }
0xa0: {  	[tilespmem:s6+$0xFFFFFFB0] =	vst v3;
	v3 =	vld [tilespmem:s6+$0xFFFFFFC0]  }
0xa1: {  	v4 =	vld [tilespmem:s0+$0xFFFFFFC0];
	_ =	sdelay $0x4  }
0xa2: {  	v3 =	vmul.f32 v4, v3;
	_ =	sdelay $0x1  }
0xa3: {  	[tilespmem:s6+$0xFFFFFFC0] =	vst v3;
	v3 =	vld [tilespmem:s6+$0xFFFFFFD0]  }
0xa4: {  	v4 =	vld [tilespmem:s0+$0xFFFFFFD0];
	_ =	sdelay $0x4  }
0xa5: {  	v3 =	vmul.f32 v4, v3;
	_ =	sdelay $0x1  }
0xa6: {  	[tilespmem:s6+$0xFFFFFFD0] =	vst v3;
	v3 =	vld [tilespmem:s6+$0xFFFFFFE0]  }
0xa7: {  	v4 =	vld [tilespmem:s0+$0xFFFFFFE0];
	_ =	sdelay $0x4  }
0xa8: {  	v3 =	vmul.f32 v4, v3;
	_ =	sdelay $0x1  }
0xa9: {  	[tilespmem:s6+$0xFFFFFFE0] =	vst v3;
	v3 =	vld [tilespmem:s6+$0xFFFFFFF0]  }
0xaa: {  	v4 =	vld [tilespmem:s0+$0xFFFFFFF0];
	_ =	sdelay $0x4  }
0xab: {  	v3 =	vmul.f32 v4, v3;
	_ =	sdelay $0x1  }
0xac: {  	[tilespmem:s6+$0xFFFFFFF0] =	vst v3;
	v3 =	vld [tilespmem:s6+$0x0]  }
0xad: {  	v4 =	vld [tilespmem:s0+$0x0];
	_ =	sdelay $0x4  }
0xae: {  	v3 =	vmul.f32 v4, v3;
	_ =	sdelay $0x1  }
0xaf: {  	[tilespmem:s6+$0x0] =	vst v3;
	v3 =	vld [tilespmem:s6+$0x10]  }
0xb0: {  	v4 =	vld [tilespmem:s0+$0x10];
	_ =	sdelay $0x4  }
0xb1: {  	v3 =	vmul.f32 v4, v3;
	_ =	sdelay $0x1  }
0xb2: {  	[tilespmem:s6+$0x10] =	vst v3;
	v3 =	vld [tilespmem:s6+$0x20]  }
0xb3: {  	v4 =	vld [tilespmem:s0+$0x20];
	_ =	sdelay $0x4  }
0xb4: {  	v3 =	vmul.f32 v4, v3;
	_ =	sdelay $0x1  }
0xb5: {  	[tilespmem:s6+$0x20] =	vst v3;
	v3 =	vld [tilespmem:s6+$0x30]  }
0xb6: {  	v4 =	vld [tilespmem:s0+$0x30];
	_ =	sdelay $0x4  }
0xb7: {  	v3 =	vmul.f32 v4, v3;
	_ =	sdelay $0x1  }
0xb8: {  	[tilespmem:s6+$0x30] =	vst v3;
	v3 =	vld [tilespmem:s6+$0x40]  }
0xb9: {  	v4 =	vld [tilespmem:s0+$0x40];
	_ =	sdelay $0x4  }
0xba: {  	v3 =	vmul.f32 v4, v3;
	_ =	sdelay $0x1  }
0xbb: {  	[tilespmem:s6+$0x40] =	vst v3;
	v3 =	vld [tilespmem:s6+$0x50]  }
0xbc: {  	v4 =	vld [tilespmem:s0+$0x50];
	_ =	sdelay $0x4  }
0xbd: {  	v3 =	vmul.f32 v4, v3;
	_ =	sdelay $0x1  }
0xbe: {  	[tilespmem:s6+$0x50] =	vst v3;
	v3 =	vld [tilespmem:s6+$0x60]  }
0xbf: {  	v4 =	vld [tilespmem:s0+$0x60];
	_ =	sdelay $0x4  }
0xc0: {  	v3 =	vmul.f32 v4, v3;
	_ =	sdelay $0x1  }
0xc1: {  	[tilespmem:s6+$0x60] =	vst v3;
	v3 =	vld [tilespmem:s6+$0x70]  }
0xc2: {  	v4 =	vld [tilespmem:s0+$0x70];
	_ =	sdelay $0x4  }
0xc3: {  	v3 =	vmul.f32 v4, v3  }
0xc4: {  	s3 =	simm.s32 $0x0;
	s11 =	simm.s32 $0x14080  }
.LBB2_5:
0xc5: {  	v4 =	vld [tilespmem:s11+$0xFFFFFF80];
	[tilespmem:s6+$0x70] =	vst v3;
	s0 =	sadd.s32 $0x100, s0;
	s6 =	smov.u32 s11  }
0xc6: {  	s3 =	sadd.s32 $0x2, s3;
	v3 =	vld [tilespmem:s0+$0xFFFFFF80]  }
0xc7: {  	p1 =	slt.u32 s3, $0x3E;
	_ =	sdelay $0x3  }
0xc8: {  	v3 =	vmul.f32 v3, v4;
	_ =	sdelay $0x1  }
0xc9: {  	[tilespmem:s11+$0xFFFFFF80] =	vst v3;
	v3 =	vld [tilespmem:s11+$0xFFFFFF90]  }
0xca: {  	v4 =	vld [tilespmem:s0+$0xFFFFFF90];
	_ =	sdelay $0x4  }
0xcb: {  	v3 =	vmul.f32 v4, v3;
	_ =	sdelay $0x1  }
0xcc: {  	[tilespmem:s11+$0xFFFFFF90] =	vst v3;
	v3 =	vld [tilespmem:s11+$0xFFFFFFA0]  }
0xcd: {  	v4 =	vld [tilespmem:s0+$0xFFFFFFA0];
	_ =	sdelay $0x4  }
0xce: {  	v3 =	vmul.f32 v4, v3;
	_ =	sdelay $0x1  }
0xcf: {  	[tilespmem:s11+$0xFFFFFFA0] =	vst v3;
	v3 =	vld [tilespmem:s11+$0xFFFFFFB0]  }
0xd0: {  	v4 =	vld [tilespmem:s0+$0xFFFFFFB0];
	_ =	sdelay $0x4  }
0xd1: {  	v3 =	vmul.f32 v4, v3;
	_ =	sdelay $0x1  }
0xd2: {  	[tilespmem:s11+$0xFFFFFFB0] =	vst v3;
	v3 =	vld [tilespmem:s11+$0xFFFFFFC0]  }
0xd3: {  	v4 =	vld [tilespmem:s0+$0xFFFFFFC0];
	_ =	sdelay $0x4  }
0xd4: {  	v3 =	vmul.f32 v4, v3;
	_ =	sdelay $0x1  }
0xd5: {  	[tilespmem:s11+$0xFFFFFFC0] =	vst v3;
	v3 =	vld [tilespmem:s11+$0xFFFFFFD0]  }
0xd6: {  	v4 =	vld [tilespmem:s0+$0xFFFFFFD0];
	_ =	sdelay $0x4  }
0xd7: {  	v3 =	vmul.f32 v4, v3;
	_ =	sdelay $0x1  }
0xd8: {  	[tilespmem:s11+$0xFFFFFFD0] =	vst v3;
	v3 =	vld [tilespmem:s11+$0xFFFFFFE0]  }
0xd9: {  	v4 =	vld [tilespmem:s0+$0xFFFFFFE0];
	_ =	sdelay $0x4  }
0xda: {  	v3 =	vmul.f32 v4, v3;
	_ =	sdelay $0x1  }
0xdb: {  	[tilespmem:s11+$0xFFFFFFE0] =	vst v3;
	v3 =	vld [tilespmem:s11+$0xFFFFFFF0]  }
0xdc: {  	v4 =	vld [tilespmem:s0+$0xFFFFFFF0];
	_ =	sdelay $0x4  }
0xdd: {  	v3 =	vmul.f32 v4, v3;
	_ =	sdelay $0x1  }
0xde: {  	[tilespmem:s11+$0xFFFFFFF0] =	vst v3;
	v3 =	vld [tilespmem:s11+$0x0]  }
0xdf: {  	v4 =	vld [tilespmem:s0+$0x0];
	_ =	sdelay $0x4  }
0xe0: {  	v3 =	vmul.f32 v4, v3;
	_ =	sdelay $0x1  }
0xe1: {  	[tilespmem:s11+$0x0] =	vst v3;
	v3 =	vld [tilespmem:s11+$0x10]  }
0xe2: {  	v4 =	vld [tilespmem:s0+$0x10];
	_ =	sdelay $0x4  }
0xe3: {  	v3 =	vmul.f32 v4, v3;
	_ =	sdelay $0x1  }
0xe4: {  	[tilespmem:s11+$0x10] =	vst v3;
	v3 =	vld [tilespmem:s11+$0x20]  }
0xe5: {  	v4 =	vld [tilespmem:s0+$0x20];
	_ =	sdelay $0x4  }
0xe6: {  	v3 =	vmul.f32 v4, v3;
	_ =	sdelay $0x1  }
0xe7: {  	[tilespmem:s11+$0x20] =	vst v3;
	v3 =	vld [tilespmem:s11+$0x30]  }
0xe8: {  	v4 =	vld [tilespmem:s0+$0x30];
	_ =	sdelay $0x4  }
0xe9: {  	v3 =	vmul.f32 v4, v3;
	_ =	sdelay $0x1  }
0xea: {  	[tilespmem:s11+$0x30] =	vst v3;
	v3 =	vld [tilespmem:s11+$0x40]  }
0xeb: {  	v4 =	vld [tilespmem:s0+$0x40];
	_ =	sdelay $0x4  }
0xec: {  	v3 =	vmul.f32 v4, v3;
	_ =	sdelay $0x1  }
0xed: {  	[tilespmem:s11+$0x40] =	vst v3;
	v3 =	vld [tilespmem:s11+$0x50]  }
0xee: {  	v4 =	vld [tilespmem:s0+$0x50];
	_ =	sdelay $0x4  }
0xef: {  	v3 =	vmul.f32 v4, v3;
	_ =	sdelay $0x1  }
0xf0: {  	[tilespmem:s11+$0x50] =	vst v3;
	v3 =	vld [tilespmem:s11+$0x60]  }
0xf1: {  	v4 =	vld [tilespmem:s0+$0x60];
	_ =	sdelay $0x4  }
0xf2: {  	v3 =	vmul.f32 v4, v3;
	_ =	sdelay $0x1  }
0xf3: {  	[tilespmem:s11+$0x60] =	vst v3;
	v3 =	vld [tilespmem:s11+$0x70]  }
0xf4: {  	v4 =	vld [tilespmem:s0+$0x70];
	_ =	sdelay $0x1  }
.Ltmp1:
0xf5: {  	(pc) =	sbr.rel @p1 .LBB2_5-.Ltmp1, $3  }
0xf6: {  	_ =	sdelay $0x1  }
0xf7: {  	v3 =	vmul.f32 v4, v3  }
0xf8: {  	s11 =	sadd.s32 $0x100, s11  }
0xf9: {  	[tilespmem:s6+$0x70] =	vst v3;
	p1 =	seq.s32 s26, $0x68  }
0xfa: {  	[spmem:s2] =	stream.indirect.scatter.add.f32 [tilespmem:s28], [sflag:$0x7], $0x80, s15, s7, $0xb8;
	[tilespmem:$0x1FF00] =	vst v63  }
0xfb: {  	s0 =	simm.s32 @!p1 $0x7  }
0xfc: {  	_ =	swait.ge @!p1 [sflag:s0], $0x2000  }
0xfd: {  	s3 =	sadd.s32 @!p1 s13, s18;
	[sflag:s0] =	ssyncset.done @!p1 $0x0  }
0xfe: {  	[sflag:s0] =	ssyncadd.s32 @!p1 $0xFFFFE000;
	s0 =	sshll.u32 @!p1 s3, $0x6  }
0xff: {  	s6 =	simm.s32 @!p1 $0x13900;
	s3 =	simm.s32 @!p1 $0x0;
	s0 =	sadd.s32 @!p1 s4, s0  }
0x100: {  	[tilespmem:s6], [sflag:$0x1] =	stream.linear.gather @!p1 [hbm4b:s0+s3], $0x180, $0x38;
	[tilespmem:$0x1FF00] =	vst v63  }
0x101: {  	_ =	swait.ge [sflag:s30], $0x180  }
0x102: {  	[sflag:s30] =	ssyncset.done $0x0  }
0x103: {  	[sflag:s30] =	ssyncadd.s32 $0xFFFFFE80  }
0x104: {  	v3 =	vld [tilespmem:$0x13D00]  }
0x105: {  	v4 =	vld [tilespmem:$0x13E00]  }
0x106: {  	v5 =	vld [tilespmem:$0x13D10]  }
0x107: {  	v6 =	vld [tilespmem:$0x13E10]  }
0x108: {  	v7 =	vld [tilespmem:$0x13D20]  }
0x109: {  	v8 =	vld [tilespmem:$0x13E20];
	v3 =	vadd.s32 v0, v3  }
0x10a: {  	[tilespmem:$0x13D00] =	vst v3;
	v3 =	vadd.s32 v1, v4;
	v4 =	vld [tilespmem:$0x13D30]  }
0x10b: {  	[tilespmem:$0x13E00] =	vst v3;
	v3 =	vadd.s32 v0, v5;
	v5 =	vld [tilespmem:$0x13E30]  }
0x10c: {  	[tilespmem:$0x13D10] =	vst v3;
	v3 =	vadd.s32 v1, v6  }
0x10d: {  	[tilespmem:$0x13E10] =	vst v3;
	v3 =	vadd.s32 v0, v7  }
0x10e: {  	[tilespmem:$0x13D20] =	vst v3;
	v3 =	vadd.s32 v1, v8  }
0x10f: {  	[tilespmem:$0x13E20] =	vst v3;
	v3 =	vadd.s32 v0, v4  }
0x110: {  	[tilespmem:$0x13D30] =	vst v3;
	v3 =	vadd.s32 v1, v5  }
0x111: {  	[tilespmem:$0x13E30] =	vst v3  }
0x112: {  	[tilespmem:s17], [sflag:$0x6] =	stream.indirect.gather [hbm4b:s1+s7], $0x80, s8, s7, $0xb8;
	[tilespmem:$0x1FF00] =	vst v63  }
0x113: {  	_ = 	snop  }
0x114: {  	[tilespmem:s21], [sflag:$0x6] =	stream.indirect.gather [hbm4b:s5+s7], $0x80, s20, s7, $0xb8;
	[tilespmem:$0x1FF00] =	vst v63  }
0x115: {  	_ =	swait.ge [sflag:s22], $0x2000  }
0x116: {  	[sflag:s22] =	ssyncset.done $0x0  }
0x117: {  	[sflag:s22] =	ssyncadd.s32 $0xFFFFE000  }
0x118: {  	_ =	swait.ge [sflag:s22], $0x2000  }
0x119: {  	[sflag:s22] =	ssyncset.done $0x0  }
0x11a: {  	s6 =	simm.s32 $0x15F80;
	[sflag:s22] =	ssyncadd.s32 $0xFFFFE000  }
0x11b: {  	s0 =	simm.s32 $0x1BF80;
	v3 =	vld [tilespmem:s6+$0xFFFFFF80]  }
0x11c: {  	v4 =	vld [tilespmem:s0+$0xFFFFFF80];
	_ =	sdelay $0x4  }
0x11d: {  	v3 =	vmul.f32 v4, v3;
	_ =	sdelay $0x1  }
0x11e: {  	[tilespmem:s6+$0xFFFFFF80] =	vst v3;
	v3 =	vld [tilespmem:s6+$0xFFFFFF90]  }
0x11f: {  	v4 =	vld [tilespmem:s0+$0xFFFFFF90];
	_ =	sdelay $0x4  }
0x120: {  	v3 =	vmul.f32 v4, v3;
	_ =	sdelay $0x1  }
0x121: {  	[tilespmem:s6+$0xFFFFFF90] =	vst v3;
	v3 =	vld [tilespmem:s6+$0xFFFFFFA0]  }
0x122: {  	v4 =	vld [tilespmem:s0+$0xFFFFFFA0];
	_ =	sdelay $0x4  }
0x123: {  	v3 =	vmul.f32 v4, v3;
	_ =	sdelay $0x1  }
0x124: {  	[tilespmem:s6+$0xFFFFFFA0] =	vst v3;
	v3 =	vld [tilespmem:s6+$0xFFFFFFB0]  }
0x125: {  	v4 =	vld [tilespmem:s0+$0xFFFFFFB0];
	_ =	sdelay $0x4  }
0x126: {  	v3 =	vmul.f32 v4, v3;
	_ =	sdelay $0x1  }
0x127: {  	[tilespmem:s6+$0xFFFFFFB0] =	vst v3;
	v3 =	vld [tilespmem:s6+$0xFFFFFFC0]  }
0x128: {  	v4 =	vld [tilespmem:s0+$0xFFFFFFC0];
	_ =	sdelay $0x4  }
0x129: {  	v3 =	vmul.f32 v4, v3;
	_ =	sdelay $0x1  }
0x12a: {  	[tilespmem:s6+$0xFFFFFFC0] =	vst v3;
	v3 =	vld [tilespmem:s6+$0xFFFFFFD0]  }
0x12b: {  	v4 =	vld [tilespmem:s0+$0xFFFFFFD0];
	_ =	sdelay $0x4  }
0x12c: {  	v3 =	vmul.f32 v4, v3;
	_ =	sdelay $0x1  }
0x12d: {  	[tilespmem:s6+$0xFFFFFFD0] =	vst v3;
	v3 =	vld [tilespmem:s6+$0xFFFFFFE0]  }
0x12e: {  	v4 =	vld [tilespmem:s0+$0xFFFFFFE0];
	_ =	sdelay $0x4  }
0x12f: {  	v3 =	vmul.f32 v4, v3;
	_ =	sdelay $0x1  }
0x130: {  	[tilespmem:s6+$0xFFFFFFE0] =	vst v3;
	v3 =	vld [tilespmem:s6+$0xFFFFFFF0]  }
0x131: {  	v4 =	vld [tilespmem:s0+$0xFFFFFFF0];
	_ =	sdelay $0x4  }
0x132: {  	v3 =	vmul.f32 v4, v3;
	_ =	sdelay $0x1  }
0x133: {  	[tilespmem:s6+$0xFFFFFFF0] =	vst v3;
	v3 =	vld [tilespmem:s6+$0x0]  }
0x134: {  	v4 =	vld [tilespmem:s0+$0x0];
	_ =	sdelay $0x4  }
0x135: {  	v3 =	vmul.f32 v4, v3;
	_ =	sdelay $0x1  }
0x136: {  	[tilespmem:s6+$0x0] =	vst v3;
	v3 =	vld [tilespmem:s6+$0x10]  }
0x137: {  	v4 =	vld [tilespmem:s0+$0x10];
	_ =	sdelay $0x4  }
0x138: {  	v3 =	vmul.f32 v4, v3;
	_ =	sdelay $0x1  }
0x139: {  	[tilespmem:s6+$0x10] =	vst v3;
	v3 =	vld [tilespmem:s6+$0x20]  }
0x13a: {  	v4 =	vld [tilespmem:s0+$0x20];
	_ =	sdelay $0x4  }
0x13b: {  	v3 =	vmul.f32 v4, v3;
	_ =	sdelay $0x1  }
0x13c: {  	[tilespmem:s6+$0x20] =	vst v3;
	v3 =	vld [tilespmem:s6+$0x30]  }
0x13d: {  	v4 =	vld [tilespmem:s0+$0x30];
	_ =	sdelay $0x4  }
0x13e: {  	v3 =	vmul.f32 v4, v3;
	_ =	sdelay $0x1  }
0x13f: {  	[tilespmem:s6+$0x30] =	vst v3;
	v3 =	vld [tilespmem:s6+$0x40]  }
0x140: {  	v4 =	vld [tilespmem:s0+$0x40];
	_ =	sdelay $0x4  }
0x141: {  	v3 =	vmul.f32 v4, v3;
	_ =	sdelay $0x1  }
0x142: {  	[tilespmem:s6+$0x40] =	vst v3;
	v3 =	vld [tilespmem:s6+$0x50]  }
0x143: {  	v4 =	vld [tilespmem:s0+$0x50];
	_ =	sdelay $0x4  }
0x144: {  	v3 =	vmul.f32 v4, v3;
	_ =	sdelay $0x1  }
0x145: {  	[tilespmem:s6+$0x50] =	vst v3;
	v3 =	vld [tilespmem:s6+$0x60]  }
0x146: {  	v4 =	vld [tilespmem:s0+$0x60];
	_ =	sdelay $0x4  }
0x147: {  	v3 =	vmul.f32 v4, v3;
	_ =	sdelay $0x1  }
0x148: {  	[tilespmem:s6+$0x60] =	vst v3;
	v3 =	vld [tilespmem:s6+$0x70]  }
0x149: {  	v4 =	vld [tilespmem:s0+$0x70];
	_ =	sdelay $0x4  }
0x14a: {  	v3 =	vmul.f32 v4, v3  }
0x14b: {  	s11 =	simm.s32 $0x16080;
	s3 =	simm.s32 $0x0  }
.LBB2_7:
0x14c: {  	v4 =	vld [tilespmem:s11+$0xFFFFFF80];
	[tilespmem:s6+$0x70] =	vst v3;
	s0 =	sadd.s32 $0x100, s0;
	s6 =	smov.u32 s11  }
0x14d: {  	s3 =	sadd.s32 $0x2, s3;
	v3 =	vld [tilespmem:s0+$0xFFFFFF80]  }
0x14e: {  	p2 =	slt.u32 s3, $0x3E;
	_ =	sdelay $0x3  }
0x14f: {  	v3 =	vmul.f32 v3, v4;
	_ =	sdelay $0x1  }
0x150: {  	[tilespmem:s11+$0xFFFFFF80] =	vst v3;
	v3 =	vld [tilespmem:s11+$0xFFFFFF90]  }
0x151: {  	v4 =	vld [tilespmem:s0+$0xFFFFFF90];
	_ =	sdelay $0x4  }
0x152: {  	v3 =	vmul.f32 v4, v3;
	_ =	sdelay $0x1  }
0x153: {  	[tilespmem:s11+$0xFFFFFF90] =	vst v3;
	v3 =	vld [tilespmem:s11+$0xFFFFFFA0]  }
0x154: {  	v4 =	vld [tilespmem:s0+$0xFFFFFFA0];
	_ =	sdelay $0x4  }
0x155: {  	v3 =	vmul.f32 v4, v3;
	_ =	sdelay $0x1  }
0x156: {  	[tilespmem:s11+$0xFFFFFFA0] =	vst v3;
	v3 =	vld [tilespmem:s11+$0xFFFFFFB0]  }
0x157: {  	v4 =	vld [tilespmem:s0+$0xFFFFFFB0];
	_ =	sdelay $0x4  }
0x158: {  	v3 =	vmul.f32 v4, v3;
	_ =	sdelay $0x1  }
0x159: {  	[tilespmem:s11+$0xFFFFFFB0] =	vst v3;
	v3 =	vld [tilespmem:s11+$0xFFFFFFC0]  }
0x15a: {  	v4 =	vld [tilespmem:s0+$0xFFFFFFC0];
	_ =	sdelay $0x4  }
0x15b: {  	v3 =	vmul.f32 v4, v3;
	_ =	sdelay $0x1  }
0x15c: {  	[tilespmem:s11+$0xFFFFFFC0] =	vst v3;
	v3 =	vld [tilespmem:s11+$0xFFFFFFD0]  }
0x15d: {  	v4 =	vld [tilespmem:s0+$0xFFFFFFD0];
	_ =	sdelay $0x4  }
0x15e: {  	v3 =	vmul.f32 v4, v3;
	_ =	sdelay $0x1  }
0x15f: {  	[tilespmem:s11+$0xFFFFFFD0] =	vst v3;
	v3 =	vld [tilespmem:s11+$0xFFFFFFE0]  }
0x160: {  	v4 =	vld [tilespmem:s0+$0xFFFFFFE0];
	_ =	sdelay $0x4  }
0x161: {  	v3 =	vmul.f32 v4, v3;
	_ =	sdelay $0x1  }
0x162: {  	[tilespmem:s11+$0xFFFFFFE0] =	vst v3;
	v3 =	vld [tilespmem:s11+$0xFFFFFFF0]  }
0x163: {  	v4 =	vld [tilespmem:s0+$0xFFFFFFF0];
	_ =	sdelay $0x4  }
0x164: {  	v3 =	vmul.f32 v4, v3;
	_ =	sdelay $0x1  }
0x165: {  	[tilespmem:s11+$0xFFFFFFF0] =	vst v3;
	v3 =	vld [tilespmem:s11+$0x0]  }
0x166: {  	v4 =	vld [tilespmem:s0+$0x0];
	_ =	sdelay $0x4  }
0x167: {  	v3 =	vmul.f32 v4, v3;
	_ =	sdelay $0x1  }
0x168: {  	[tilespmem:s11+$0x0] =	vst v3;
	v3 =	vld [tilespmem:s11+$0x10]  }
0x169: {  	v4 =	vld [tilespmem:s0+$0x10];
	_ =	sdelay $0x4  }
0x16a: {  	v3 =	vmul.f32 v4, v3;
	_ =	sdelay $0x1  }
0x16b: {  	[tilespmem:s11+$0x10] =	vst v3;
	v3 =	vld [tilespmem:s11+$0x20]  }
0x16c: {  	v4 =	vld [tilespmem:s0+$0x20];
	_ =	sdelay $0x4  }
0x16d: {  	v3 =	vmul.f32 v4, v3;
	_ =	sdelay $0x1  }
0x16e: {  	[tilespmem:s11+$0x20] =	vst v3;
	v3 =	vld [tilespmem:s11+$0x30]  }
0x16f: {  	v4 =	vld [tilespmem:s0+$0x30];
	_ =	sdelay $0x4  }
0x170: {  	v3 =	vmul.f32 v4, v3;
	_ =	sdelay $0x1  }
0x171: {  	[tilespmem:s11+$0x30] =	vst v3;
	v3 =	vld [tilespmem:s11+$0x40]  }
0x172: {  	v4 =	vld [tilespmem:s0+$0x40];
	_ =	sdelay $0x4  }
0x173: {  	v3 =	vmul.f32 v4, v3;
	_ =	sdelay $0x1  }
0x174: {  	[tilespmem:s11+$0x40] =	vst v3;
	v3 =	vld [tilespmem:s11+$0x50]  }
0x175: {  	v4 =	vld [tilespmem:s0+$0x50];
	_ =	sdelay $0x4  }
0x176: {  	v3 =	vmul.f32 v4, v3;
	_ =	sdelay $0x1  }
0x177: {  	[tilespmem:s11+$0x50] =	vst v3;
	v3 =	vld [tilespmem:s11+$0x60]  }
0x178: {  	v4 =	vld [tilespmem:s0+$0x60];
	_ =	sdelay $0x4  }
0x179: {  	v3 =	vmul.f32 v4, v3;
	_ =	sdelay $0x1  }
0x17a: {  	[tilespmem:s11+$0x60] =	vst v3;
	v3 =	vld [tilespmem:s11+$0x70]  }
0x17b: {  	v4 =	vld [tilespmem:s0+$0x70];
	_ =	sdelay $0x1  }
.Ltmp2:
0x17c: {  	(pc) =	sbr.rel @p2 .LBB2_7-.Ltmp2, $3  }
0x17d: {  	_ =	sdelay $0x1  }
0x17e: {  	v3 =	vmul.f32 v4, v3  }
0x17f: {  	s11 =	sadd.s32 $0x100, s11  }
0x180: {  	[tilespmem:s6+$0x70] =	vst v3;
	s0 =	simm.s32 @!p1 $0x8  }
0x181: {  	[spmem:s2] =	stream.indirect.scatter.add.f32 [tilespmem:s10], [sflag:$0x8], $0x80, s23, s7, $0xb8;
	[tilespmem:$0x1FF00] =	vst v63  }
0x182: {  	_ =	swait.ge @!p1 [sflag:s0], $0x2000  }
0x183: {  	s3 =	sadd.s32 @!p1 s13, s19;
	[sflag:s0] =	ssyncset.done @!p1 $0x0  }
0x184: {  	[sflag:s0] =	ssyncadd.s32 @!p1 $0xFFFFE000;
	s0 =	sshll.u32 @!p1 s3, $0x6  }
0x185: {  	s6 =	simm.s32 @!p1 $0x13B00;
	s3 =	simm.s32 @!p1 $0x0;
	s0 =	sadd.s32 @!p1 s4, s0  }
0x186: {  	[tilespmem:s6], [sflag:$0x2] =	stream.linear.gather @!p1 [hbm4b:s0+s3], $0x180, $0x38;
	[tilespmem:$0x1FF00] =	vst v63  }
0x187: {  	s0 =	simm.s32 @!p1 $0x1  }
0x188: {  	_ =	swait.ge @!p1 [sflag:s0], $0x180  }
0x189: {  	[sflag:s0] =	ssyncset.done @!p1 $0x0  }
0x18a: {  	[sflag:s0] =	ssyncadd.s32 @!p1 $0xFFFFFE80  }
0x18b: {  	v3 =	vld @!p1 [tilespmem:$0x13900]  }
0x18c: {  	v4 =	vld @!p1 [tilespmem:$0x13A00]  }
0x18d: {  	v5 =	vld @!p1 [tilespmem:$0x13910]  }
0x18e: {  	v6 =	vld @!p1 [tilespmem:$0x13A10]  }
0x18f: {  	v7 =	vld @!p1 [tilespmem:$0x13920]  }
0x190: {  	v8 =	vld @!p1 [tilespmem:$0x13A20];
	v3 =	vadd.s32 @!p1 v0, v3  }
0x191: {  	[tilespmem:$0x13900] =	vst @!p1 v3;
	v3 =	vadd.s32 @!p1 v1, v4;
	v4 =	vld @!p1 [tilespmem:$0x13930]  }
0x192: {  	[tilespmem:$0x13A00] =	vst @!p1 v3;
	v3 =	vadd.s32 @!p1 v0, v5;
	v5 =	vld @!p1 [tilespmem:$0x13A30]  }
0x193: {  	[tilespmem:$0x13910] =	vst @!p1 v3;
	v3 =	vadd.s32 @!p1 v1, v6  }
0x194: {  	[tilespmem:$0x13A10] =	vst @!p1 v3;
	v3 =	vadd.s32 @!p1 v0, v7  }
0x195: {  	[tilespmem:$0x13920] =	vst @!p1 v3;
	v3 =	vadd.s32 @!p1 v1, v8  }
0x196: {  	[tilespmem:$0x13A20] =	vst @!p1 v3;
	v3 =	vadd.s32 @!p1 v0, v4  }
0x197: {  	[tilespmem:$0x13930] =	vst @!p1 v3;
	v3 =	vadd.s32 @!p1 v1, v5  }
0x198: {  	s3 =	simm.s32 @!p1 $0x13900;
	s6 =	simm.s32 @!p1 $0x13F00;
	s0 =	simm.s32 @!p1 $0x40;
	[tilespmem:$0x13A30] =	vst @!p1 v3  }
0x199: {  	[tilespmem:s6], [sflag:$0x4] =	stream.indirect.gather @!p1 [hbm4b:s1+s0], $0x80, s3, s0, $0xb8;
	[tilespmem:$0x1FF00] =	vst v63  }
0x19a: {  	s3 =	simm.s32 @!p1 $0x13A00;
	s6 =	simm.s32 @!p1 $0x19F00  }
0x19b: {  	[tilespmem:s6], [sflag:$0x4] =	stream.indirect.gather @!p1 [hbm4b:s5+s0], $0x80, s3, s0, $0xb8;
	[tilespmem:$0x1FF00] =	vst v63  }
0x19c: {  	_ =	swait.ge [sflag:s24], $0x2000  }
0x19d: {  	[sflag:s24] =	ssyncset.done $0x0  }
0x19e: {  	[sflag:s24] =	ssyncadd.s32 $0xFFFFE000  }
0x19f: {  	_ =	swait.ge [sflag:s24], $0x2000  }
0x1a0: {  	[sflag:s24] =	ssyncset.done $0x0  }
0x1a1: {  	s6 =	simm.s32 $0x17F80;
	[sflag:s24] =	ssyncadd.s32 $0xFFFFE000  }
0x1a2: {  	s0 =	simm.s32 $0x1DF80;
	v3 =	vld [tilespmem:s6+$0xFFFFFF80]  }
0x1a3: {  	v4 =	vld [tilespmem:s0+$0xFFFFFF80];
	_ =	sdelay $0x4  }
0x1a4: {  	v3 =	vmul.f32 v4, v3;
	_ =	sdelay $0x1  }
0x1a5: {  	[tilespmem:s6+$0xFFFFFF80] =	vst v3;
	v3 =	vld [tilespmem:s6+$0xFFFFFF90]  }
0x1a6: {  	v4 =	vld [tilespmem:s0+$0xFFFFFF90];
	_ =	sdelay $0x4  }
0x1a7: {  	v3 =	vmul.f32 v4, v3;
	_ =	sdelay $0x1  }
0x1a8: {  	[tilespmem:s6+$0xFFFFFF90] =	vst v3;
	v3 =	vld [tilespmem:s6+$0xFFFFFFA0]  }
0x1a9: {  	v4 =	vld [tilespmem:s0+$0xFFFFFFA0];
	_ =	sdelay $0x4  }
0x1aa: {  	v3 =	vmul.f32 v4, v3;
	_ =	sdelay $0x1  }
0x1ab: {  	[tilespmem:s6+$0xFFFFFFA0] =	vst v3;
	v3 =	vld [tilespmem:s6+$0xFFFFFFB0]  }
0x1ac: {  	v4 =	vld [tilespmem:s0+$0xFFFFFFB0];
	_ =	sdelay $0x4  }
0x1ad: {  	v3 =	vmul.f32 v4, v3;
	_ =	sdelay $0x1  }
0x1ae: {  	[tilespmem:s6+$0xFFFFFFB0] =	vst v3;
	v3 =	vld [tilespmem:s6+$0xFFFFFFC0]  }
0x1af: {  	v4 =	vld [tilespmem:s0+$0xFFFFFFC0];
	_ =	sdelay $0x4  }
0x1b0: {  	v3 =	vmul.f32 v4, v3;
	_ =	sdelay $0x1  }
0x1b1: {  	[tilespmem:s6+$0xFFFFFFC0] =	vst v3;
	v3 =	vld [tilespmem:s6+$0xFFFFFFD0]  }
0x1b2: {  	v4 =	vld [tilespmem:s0+$0xFFFFFFD0];
	_ =	sdelay $0x4  }
0x1b3: {  	v3 =	vmul.f32 v4, v3;
	_ =	sdelay $0x1  }
0x1b4: {  	[tilespmem:s6+$0xFFFFFFD0] =	vst v3;
	v3 =	vld [tilespmem:s6+$0xFFFFFFE0]  }
0x1b5: {  	v4 =	vld [tilespmem:s0+$0xFFFFFFE0];
	_ =	sdelay $0x4  }
0x1b6: {  	v3 =	vmul.f32 v4, v3;
	_ =	sdelay $0x1  }
0x1b7: {  	[tilespmem:s6+$0xFFFFFFE0] =	vst v3;
	v3 =	vld [tilespmem:s6+$0xFFFFFFF0]  }
0x1b8: {  	v4 =	vld [tilespmem:s0+$0xFFFFFFF0];
	_ =	sdelay $0x4  }
0x1b9: {  	v3 =	vmul.f32 v4, v3;
	_ =	sdelay $0x1  }
0x1ba: {  	[tilespmem:s6+$0xFFFFFFF0] =	vst v3;
	v3 =	vld [tilespmem:s6+$0x0]  }
0x1bb: {  	v4 =	vld [tilespmem:s0+$0x0];
	_ =	sdelay $0x4  }
0x1bc: {  	v3 =	vmul.f32 v4, v3;
	_ =	sdelay $0x1  }
0x1bd: {  	[tilespmem:s6+$0x0] =	vst v3;
	v3 =	vld [tilespmem:s6+$0x10]  }
0x1be: {  	v4 =	vld [tilespmem:s0+$0x10];
	_ =	sdelay $0x4  }
0x1bf: {  	v3 =	vmul.f32 v4, v3;
	_ =	sdelay $0x1  }
0x1c0: {  	[tilespmem:s6+$0x10] =	vst v3;
	v3 =	vld [tilespmem:s6+$0x20]  }
0x1c1: {  	v4 =	vld [tilespmem:s0+$0x20];
	_ =	sdelay $0x4  }
0x1c2: {  	v3 =	vmul.f32 v4, v3;
	_ =	sdelay $0x1  }
0x1c3: {  	[tilespmem:s6+$0x20] =	vst v3;
	v3 =	vld [tilespmem:s6+$0x30]  }
0x1c4: {  	v4 =	vld [tilespmem:s0+$0x30];
	_ =	sdelay $0x4  }
0x1c5: {  	v3 =	vmul.f32 v4, v3;
	_ =	sdelay $0x1  }
0x1c6: {  	[tilespmem:s6+$0x30] =	vst v3;
	v3 =	vld [tilespmem:s6+$0x40]  }
0x1c7: {  	v4 =	vld [tilespmem:s0+$0x40];
	_ =	sdelay $0x4  }
0x1c8: {  	v3 =	vmul.f32 v4, v3;
	_ =	sdelay $0x1  }
0x1c9: {  	[tilespmem:s6+$0x40] =	vst v3;
	v3 =	vld [tilespmem:s6+$0x50]  }
0x1ca: {  	v4 =	vld [tilespmem:s0+$0x50];
	_ =	sdelay $0x4  }
0x1cb: {  	v3 =	vmul.f32 v4, v3;
	_ =	sdelay $0x1  }
0x1cc: {  	[tilespmem:s6+$0x50] =	vst v3;
	v3 =	vld [tilespmem:s6+$0x60]  }
0x1cd: {  	v4 =	vld [tilespmem:s0+$0x60];
	_ =	sdelay $0x4  }
0x1ce: {  	v3 =	vmul.f32 v4, v3;
	_ =	sdelay $0x1  }
0x1cf: {  	[tilespmem:s6+$0x60] =	vst v3;
	v3 =	vld [tilespmem:s6+$0x70]  }
0x1d0: {  	v4 =	vld [tilespmem:s0+$0x70];
	_ =	sdelay $0x4  }
0x1d1: {  	v3 =	vmul.f32 v4, v3  }
0x1d2: {  	s11 =	simm.s32 $0x18080;
	s3 =	simm.s32 $0x0  }
.LBB2_9:
0x1d3: {  	v4 =	vld [tilespmem:s11+$0xFFFFFF80];
	[tilespmem:s6+$0x70] =	vst v3;
	s0 =	sadd.s32 $0x100, s0;
	s6 =	smov.u32 s11  }
0x1d4: {  	s3 =	sadd.s32 $0x2, s3;
	v3 =	vld [tilespmem:s0+$0xFFFFFF80]  }
0x1d5: {  	p1 =	slt.u32 s3, $0x3E;
	_ =	sdelay $0x3  }
0x1d6: {  	v3 =	vmul.f32 v3, v4;
	_ =	sdelay $0x1  }
0x1d7: {  	[tilespmem:s11+$0xFFFFFF80] =	vst v3;
	v3 =	vld [tilespmem:s11+$0xFFFFFF90]  }
0x1d8: {  	v4 =	vld [tilespmem:s0+$0xFFFFFF90];
	_ =	sdelay $0x4  }
0x1d9: {  	v3 =	vmul.f32 v4, v3;
	_ =	sdelay $0x1  }
0x1da: {  	[tilespmem:s11+$0xFFFFFF90] =	vst v3;
	v3 =	vld [tilespmem:s11+$0xFFFFFFA0]  }
0x1db: {  	v4 =	vld [tilespmem:s0+$0xFFFFFFA0];
	_ =	sdelay $0x4  }
0x1dc: {  	v3 =	vmul.f32 v4, v3;
	_ =	sdelay $0x1  }
0x1dd: {  	[tilespmem:s11+$0xFFFFFFA0] =	vst v3;
	v3 =	vld [tilespmem:s11+$0xFFFFFFB0]  }
0x1de: {  	v4 =	vld [tilespmem:s0+$0xFFFFFFB0];
	_ =	sdelay $0x4  }
0x1df: {  	v3 =	vmul.f32 v4, v3;
	_ =	sdelay $0x1  }
0x1e0: {  	[tilespmem:s11+$0xFFFFFFB0] =	vst v3;
	v3 =	vld [tilespmem:s11+$0xFFFFFFC0]  }
0x1e1: {  	v4 =	vld [tilespmem:s0+$0xFFFFFFC0];
	_ =	sdelay $0x4  }
0x1e2: {  	v3 =	vmul.f32 v4, v3;
	_ =	sdelay $0x1  }
0x1e3: {  	[tilespmem:s11+$0xFFFFFFC0] =	vst v3;
	v3 =	vld [tilespmem:s11+$0xFFFFFFD0]  }
0x1e4: {  	v4 =	vld [tilespmem:s0+$0xFFFFFFD0];
	_ =	sdelay $0x4  }
0x1e5: {  	v3 =	vmul.f32 v4, v3;
	_ =	sdelay $0x1  }
0x1e6: {  	[tilespmem:s11+$0xFFFFFFD0] =	vst v3;
	v3 =	vld [tilespmem:s11+$0xFFFFFFE0]  }
0x1e7: {  	v4 =	vld [tilespmem:s0+$0xFFFFFFE0];
	_ =	sdelay $0x4  }
0x1e8: {  	v3 =	vmul.f32 v4, v3;
	_ =	sdelay $0x1  }
0x1e9: {  	[tilespmem:s11+$0xFFFFFFE0] =	vst v3;
	v3 =	vld [tilespmem:s11+$0xFFFFFFF0]  }
0x1ea: {  	v4 =	vld [tilespmem:s0+$0xFFFFFFF0];
	_ =	sdelay $0x4  }
0x1eb: {  	v3 =	vmul.f32 v4, v3;
	_ =	sdelay $0x1  }
0x1ec: {  	[tilespmem:s11+$0xFFFFFFF0] =	vst v3;
	v3 =	vld [tilespmem:s11+$0x0]  }
0x1ed: {  	v4 =	vld [tilespmem:s0+$0x0];
	_ =	sdelay $0x4  }
0x1ee: {  	v3 =	vmul.f32 v4, v3;
	_ =	sdelay $0x1  }
0x1ef: {  	[tilespmem:s11+$0x0] =	vst v3;
	v3 =	vld [tilespmem:s11+$0x10]  }
0x1f0: {  	v4 =	vld [tilespmem:s0+$0x10];
	_ =	sdelay $0x4  }
0x1f1: {  	v3 =	vmul.f32 v4, v3;
	_ =	sdelay $0x1  }
0x1f2: {  	[tilespmem:s11+$0x10] =	vst v3;
	v3 =	vld [tilespmem:s11+$0x20]  }
0x1f3: {  	v4 =	vld [tilespmem:s0+$0x20];
	_ =	sdelay $0x4  }
0x1f4: {  	v3 =	vmul.f32 v4, v3;
	_ =	sdelay $0x1  }
0x1f5: {  	[tilespmem:s11+$0x20] =	vst v3;
	v3 =	vld [tilespmem:s11+$0x30]  }
0x1f6: {  	v4 =	vld [tilespmem:s0+$0x30];
	_ =	sdelay $0x4  }
0x1f7: {  	v3 =	vmul.f32 v4, v3;
	_ =	sdelay $0x1  }
0x1f8: {  	[tilespmem:s11+$0x30] =	vst v3;
	v3 =	vld [tilespmem:s11+$0x40]  }
0x1f9: {  	v4 =	vld [tilespmem:s0+$0x40];
	_ =	sdelay $0x4  }
0x1fa: {  	v3 =	vmul.f32 v4, v3;
	_ =	sdelay $0x1  }
0x1fb: {  	[tilespmem:s11+$0x40] =	vst v3;
	v3 =	vld [tilespmem:s11+$0x50]  }
0x1fc: {  	v4 =	vld [tilespmem:s0+$0x50];
	_ =	sdelay $0x4  }
0x1fd: {  	v3 =	vmul.f32 v4, v3;
	_ =	sdelay $0x1  }
0x1fe: {  	[tilespmem:s11+$0x50] =	vst v3;
	v3 =	vld [tilespmem:s11+$0x60]  }
0x1ff: {  	v4 =	vld [tilespmem:s0+$0x60];
	_ =	sdelay $0x4  }
0x200: {  	v3 =	vmul.f32 v4, v3;
	_ =	sdelay $0x1  }
0x201: {  	[tilespmem:s11+$0x60] =	vst v3;
	v3 =	vld [tilespmem:s11+$0x70]  }
0x202: {  	v4 =	vld [tilespmem:s0+$0x70];
	_ =	sdelay $0x1  }
.Ltmp3:
0x203: {  	(pc) =	sbr.rel @p1 .LBB2_9-.Ltmp3, $3  }
0x204: {  	_ =	sdelay $0x1  }
0x205: {  	v3 =	vmul.f32 v4, v3  }
0x206: {  	s11 =	sadd.s32 $0x100, s11  }
0x207: {  	s26 =	sadd.s32 $0x1, s26  }
0x208: {  	p1 =	sne.s32 s26, $0x69  }
.Ltmp4:
0x209: {  	_ = 	snop;
	(pc) =	sbr.rel @p1 .LBB2_4-.Ltmp4, $3  }
0x20a: {  	_ =	sdelay $0x1  }
0x20b: {  	[tilespmem:s6+$0x70] =	vst v3  }
0x20c: {  	[spmem:s2] =	stream.indirect.scatter.add.f32 [tilespmem:s17], [sflag:$0x9], $0x80, s25, s7, $0xb8;
	[tilespmem:$0x1FF00] =	vst v63  }
0x20d: {  	s0 =	simm.s32 $0x7  }
0x20e: {  	_ =	swait.ge [sflag:s0], $0x2000  }
0x20f: {  	[sflag:s0] =	ssyncset.done $0x0  }
0x210: {  	s3 =	simm.s32 $0x8;
	[sflag:s0] =	ssyncadd.s32 $0xFFFFE000  }
0x211: {  	_ =	swait.ge [sflag:s3], $0x2000  }
0x212: {  	[sflag:s3] =	ssyncset.done $0x0  }
0x213: {  	s6 =	simm.s32 $0x9;
	[sflag:s3] =	ssyncadd.s32 $0xFFFFE000  }
0x214: {  	_ =	swait.ge [sflag:s6], $0x2000  }
0x215: {  	[sflag:s6] =	ssyncset.done $0x0  }
0x216: {  	[sflag:s6] =	ssyncadd.s32 $0xFFFFE000  }
0x217: {  	[bflag:$0x0] =	sbarrier.arrive $0xFFFF  }
0x218: {  	s11 =	rddreg [dreg:$0xb]  }
0x219: {  	s3 =	rddreg [dreg:$0xe]  }
0x21a: {  	s6 =	rddreg [dreg:$0x11];
	s0 =	sor.u32 $0x1C0A, s11  }
0x21b: {  	[hbm:s3], [sflag:s0] =	dma.local [spmem:s6], $0x2700  }
0x21c: {  	_ =	swait.ge [sflag:s29], $0x2700  }
0x21d: {  	[sflag:s29] =	ssyncset.done $0x0;
	s3 =	rddreg [dreg:$0xf]  }
0x21e: {  	s6 =	rddreg [dreg:$0x12];
	[sflag:s29] =	ssyncadd.s32 $0xFFFFD900  }
0x21f: {  	[hbm:s3], [sflag:s0] =	dma.local @!p0 [spmem:s6], $0x100  }
0x220: {  	s0 =	simm.s32 @!p0 $0xA  }
0x221: {  	_ =	swait.ge @!p0 [sflag:s0], $0x100  }
0x222: {  	s13 =	rddreg [dreg:$0x16]  }
0x223: {  	s26 =	rddreg [dreg:$0x10];
	s6 =	sadd.s32 $0x1, s13  }
0x224: {  	p1 =	sne.s32 s6, s26  }
.Ltmp5:
0x225: {  	_ = 	snop;
	(pc) =	sbr.rel @p1 .LBB2_1-.Ltmp5, $3  }
0x226: {  	_ =	sdelay $0x1  }
0x227: {  	[sflag:s0] =	ssyncset.done @!p0 $0x0  }
0x228: {  	[sflag:s0] =	ssyncadd.s32 @!p0 $0xFFFFFF00  }
0x229: {  	_ =	sfence.sel $0x180000  }
0x22a: {  	[bflag:$0x0] =	sbarrier.arrive $0xFFFF  }
0x22b: {  	_ =	strace $0x90000047  }
0x22c: {  	[bflag:$0x2] =	sbarrier.arrive $0xFFFF  }
0x22d: {  	s0 =	rddreg [dreg:$0x3]  }
0x22e: {  	s0 =	sadd.s32 @!p0 $0x100000, s0  }
0x22f: {  	[sflag:s0] =	ssyncadd.tile.s32 @!p0 $0x1;
	_ =	shalt  }
.Lfunc_end2:
_tile_overlayer_lowered:
.L_overlay_start_2:
0x230: {  	(tag) =	ssettag $0x2  }
0x231: {  	s0 =	rddreg [dreg:$0x0];
	s2 =	stileid.u32  }
0x232: {  	s1 =	rddreg [dreg:$0x1];
	p0 =	sne.s32 s2, $0x0  }
0x233: {  	s3 =	rddreg [dreg:$0x2];
	[bflag:$0x3] =	sbarrier.arrive $0xFFFF;
	s2 =	simm.s32 @!p0 $0x1C0A  }
0x234: {  	[timem:s3], [sflag:s2] =	dma.local @!p0 [hbm:s0], s1  }
0x235: {  	s0 =	simm.s32 @!p0 $0xA  }
0x236: {  	_ =	swait.ge @!p0 [sflag:s0], s1  }
0x237: {  	s1 =	ssub.s32 @!p0 $0x0, s1;
	[sflag:s0] =	ssyncset.done @!p0 $0x0  }
0x238: {  	[sflag:s0] =	ssyncadd.s32 @!p0 s1  }
0x239: {  	[bflag:$0x3] =	sbarrier.arrive $0xFFFF  }
0x23a: {  	_ =	shalt  }

</sc_bundles>
